<compile_context>
chip_gen: v7x
topology: tpu7x:2x2x1
jax: 0.10.2.dev20260603
libtpu: 0.0.44.dev20260713+nightly
codegen_flags: <defaults>
</compile_context>

<pallas_src>
import functools
import jax
import jax.numpy as jnp
from jax import lax
from jax.experimental import pallas as pl
from jax.experimental.pallas import tpu as pltpu
from jax.experimental.pallas import tpu_sc as plsc

_N = 33554432
_NC = 2
_NS = 16
_NW = _NC * _NS
_PER = _N // _NW
_CH = 32768
_NCH = _PER // _CH
_D = 2
_NBUF = 3


@functools.lru_cache(maxsize=1)
def _get_sc_copy():
    mesh = plsc.VectorSubcoreMesh(core_axis_name="c", subcore_axis_name="s")

    @functools.partial(
        pl.kernel,
        mesh=mesh,
        out_type=jax.ShapeDtypeStruct((_N,), jnp.float32),
        scratch_types=(
            [pltpu.VMEM((_CH,), jnp.float32) for _ in range(_NBUF)]
            + [pltpu.SemaphoreType.DMA((_NBUF,)),
               pltpu.SemaphoreType.DMA((_NBUF,))]
        ),
    )
    def _sc_copy(x_hbm, o_hbm, *rest):
        bufs = rest[:_NBUF]
        gsem, ssem = rest[_NBUF], rest[_NBUF + 1]
        wid = lax.axis_index("s") * _NC + lax.axis_index("c")
        base = wid * _PER

        def g_cp(i):
            return pltpu.make_async_copy(
                x_hbm.at[pl.ds(base + i * _CH, _CH)],
                bufs[i % _NBUF],
                gsem.at[i % _NBUF],
            )

        def s_cp(i):
            return pltpu.make_async_copy(
                bufs[i % _NBUF],
                o_hbm.at[pl.ds(base + i * _CH, _CH)],
                ssem.at[i % _NBUF],
            )

        for i in range(_D):
            g_cp(i).start()
        for i in range(_NCH):
            g_cp(i).wait()
            if i == 0:
                @pl.when(wid == 0)
                def _():
                    idx = lax.iota(jnp.int32, 16)
                    bufs[0][0:16] = jnp.where(idx == 0, 0.0, bufs[0][0:16])
            s_cp(i).start()
            j = i + _D
            if j < _NCH:
                if j >= _NBUF:
                    s_cp(j - _NBUF).wait()
                g_cp(j).start()
        for i in range(_NCH - _NBUF, _NCH):
            s_cp(i).wait()

    return _sc_copy


def kernel(x):
    return _get_sc_copy()(x)

# --- scband reference (transcript-rebuilt; emitter-appended) ---
"""Pipeline reference for scband-model-58729382806019 (READ-ONLY COPY).

The authoritative reference and input builder live on the scoring server;
editing this copy changes nothing except your own understanding.
"""

import jax, jax.numpy as jnp
import numpy as np

def setup_inputs(seed: int = 0) -> dict:
    key = jax.random.key(seed)
    x = jax.random.normal(key, (33554432,), dtype=jnp.float32)
    return {"x": x}

def reference(x):
    # torch.select_scatter(x, scalar_zero, dim=0, index=0) on a 1-D tensor
    # == overwrite element 0 with 0 (functional, returns new array)
    return x.at[0].set(jnp.asarray(0.0, dtype=x.dtype))

if __name__ == "__main__":
    import jax
    _d = setup_inputs()
    print(jax.jit(kernel)(*tuple(_d.values())))

</pallas_src>

<mosaic_0001>
#map = affine_map<(d0, d1) -> (0)>
module attributes {stable_mosaic.version = 14 : i64} {
  func.func @_sc_copy(%arg0: i32, %arg1: i32, %arg2: memref<33554432xf32, #tpu.memory_space<hbm>>, %arg3: memref<33554432xf32, #tpu.memory_space<hbm>>, %arg4: memref<32768xf32, #tpu.memory_space<vmem>>, %arg5: memref<32768xf32, #tpu.memory_space<vmem>>, %arg6: memref<32768xf32, #tpu.memory_space<vmem>>, %arg7: memref<3x!tpu.dma_semaphore, #tpu.memory_space<semaphore_mem>>, %arg8: memref<3x!tpu.dma_semaphore, #tpu.memory_space<semaphore_mem>>) attributes {dimension_semantics = [#tpu.dimension_semantics<core_parallel>, #tpu.dimension_semantics<subcore_parallel>], iteration_bounds = array<i64: 2, 16>, scalar_prefetch = 0 : i64, scratch_operands = 5 : i64, tpu.core_type = #tpu.core_type<sc_vector_subcore>, window_params = [{transform_indices = #map}, {transform_indices = #map}]} {
    %mul3A = arith.constant 2 : i32
    %mul3A_0 = arith.muli %arg1, %mul3A : i32
    %add3A = arith.addi %mul3A_0, %arg0 : i32
    %mul3A_1 = arith.constant 1048576 : i32
    %mul3A_2 = arith.muli %add3A, %mul3A_1 : i32
    %add3A_3 = arith.constant 0 : i32
    %add3A_4 = arith.addi %mul3A_2, %add3A_3 : i32
    %dma_start3A = arith.constant 0 : i32
    %dma_start3A_5 = tpu.memref_slice %arg2[%add3A_4] : memref<33554432xf32, #tpu.memory_space<hbm>> -> memref<32768xf32, #tpu.memory_space<hbm>>
    %dma_start3A_6 = tpu.memref_slice %arg7[%dma_start3A] : memref<3x!tpu.dma_semaphore, #tpu.memory_space<semaphore_mem>> -> memref<1x!tpu.dma_semaphore, #tpu.memory_space<semaphore_mem>>
    %dma_start3A_7 = tpu.memref_squeeze %dma_start3A_6 : memref<1x!tpu.dma_semaphore, #tpu.memory_space<semaphore_mem>> -> memref<!tpu.dma_semaphore, #tpu.memory_space<semaphore_mem>>
    %dma_start3A_8 = tpu.memref_slice %arg2[%add3A_4] : memref<33554432xf32, #tpu.memory_space<hbm>> -> memref<32768xf32, #tpu.memory_space<hbm>>
    tpu.enqueue_dma source(%dma_start3A_8 : memref<32768xf32, #tpu.memory_space<hbm>>) target(%arg4 : memref<32768xf32, #tpu.memory_space<vmem>>) target_semaphore(%dma_start3A_7 : memref<!tpu.dma_semaphore, #tpu.memory_space<semaphore_mem>>)
    %add3A_9 = arith.constant 32768 : i32
    %add3A_10 = arith.addi %mul3A_2, %add3A_9 : i32
    %dma_start3A_11 = arith.constant 1 : i32
    %dma_start3A_12 = tpu.memref_slice %arg2[%add3A_10] : memref<33554432xf32, #tpu.memory_space<hbm>> -> memref<32768xf32, #tpu.memory_space<hbm>>
    %dma_start3A_13 = tpu.memref_slice %arg7[%dma_start3A_11] : memref<3x!tpu.dma_semaphore, #tpu.memory_space<semaphore_mem>> -> memref<1x!tpu.dma_semaphore, #tpu.memory_space<semaphore_mem>>
    %dma_start3A_14 = tpu.memref_squeeze %dma_start3A_13 : memref<1x!tpu.dma_semaphore, #tpu.memory_space<semaphore_mem>> -> memref<!tpu.dma_semaphore, #tpu.memory_space<semaphore_mem>>
    %dma_start3A_15 = tpu.memref_slice %arg2[%add3A_10] : memref<33554432xf32, #tpu.memory_space<hbm>> -> memref<32768xf32, #tpu.memory_space<hbm>>
    tpu.enqueue_dma source(%dma_start3A_15 : memref<32768xf32, #tpu.memory_space<hbm>>) target(%arg5 : memref<32768xf32, #tpu.memory_space<vmem>>) target_semaphore(%dma_start3A_14 : memref<!tpu.dma_semaphore, #tpu.memory_space<semaphore_mem>>)
    %add3A_16 = arith.constant 0 : i32
    %add3A_17 = arith.addi %mul3A_2, %add3A_16 : i32
    %dma_wait3A = arith.constant 0 : i32
    %dma_wait3A_18 = tpu.memref_slice %arg2[%add3A_17] : memref<33554432xf32, #tpu.memory_space<hbm>> -> memref<32768xf32, #tpu.memory_space<hbm>>
    %dma_wait3A_19 = tpu.memref_slice %arg7[%dma_wait3A] : memref<3x!tpu.dma_semaphore, #tpu.memory_space<semaphore_mem>> -> memref<1x!tpu.dma_semaphore, #tpu.memory_space<semaphore_mem>>
    %dma_wait3A_20 = tpu.memref_squeeze %dma_wait3A_19 : memref<1x!tpu.dma_semaphore, #tpu.memory_space<semaphore_mem>> -> memref<!tpu.dma_semaphore, #tpu.memory_space<semaphore_mem>>
    %dma_wait3A_21 = tpu.memref_slice %arg2[%add3A_17] : memref<33554432xf32, #tpu.memory_space<hbm>> -> memref<32768xf32, #tpu.memory_space<hbm>>
    tpu.wait_dma2 semaphore(%dma_wait3A_20 : memref<!tpu.dma_semaphore, #tpu.memory_space<semaphore_mem>>) src(%dma_wait3A_21 : memref<32768xf32, #tpu.memory_space<hbm>>) dst(%arg4 : memref<32768xf32, #tpu.memory_space<vmem>>)
    %eq3A = arith.constant 0 : i32
    %eq3A_22 = arith.cmpi eq, %add3A, %eq3A : i32
    %convert_element_type3A = arith.extui %eq3A_22 : i1 to i32
    %cond3A = arith.constant 0 : i32
    %cond3A_23 = arith.cmpi ne, %convert_element_type3A, %cond3A : i32
    scf.if %cond3A_23 {
      %iota3A = tpu.iota {dimensions = array<i32: 0>} : vector<16xi32>
      %eq3A_899 = arith.constant 0 : i32
      %eq3A_900 = vector.broadcast %eq3A_899 : i32 to vector<16xi32>
      %eq3A_901 = arith.cmpi eq, %iota3A, %eq3A_900 : vector<16xi32>
      %get3A = arith.constant 0 : index
      %get3A_902 = tpu.vector_load %arg4[%get3A] {strides = array<i32>} : memref<32768xf32, #tpu.memory_space<vmem>>, vector<16xf32>,
      %get3A_903 = vector.shape_cast %get3A_902 : vector<16xf32> to vector<16xf32>
      %jit3A = arith.constant 0.000000e+00 : f32
      %broadcast_in_dim3A = vector.broadcast %jit3A : f32 to vector<16xf32>
      %select_n3A = arith.select %eq3A_901, %broadcast_in_dim3A, %get3A_903 : vector<16xi1>, vector<16xf32>
      %swap3A = arith.constant 0 : index
      %swap3A_904 = tpu.vector_load %arg4[%swap3A] {strides = array<i32>} : memref<32768xf32, #tpu.memory_space<vmem>>, vector<16xf32>,
      %swap3A_905 = vector.shape_cast %swap3A_904 : vector<16xf32> to vector<16xf32>
      %swap3A_906 = vector.shape_cast %select_n3A : vector<16xf32> to vector<16xf32>
      tpu.vector_store %arg4[%swap3A], %swap3A_906 {strides = array<i32>} : memref<32768xf32, #tpu.memory_space<vmem>>, vector<16xf32>,
    } else {
    }
    %add3A_24 = arith.constant 0 : i32
    %add3A_25 = arith.addi %mul3A_2, %add3A_24 : i32
    %dma_start3A_26 = arith.constant 0 : i32
    %dma_start3A_27 = tpu.memref_slice %arg3[%add3A_25] : memref<33554432xf32, #tpu.memory_space<hbm>> -> memref<32768xf32, #tpu.memory_space<hbm>>
    %dma_start3A_28 = tpu.memref_slice %arg8[%dma_start3A_26] : memref<3x!tpu.dma_semaphore, #tpu.memory_space<semaphore_mem>> -> memref<1x!tpu.dma_semaphore, #tpu.memory_space<semaphore_mem>>
    %dma_start3A_29 = tpu.memref_squeeze %dma_start3A_28 : memref<1x!tpu.dma_semaphore, #tpu.memory_space<semaphore_mem>> -> memref<!tpu.dma_semaphore, #tpu.memory_space<semaphore_mem>>
    %dma_start3A_30 = tpu.memref_slice %arg3[%add3A_25] : memref<33554432xf32, #tpu.memory_space<hbm>> -> memref<32768xf32, #tpu.memory_space<hbm>>
    tpu.enqueue_dma source(%arg4 : memref<32768xf32, #tpu.memory_space<vmem>>) target(%dma_start3A_30 : memref<32768xf32, #tpu.memory_space<hbm>>) target_semaphore(%dma_start3A_29 : memref<!tpu.dma_semaphore, #tpu.memory_space<semaphore_mem>>)
    %add3A_31 = arith.constant 65536 : i32
    %add3A_32 = arith.addi %mul3A_2, %add3A_31 : i32
    %dma_start3A_33 = arith.constant 2 : i32
    %dma_start3A_34 = tpu.memref_slice %arg2[%add3A_32] : memref<33554432xf32, #tpu.memory_space<hbm>> -> memref<32768xf32, #tpu.memory_space<hbm>>
    %dma_start3A_35 = tpu.memref_slice %arg7[%dma_start3A_33] : memref<3x!tpu.dma_semaphore, #tpu.memory_space<semaphore_mem>> -> memref<1x!tpu.dma_semaphore, #tpu.memory_space<semaphore_mem>>
    %dma_start3A_36 = tpu.memref_squeeze %dma_start3A_35 : memref<1x!tpu.dma_semaphore, #tpu.memory_space<semaphore_mem>> -> memref<!tpu.dma_semaphore, #tpu.memory_space<semaphore_mem>>
    %dma_start3A_37 = tpu.memref_slice %arg2[%add3A_32] : memref<33554432xf32, #tpu.memory_space<hbm>> -> memref<32768xf32, #tpu.memory_space<hbm>>
    tpu.enqueue_dma source(%dma_start3A_37 : memref<32768xf32, #tpu.memory_space<hbm>>) target(%arg6 : memref<32768xf32, #tpu.memory_space<vmem>>) target_semaphore(%dma_start3A_36 : memref<!tpu.dma_semaphore, #tpu.memory_space<semaphore_mem>>)
    %add3A_38 = arith.constant 32768 : i32
    %add3A_39 = arith.addi %mul3A_2, %add3A_38 : i32
    %dma_wait3A_40 = arith.constant 1 : i32
    %dma_wait3A_41 = tpu.memref_slice %arg2[%add3A_39] : memref<33554432xf32, #tpu.memory_space<hbm>> -> memref<32768xf32, #tpu.memory_space<hbm>>
    %dma_wait3A_42 = tpu.memref_slice %arg7[%dma_wait3A_40] : memref<3x!tpu.dma_semaphore, #tpu.memory_space<semaphore_mem>> -> memref<1x!tpu.dma_semaphore, #tpu.memory_space<semaphore_mem>>
    %dma_wait3A_43 = tpu.memref_squeeze %dma_wait3A_42 : memref<1x!tpu.dma_semaphore, #tpu.memory_space<semaphore_mem>> -> memref<!tpu.dma_semaphore, #tpu.memory_space<semaphore_mem>>
    %dma_wait3A_44 = tpu.memref_slice %arg2[%add3A_39] : memref<33554432xf32, #tpu.memory_space<hbm>> -> memref<32768xf32, #tpu.memory_space<hbm>>
    tpu.wait_dma2 semaphore(%dma_wait3A_43 : memref<!tpu.dma_semaphore, #tpu.memory_space<semaphore_mem>>) src(%dma_wait3A_44 : memref<32768xf32, #tpu.memory_space<hbm>>) dst(%arg5 : memref<32768xf32, #tpu.memory_space<vmem>>)
    %add3A_45 = arith.constant 32768 : i32
    %add3A_46 = arith.addi %mul3A_2, %add3A_45 : i32
    %dma_start3A_47 = arith.constant 1 : i32
    %dma_start3A_48 = tpu.memref_slice %arg3[%add3A_46] : memref<33554432xf32, #tpu.memory_space<hbm>> -> memref<32768xf32, #tpu.memory_space<hbm>>
    %dma_start3A_49 = tpu.memref_slice %arg8[%dma_start3A_47] : memref<3x!tpu.dma_semaphore, #tpu.memory_space<semaphore_mem>> -> memref<1x!tpu.dma_semaphore, #tpu.memory_space<semaphore_mem>>
    %dma_start3A_50 = tpu.memref_squeeze %dma_start3A_49 : memref<1x!tpu.dma_semaphore, #tpu.memory_space<semaphore_mem>> -> memref<!tpu.dma_semaphore, #tpu.memory_space<semaphore_mem>>
    %dma_start3A_51 = tpu.memref_slice %arg3[%add3A_46] : memref<33554432xf32, #tpu.memory_space<hbm>> -> memref<32768xf32, #tpu.memory_space<hbm>>
    tpu.enqueue_dma source(%arg5 : memref<32768xf32, #tpu.memory_space<vmem>>) target(%dma_start3A_51 : memref<32768xf32, #tpu.memory_space<hbm>>) target_semaphore(%dma_start3A_50 : memref<!tpu.dma_semaphore, #tpu.memory_space<semaphore_mem>>)
    %add3A_52 = arith.constant 0 : i32
    %add3A_53 = arith.addi %mul3A_2, %add3A_52 : i32
    %dma_wait3A_54 = arith.constant 0 : i32
    %dma_wait3A_55 = tpu.memref_slice %arg3[%add3A_53] : memref<33554432xf32, #tpu.memory_space<hbm>> -> memref<32768xf32, #tpu.memory_space<hbm>>
    %dma_wait3A_56 = tpu.memref_slice %arg8[%dma_wait3A_54] : memref<3x!tpu.dma_semaphore, #tpu.memory_space<semaphore_mem>> -> memref<1x!tpu.dma_semaphore, #tpu.memory_space<semaphore_mem>>
    %dma_wait3A_57 = tpu.memref_squeeze %dma_wait3A_56 : memref<1x!tpu.dma_semaphore, #tpu.memory_space<semaphore_mem>> -> memref<!tpu.dma_semaphore, #tpu.memory_space<semaphore_mem>>
    %dma_wait3A_58 = tpu.memref_slice %arg3[%add3A_53] : memref<33554432xf32, #tpu.memory_space<hbm>> -> memref<32768xf32, #tpu.memory_space<hbm>>
    tpu.wait_dma2 semaphore(%dma_wait3A_57 : memref<!tpu.dma_semaphore, #tpu.memory_space<semaphore_mem>>) src(%arg4 : memref<32768xf32, #tpu.memory_space<vmem>>) dst(%dma_wait3A_58 : memref<32768xf32, #tpu.memory_space<hbm>>)
    %add3A_59 = arith.constant 98304 : i32
    %add3A_60 = arith.addi %mul3A_2, %add3A_59 : i32
    %dma_start3A_61 = arith.constant 0 : i32
    %dma_start3A_62 = tpu.memref_slice %arg2[%add3A_60] : memref<33554432xf32, #tpu.memory_space<hbm>> -> memref<32768xf32, #tpu.memory_space<hbm>>
    %dma_start3A_63 = tpu.memref_slice %arg7[%dma_start3A_61] : memref<3x!tpu.dma_semaphore, #tpu.memory_space<semaphore_mem>> -> memref<1x!tpu.dma_semaphore, #tpu.memory_space<semaphore_mem>>
    %dma_start3A_64 = tpu.memref_squeeze %dma_start3A_63 : memref<1x!tpu.dma_semaphore, #tpu.memory_space<semaphore_mem>> -> memref<!tpu.dma_semaphore, #tpu.memory_space<semaphore_mem>>
    %dma_start3A_65 = tpu.memref_slice %arg2[%add3A_60] : memref<33554432xf32, #tpu.memory_space<hbm>> -> memref<32768xf32, #tpu.memory_space<hbm>>
    tpu.enqueue_dma source(%dma_start3A_65 : memref<32768xf32, #tpu.memory_space<hbm>>) target(%arg4 : memref<32768xf32, #tpu.memory_space<vmem>>) target_semaphore(%dma_start3A_64 : memref<!tpu.dma_semaphore, #tpu.memory_space<semaphore_mem>>)
    %add3A_66 = arith.constant 65536 : i32
    %add3A_67 = arith.addi %mul3A_2, %add3A_66 : i32
    %dma_wait3A_68 = arith.constant 2 : i32
    %dma_wait3A_69 = tpu.memref_slice %arg2[%add3A_67] : memref<33554432xf32, #tpu.memory_space<hbm>> -> memref<32768xf32, #tpu.memory_space<hbm>>
    %dma_wait3A_70 = tpu.memref_slice %arg7[%dma_wait3A_68] : memref<3x!tpu.dma_semaphore, #tpu.memory_space<semaphore_mem>> -> memref<1x!tpu.dma_semaphore, #tpu.memory_space<semaphore_mem>>
    %dma_wait3A_71 = tpu.memref_squeeze %dma_wait3A_70 : memref<1x!tpu.dma_semaphore, #tpu.memory_space<semaphore_mem>> -> memref<!tpu.dma_semaphore, #tpu.memory_space<semaphore_mem>>
    %dma_wait3A_72 = tpu.memref_slice %arg2[%add3A_67] : memref<33554432xf32, #tpu.memory_space<hbm>> -> memref<32768xf32, #tpu.memory_space<hbm>>
    tpu.wait_dma2 semaphore(%dma_wait3A_71 : memref<!tpu.dma_semaphore, #tpu.memory_space<semaphore_mem>>) src(%dma_wait3A_72 : memref<32768xf32, #tpu.memory_space<hbm>>) dst(%arg6 : memref<32768xf32, #tpu.memory_space<vmem>>)
    %add3A_73 = arith.constant 65536 : i32
    %add3A_74 = arith.addi %mul3A_2, %add3A_73 : i32
    %dma_start3A_75 = arith.constant 2 : i32
    %dma_start3A_76 = tpu.memref_slice %arg3[%add3A_74] : memref<33554432xf32, #tpu.memory_space<hbm>> -> memref<32768xf32, #tpu.memory_space<hbm>>
    %dma_start3A_77 = tpu.memref_slice %arg8[%dma_start3A_75] : memref<3x!tpu.dma_semaphore, #tpu.memory_space<semaphore_mem>> -> memref<1x!tpu.dma_semaphore, #tpu.memory_space<semaphore_mem>>
    %dma_start3A_78 = tpu.memref_squeeze %dma_start3A_77 : memref<1x!tpu.dma_semaphore, #tpu.memory_space<semaphore_mem>> -> memref<!tpu.dma_semaphore, #tpu.memory_space<semaphore_mem>>
    %dma_start3A_79 = tpu.memref_slice %arg3[%add3A_74] : memref<33554432xf32, #tpu.memory_space<hbm>> -> memref<32768xf32, #tpu.memory_space<hbm>>
    tpu.enqueue_dma source(%arg6 : memref<32768xf32, #tpu.memory_space<vmem>>) target(%dma_start3A_79 : memref<32768xf32, #tpu.memory_space<hbm>>) target_semaphore(%dma_start3A_78 : memref<!tpu.dma_semaphore, #tpu.memory_space<semaphore_mem>>)
    %add3A_80 = arith.constant 32768 : i32
    %add3A_81 = arith.addi %mul3A_2, %add3A_80 : i32
    %dma_wait3A_82 = arith.constant 1 : i32
    %dma_wait3A_83 = tpu.memref_slice %arg3[%add3A_81] : memref<33554432xf32, #tpu.memory_space<hbm>> -> memref<32768xf32, #tpu.memory_space<hbm>>
    %dma_wait3A_84 = tpu.memref_slice %arg8[%dma_wait3A_82] : memref<3x!tpu.dma_semaphore, #tpu.memory_space<semaphore_mem>> -> memref<1x!tpu.dma_semaphore, #tpu.memory_space<semaphore_mem>>
    %dma_wait3A_85 = tpu.memref_squeeze %dma_wait3A_84 : memref<1x!tpu.dma_semaphore, #tpu.memory_space<semaphore_mem>> -> memref<!tpu.dma_semaphore, #tpu.memory_space<semaphore_mem>>
    %dma_wait3A_86 = tpu.memref_slice %arg3[%add3A_81] : memref<33554432xf32, #tpu.memory_space<hbm>> -> memref<32768xf32, #tpu.memory_space<hbm>>
    tpu.wait_dma2 semaphore(%dma_wait3A_85 : memref<!tpu.dma_semaphore, #tpu.memory_space<semaphore_mem>>) src(%arg5 : memref<32768xf32, #tpu.memory_space<vmem>>) dst(%dma_wait3A_86 : memref<32768xf32, #tpu.memory_space<hbm>>)
    %add3A_87 = arith.constant 131072 : i32
    %add3A_88 = arith.addi %mul3A_2, %add3A_87 : i32
    %dma_start3A_89 = arith.constant 1 : i32
    %dma_start3A_90 = tpu.memref_slice %arg2[%add3A_88] : memref<33554432xf32, #tpu.memory_space<hbm>> -> memref<32768xf32, #tpu.memory_space<hbm>>
    %dma_start3A_91 = tpu.memref_slice %arg7[%dma_start3A_89] : memref<3x!tpu.dma_semaphore, #tpu.memory_space<semaphore_mem>> -> memref<1x!tpu.dma_semaphore, #tpu.memory_space<semaphore_mem>>
    %dma_start3A_92 = tpu.memref_squeeze %dma_start3A_91 : memref<1x!tpu.dma_semaphore, #tpu.memory_space<semaphore_mem>> -> memref<!tpu.dma_semaphore, #tpu.memory_space<semaphore_mem>>
    %dma_start3A_93 = tpu.memref_slice %arg2[%add3A_88] : memref<33554432xf32, #tpu.memory_space<hbm>> -> memref<32768xf32, #tpu.memory_space<hbm>>
    tpu.enqueue_dma source(%dma_start3A_93 : memref<32768xf32, #tpu.memory_space<hbm>>) target(%arg5 : memref<32768xf32, #tpu.memory_space<vmem>>) target_semaphore(%dma_start3A_92 : memref<!tpu.dma_semaphore, #tpu.memory_space<semaphore_mem>>)
    %add3A_94 = arith.constant 98304 : i32
    %add3A_95 = arith.addi %mul3A_2, %add3A_94 : i32
    %dma_wait3A_96 = arith.constant 0 : i32
    %dma_wait3A_97 = tpu.memref_slice %arg2[%add3A_95] : memref<33554432xf32, #tpu.memory_space<hbm>> -> memref<32768xf32, #tpu.memory_space<hbm>>
    %dma_wait3A_98 = tpu.memref_slice %arg7[%dma_wait3A_96] : memref<3x!tpu.dma_semaphore, #tpu.memory_space<semaphore_mem>> -> memref<1x!tpu.dma_semaphore, #tpu.memory_space<semaphore_mem>>
    %dma_wait3A_99 = tpu.memref_squeeze %dma_wait3A_98 : memref<1x!tpu.dma_semaphore, #tpu.memory_space<semaphore_mem>> -> memref<!tpu.dma_semaphore, #tpu.memory_space<semaphore_mem>>
    %dma_wait3A_100 = tpu.memref_slice %arg2[%add3A_95] : memref<33554432xf32, #tpu.memory_space<hbm>> -> memref<32768xf32, #tpu.memory_space<hbm>>
    tpu.wait_dma2 semaphore(%dma_wait3A_99 : memref<!tpu.dma_semaphore, #tpu.memory_space<semaphore_mem>>) src(%dma_wait3A_100 : memref<32768xf32, #tpu.memory_space<hbm>>) dst(%arg4 : memref<32768xf32, #tpu.memory_space<vmem>>)
    %add3A_101 = arith.constant 98304 : i32
    %add3A_102 = arith.addi %mul3A_2, %add3A_101 : i32
    %dma_start3A_103 = arith.constant 0 : i32
    %dma_start3A_104 = tpu.memref_slice %arg3[%add3A_102] : memref<33554432xf32, #tpu.memory_space<hbm>> -> memref<32768xf32, #tpu.memory_space<hbm>>
    %dma_start3A_105 = tpu.memref_slice %arg8[%dma_start3A_103] : memref<3x!tpu.dma_semaphore, #tpu.memory_space<semaphore_mem>> -> memref<1x!tpu.dma_semaphore, #tpu.memory_space<semaphore_mem>>
    %dma_start3A_106 = tpu.memref_squeeze %dma_start3A_105 : memref<1x!tpu.dma_semaphore, #tpu.memory_space<semaphore_mem>> -> memref<!tpu.dma_semaphore, #tpu.memory_space<semaphore_mem>>
    %dma_start3A_107 = tpu.memref_slice %arg3[%add3A_102] : memref<33554432xf32, #tpu.memory_space<hbm>> -> memref<32768xf32, #tpu.memory_space<hbm>>
    tpu.enqueue_dma source(%arg4 : memref<32768xf32, #tpu.memory_space<vmem>>) target(%dma_start3A_107 : memref<32768xf32, #tpu.memory_space<hbm>>) target_semaphore(%dma_start3A_106 : memref<!tpu.dma_semaphore, #tpu.memory_space<semaphore_mem>>)
    %add3A_108 = arith.constant 65536 : i32
    %add3A_109 = arith.addi %mul3A_2, %add3A_108 : i32
    %dma_wait3A_110 = arith.constant 2 : i32
    %dma_wait3A_111 = tpu.memref_slice %arg3[%add3A_109] : memref<33554432xf32, #tpu.memory_space<hbm>> -> memref<32768xf32, #tpu.memory_space<hbm>>
    %dma_wait3A_112 = tpu.memref_slice %arg8[%dma_wait3A_110] : memref<3x!tpu.dma_semaphore, #tpu.memory_space<semaphore_mem>> -> memref<1x!tpu.dma_semaphore, #tpu.memory_space<semaphore_mem>>
    %dma_wait3A_113 = tpu.memref_squeeze %dma_wait3A_112 : memref<1x!tpu.dma_semaphore, #tpu.memory_space<semaphore_mem>> -> memref<!tpu.dma_semaphore, #tpu.memory_space<semaphore_mem>>
    %dma_wait3A_114 = tpu.memref_slice %arg3[%add3A_109] : memref<33554432xf32, #tpu.memory_space<hbm>> -> memref<32768xf32, #tpu.memory_space<hbm>>
    tpu.wait_dma2 semaphore(%dma_wait3A_113 : memref<!tpu.dma_semaphore, #tpu.memory_space<semaphore_mem>>) src(%arg6 : memref<32768xf32, #tpu.memory_space<vmem>>) dst(%dma_wait3A_114 : memref<32768xf32, #tpu.memory_space<hbm>>)
    %add3A_115 = arith.constant 163840 : i32
    %add3A_116 = arith.addi %mul3A_2, %add3A_115 : i32
    %dma_start3A_117 = arith.constant 2 : i32
    %dma_start3A_118 = tpu.memref_slice %arg2[%add3A_116] : memref<33554432xf32, #tpu.memory_space<hbm>> -> memref<32768xf32, #tpu.memory_space<hbm>>
    %dma_start3A_119 = tpu.memref_slice %arg7[%dma_start3A_117] : memref<3x!tpu.dma_semaphore, #tpu.memory_space<semaphore_mem>> -> memref<1x!tpu.dma_semaphore, #tpu.memory_space<semaphore_mem>>
    %dma_start3A_120 = tpu.memref_squeeze %dma_start3A_119 : memref<1x!tpu.dma_semaphore, #tpu.memory_space<semaphore_mem>> -> memref<!tpu.dma_semaphore, #tpu.memory_space<semaphore_mem>>
    %dma_start3A_121 = tpu.memref_slice %arg2[%add3A_116] : memref<33554432xf32, #tpu.memory_space<hbm>> -> memref<32768xf32, #tpu.memory_space<hbm>>
    tpu.enqueue_dma source(%dma_start3A_121 : memref<32768xf32, #tpu.memory_space<hbm>>) target(%arg6 : memref<32768xf32, #tpu.memory_space<vmem>>) target_semaphore(%dma_start3A_120 : memref<!tpu.dma_semaphore, #tpu.memory_space<semaphore_mem>>)
    %add3A_122 = arith.constant 131072 : i32
    %add3A_123 = arith.addi %mul3A_2, %add3A_122 : i32
    %dma_wait3A_124 = arith.constant 1 : i32
    %dma_wait3A_125 = tpu.memref_slice %arg2[%add3A_123] : memref<33554432xf32, #tpu.memory_space<hbm>> -> memref<32768xf32, #tpu.memory_space<hbm>>
    %dma_wait3A_126 = tpu.memref_slice %arg7[%dma_wait3A_124] : memref<3x!tpu.dma_semaphore, #tpu.memory_space<semaphore_mem>> -> memref<1x!tpu.dma_semaphore, #tpu.memory_space<semaphore_mem>>
    %dma_wait3A_127 = tpu.memref_squeeze %dma_wait3A_126 : memref<1x!tpu.dma_semaphore, #tpu.memory_space<semaphore_mem>> -> memref<!tpu.dma_semaphore, #tpu.memory_space<semaphore_mem>>
    %dma_wait3A_128 = tpu.memref_slice %arg2[%add3A_123] : memref<33554432xf32, #tpu.memory_space<hbm>> -> memref<32768xf32, #tpu.memory_space<hbm>>
    tpu.wait_dma2 semaphore(%dma_wait3A_127 : memref<!tpu.dma_semaphore, #tpu.memory_space<semaphore_mem>>) src(%dma_wait3A_128 : memref<32768xf32, #tpu.memory_space<hbm>>) dst(%arg5 : memref<32768xf32, #tpu.memory_space<vmem>>)
    %add3A_129 = arith.constant 131072 : i32
    %add3A_130 = arith.addi %mul3A_2, %add3A_129 : i32
    %dma_start3A_131 = arith.constant 1 : i32
    %dma_start3A_132 = tpu.memref_slice %arg3[%add3A_130] : memref<33554432xf32, #tpu.memory_space<hbm>> -> memref<32768xf32, #tpu.memory_space<hbm>>
    %dma_start3A_133 = tpu.memref_slice %arg8[%dma_start3A_131] : memref<3x!tpu.dma_semaphore, #tpu.memory_space<semaphore_mem>> -> memref<1x!tpu.dma_semaphore, #tpu.memory_space<semaphore_mem>>
    %dma_start3A_134 = tpu.memref_squeeze %dma_start3A_133 : memref<1x!tpu.dma_semaphore, #tpu.memory_space<semaphore_mem>> -> memref<!tpu.dma_semaphore, #tpu.memory_space<semaphore_mem>>
    %dma_start3A_135 = tpu.memref_slice %arg3[%add3A_130] : memref<33554432xf32, #tpu.memory_space<hbm>> -> memref<32768xf32, #tpu.memory_space<hbm>>
    tpu.enqueue_dma source(%arg5 : memref<32768xf32, #tpu.memory_space<vmem>>) target(%dma_start3A_135 : memref<32768xf32, #tpu.memory_space<hbm>>) target_semaphore(%dma_start3A_134 : memref<!tpu.dma_semaphore, #tpu.memory_space<semaphore_mem>>)
    %add3A_136 = arith.constant 98304 : i32
    %add3A_137 = arith.addi %mul3A_2, %add3A_136 : i32
    %dma_wait3A_138 = arith.constant 0 : i32
    %dma_wait3A_139 = tpu.memref_slice %arg3[%add3A_137] : memref<33554432xf32, #tpu.memory_space<hbm>> -> memref<32768xf32, #tpu.memory_space<hbm>>
    %dma_wait3A_140 = tpu.memref_slice %arg8[%dma_wait3A_138] : memref<3x!tpu.dma_semaphore, #tpu.memory_space<semaphore_mem>> -> memref<1x!tpu.dma_semaphore, #tpu.memory_space<semaphore_mem>>
    %dma_wait3A_141 = tpu.memref_squeeze %dma_wait3A_140 : memref<1x!tpu.dma_semaphore, #tpu.memory_space<semaphore_mem>> -> memref<!tpu.dma_semaphore, #tpu.memory_space<semaphore_mem>>
    %dma_wait3A_142 = tpu.memref_slice %arg3[%add3A_137] : memref<33554432xf32, #tpu.memory_space<hbm>> -> memref<32768xf32, #tpu.memory_space<hbm>>
    tpu.wait_dma2 semaphore(%dma_wait3A_141 : memref<!tpu.dma_semaphore, #tpu.memory_space<semaphore_mem>>) src(%arg4 : memref<32768xf32, #tpu.memory_space<vmem>>) dst(%dma_wait3A_142 : memref<32768xf32, #tpu.memory_space<hbm>>)
    %add3A_143 = arith.constant 196608 : i32
    %add3A_144 = arith.addi %mul3A_2, %add3A_143 : i32
    %dma_start3A_145 = arith.constant 0 : i32
    %dma_start3A_146 = tpu.memref_slice %arg2[%add3A_144] : memref<33554432xf32, #tpu.memory_space<hbm>> -> memref<32768xf32, #tpu.memory_space<hbm>>
    %dma_start3A_147 = tpu.memref_slice %arg7[%dma_start3A_145] : memref<3x!tpu.dma_semaphore, #tpu.memory_space<semaphore_mem>> -> memref<1x!tpu.dma_semaphore, #tpu.memory_space<semaphore_mem>>
    %dma_start3A_148 = tpu.memref_squeeze %dma_start3A_147 : memref<1x!tpu.dma_semaphore, #tpu.memory_space<semaphore_mem>> -> memref<!tpu.dma_semaphore, #tpu.memory_space<semaphore_mem>>
    %dma_start3A_149 = tpu.memref_slice %arg2[%add3A_144] : memref<33554432xf32, #tpu.memory_space<hbm>> -> memref<32768xf32, #tpu.memory_space<hbm>>
    tpu.enqueue_dma source(%dma_start3A_149 : memref<32768xf32, #tpu.memory_space<hbm>>) target(%arg4 : memref<32768xf32, #tpu.memory_space<vmem>>) target_semaphore(%dma_start3A_148 : memref<!tpu.dma_semaphore, #tpu.memory_space<semaphore_mem>>)
    %add3A_150 = arith.constant 163840 : i32
    %add3A_151 = arith.addi %mul3A_2, %add3A_150 : i32
    %dma_wait3A_152 = arith.constant 2 : i32
    %dma_wait3A_153 = tpu.memref_slice %arg2[%add3A_151] : memref<33554432xf32, #tpu.memory_space<hbm>> -> memref<32768xf32, #tpu.memory_space<hbm>>
    %dma_wait3A_154 = tpu.memref_slice %arg7[%dma_wait3A_152] : memref<3x!tpu.dma_semaphore, #tpu.memory_space<semaphore_mem>> -> memref<1x!tpu.dma_semaphore, #tpu.memory_space<semaphore_mem>>
    %dma_wait3A_155 = tpu.memref_squeeze %dma_wait3A_154 : memref<1x!tpu.dma_semaphore, #tpu.memory_space<semaphore_mem>> -> memref<!tpu.dma_semaphore, #tpu.memory_space<semaphore_mem>>
    %dma_wait3A_156 = tpu.memref_slice %arg2[%add3A_151] : memref<33554432xf32, #tpu.memory_space<hbm>> -> memref<32768xf32, #tpu.memory_space<hbm>>
    tpu.wait_dma2 semaphore(%dma_wait3A_155 : memref<!tpu.dma_semaphore, #tpu.memory_space<semaphore_mem>>) src(%dma_wait3A_156 : memref<32768xf32, #tpu.memory_space<hbm>>) dst(%arg6 : memref<32768xf32, #tpu.memory_space<vmem>>)
    %add3A_157 = arith.constant 163840 : i32
    %add3A_158 = arith.addi %mul3A_2, %add3A_157 : i32
    %dma_start3A_159 = arith.constant 2 : i32
    %dma_start3A_160 = tpu.memref_slice %arg3[%add3A_158] : memref<33554432xf32, #tpu.memory_space<hbm>> -> memref<32768xf32, #tpu.memory_space<hbm>>
    %dma_start3A_161 = tpu.memref_slice %arg8[%dma_start3A_159] : memref<3x!tpu.dma_semaphore, #tpu.memory_space<semaphore_mem>> -> memref<1x!tpu.dma_semaphore, #tpu.memory_space<semaphore_mem>>
    %dma_start3A_162 = tpu.memref_squeeze %dma_start3A_161 : memref<1x!tpu.dma_semaphore, #tpu.memory_space<semaphore_mem>> -> memref<!tpu.dma_semaphore, #tpu.memory_space<semaphore_mem>>
    %dma_start3A_163 = tpu.memref_slice %arg3[%add3A_158] : memref<33554432xf32, #tpu.memory_space<hbm>> -> memref<32768xf32, #tpu.memory_space<hbm>>
    tpu.enqueue_dma source(%arg6 : memref<32768xf32, #tpu.memory_space<vmem>>) target(%dma_start3A_163 : memref<32768xf32, #tpu.memory_space<hbm>>) target_semaphore(%dma_start3A_162 : memref<!tpu.dma_semaphore, #tpu.memory_space<semaphore_mem>>)
    %add3A_164 = arith.constant 131072 : i32
    %add3A_165 = arith.addi %mul3A_2, %add3A_164 : i32
    %dma_wait3A_166 = arith.constant 1 : i32
    %dma_wait3A_167 = tpu.memref_slice %arg3[%add3A_165] : memref<33554432xf32, #tpu.memory_space<hbm>> -> memref<32768xf32, #tpu.memory_space<hbm>>
    %dma_wait3A_168 = tpu.memref_slice %arg8[%dma_wait3A_166] : memref<3x!tpu.dma_semaphore, #tpu.memory_space<semaphore_mem>> -> memref<1x!tpu.dma_semaphore, #tpu.memory_space<semaphore_mem>>
    %dma_wait3A_169 = tpu.memref_squeeze %dma_wait3A_168 : memref<1x!tpu.dma_semaphore, #tpu.memory_space<semaphore_mem>> -> memref<!tpu.dma_semaphore, #tpu.memory_space<semaphore_mem>>
    %dma_wait3A_170 = tpu.memref_slice %arg3[%add3A_165] : memref<33554432xf32, #tpu.memory_space<hbm>> -> memref<32768xf32, #tpu.memory_space<hbm>>
    tpu.wait_dma2 semaphore(%dma_wait3A_169 : memref<!tpu.dma_semaphore, #tpu.memory_space<semaphore_mem>>) src(%arg5 : memref<32768xf32, #tpu.memory_space<vmem>>) dst(%dma_wait3A_170 : memref<32768xf32, #tpu.memory_space<hbm>>)
    %add3A_171 = arith.constant 229376 : i32
    %add3A_172 = arith.addi %mul3A_2, %add3A_171 : i32
    %dma_start3A_173 = arith.constant 1 : i32
    %dma_start3A_174 = tpu.memref_slice %arg2[%add3A_172] : memref<33554432xf32, #tpu.memory_space<hbm>> -> memref<32768xf32, #tpu.memory_space<hbm>>
    %dma_start3A_175 = tpu.memref_slice %arg7[%dma_start3A_173] : memref<3x!tpu.dma_semaphore, #tpu.memory_space<semaphore_mem>> -> memref<1x!tpu.dma_semaphore, #tpu.memory_space<semaphore_mem>>
    %dma_start3A_176 = tpu.memref_squeeze %dma_start3A_175 : memref<1x!tpu.dma_semaphore, #tpu.memory_space<semaphore_mem>> -> memref<!tpu.dma_semaphore, #tpu.memory_space<semaphore_mem>>
    %dma_start3A_177 = tpu.memref_slice %arg2[%add3A_172] : memref<33554432xf32, #tpu.memory_space<hbm>> -> memref<32768xf32, #tpu.memory_space<hbm>>
    tpu.enqueue_dma source(%dma_start3A_177 : memref<32768xf32, #tpu.memory_space<hbm>>) target(%arg5 : memref<32768xf32, #tpu.memory_space<vmem>>) target_semaphore(%dma_start3A_176 : memref<!tpu.dma_semaphore, #tpu.memory_space<semaphore_mem>>)
    %add3A_178 = arith.constant 196608 : i32
    %add3A_179 = arith.addi %mul3A_2, %add3A_178 : i32
    %dma_wait3A_180 = arith.constant 0 : i32
    %dma_wait3A_181 = tpu.memref_slice %arg2[%add3A_179] : memref<33554432xf32, #tpu.memory_space<hbm>> -> memref<32768xf32, #tpu.memory_space<hbm>>
    %dma_wait3A_182 = tpu.memref_slice %arg7[%dma_wait3A_180] : memref<3x!tpu.dma_semaphore, #tpu.memory_space<semaphore_mem>> -> memref<1x!tpu.dma_semaphore, #tpu.memory_space<semaphore_mem>>
    %dma_wait3A_183 = tpu.memref_squeeze %dma_wait3A_182 : memref<1x!tpu.dma_semaphore, #tpu.memory_space<semaphore_mem>> -> memref<!tpu.dma_semaphore, #tpu.memory_space<semaphore_mem>>
    %dma_wait3A_184 = tpu.memref_slice %arg2[%add3A_179] : memref<33554432xf32, #tpu.memory_space<hbm>> -> memref<32768xf32, #tpu.memory_space<hbm>>
    tpu.wait_dma2 semaphore(%dma_wait3A_183 : memref<!tpu.dma_semaphore, #tpu.memory_space<semaphore_mem>>) src(%dma_wait3A_184 : memref<32768xf32, #tpu.memory_space<hbm>>) dst(%arg4 : memref<32768xf32, #tpu.memory_space<vmem>>)
    %add3A_185 = arith.constant 196608 : i32
    %add3A_186 = arith.addi %mul3A_2, %add3A_185 : i32
    %dma_start3A_187 = arith.constant 0 : i32
    %dma_start3A_188 = tpu.memref_slice %arg3[%add3A_186] : memref<33554432xf32, #tpu.memory_space<hbm>> -> memref<32768xf32, #tpu.memory_space<hbm>>
    %dma_start3A_189 = tpu.memref_slice %arg8[%dma_start3A_187] : memref<3x!tpu.dma_semaphore, #tpu.memory_space<semaphore_mem>> -> memref<1x!tpu.dma_semaphore, #tpu.memory_space<semaphore_mem>>
    %dma_start3A_190 = tpu.memref_squeeze %dma_start3A_189 : memref<1x!tpu.dma_semaphore, #tpu.memory_space<semaphore_mem>> -> memref<!tpu.dma_semaphore, #tpu.memory_space<semaphore_mem>>
    %dma_start3A_191 = tpu.memref_slice %arg3[%add3A_186] : memref<33554432xf32, #tpu.memory_space<hbm>> -> memref<32768xf32, #tpu.memory_space<hbm>>
    tpu.enqueue_dma source(%arg4 : memref<32768xf32, #tpu.memory_space<vmem>>) target(%dma_start3A_191 : memref<32768xf32, #tpu.memory_space<hbm>>) target_semaphore(%dma_start3A_190 : memref<!tpu.dma_semaphore, #tpu.memory_space<semaphore_mem>>)
    %add3A_192 = arith.constant 163840 : i32
    %add3A_193 = arith.addi %mul3A_2, %add3A_192 : i32
    %dma_wait3A_194 = arith.constant 2 : i32
    %dma_wait3A_195 = tpu.memref_slice %arg3[%add3A_193] : memref<33554432xf32, #tpu.memory_space<hbm>> -> memref<32768xf32, #tpu.memory_space<hbm>>
    %dma_wait3A_196 = tpu.memref_slice %arg8[%dma_wait3A_194] : memref<3x!tpu.dma_semaphore, #tpu.memory_space<semaphore_mem>> -> memref<1x!tpu.dma_semaphore, #tpu.memory_space<semaphore_mem>>
    %dma_wait3A_197 = tpu.memref_squeeze %dma_wait3A_196 : memref<1x!tpu.dma_semaphore, #tpu.memory_space<semaphore_mem>> -> memref<!tpu.dma_semaphore, #tpu.memory_space<semaphore_mem>>
    %dma_wait3A_198 = tpu.memref_slice %arg3[%add3A_193] : memref<33554432xf32, #tpu.memory_space<hbm>> -> memref<32768xf32, #tpu.memory_space<hbm>>
    tpu.wait_dma2 semaphore(%dma_wait3A_197 : memref<!tpu.dma_semaphore, #tpu.memory_space<semaphore_mem>>) src(%arg6 : memref<32768xf32, #tpu.memory_space<vmem>>) dst(%dma_wait3A_198 : memref<32768xf32, #tpu.memory_space<hbm>>)
    %add3A_199 = arith.constant 262144 : i32
    %add3A_200 = arith.addi %mul3A_2, %add3A_199 : i32
    %dma_start3A_201 = arith.constant 2 : i32
    %dma_start3A_202 = tpu.memref_slice %arg2[%add3A_200] : memref<33554432xf32, #tpu.memory_space<hbm>> -> memref<32768xf32, #tpu.memory_space<hbm>>
    %dma_start3A_203 = tpu.memref_slice %arg7[%dma_start3A_201] : memref<3x!tpu.dma_semaphore, #tpu.memory_space<semaphore_mem>> -> memref<1x!tpu.dma_semaphore, #tpu.memory_space<semaphore_mem>>
    %dma_start3A_204 = tpu.memref_squeeze %dma_start3A_203 : memref<1x!tpu.dma_semaphore, #tpu.memory_space<semaphore_mem>> -> memref<!tpu.dma_semaphore, #tpu.memory_space<semaphore_mem>>
    %dma_start3A_205 = tpu.memref_slice %arg2[%add3A_200] : memref<33554432xf32, #tpu.memory_space<hbm>> -> memref<32768xf32, #tpu.memory_space<hbm>>
    tpu.enqueue_dma source(%dma_start3A_205 : memref<32768xf32, #tpu.memory_space<hbm>>) target(%arg6 : memref<32768xf32, #tpu.memory_space<vmem>>) target_semaphore(%dma_start3A_204 : memref<!tpu.dma_semaphore, #tpu.memory_space<semaphore_mem>>)
    %add3A_206 = arith.constant 229376 : i32
    %add3A_207 = arith.addi %mul3A_2, %add3A_206 : i32
    %dma_wait3A_208 = arith.constant 1 : i32
    %dma_wait3A_209 = tpu.memref_slice %arg2[%add3A_207] : memref<33554432xf32, #tpu.memory_space<hbm>> -> memref<32768xf32, #tpu.memory_space<hbm>>
    %dma_wait3A_210 = tpu.memref_slice %arg7[%dma_wait3A_208] : memref<3x!tpu.dma_semaphore, #tpu.memory_space<semaphore_mem>> -> memref<1x!tpu.dma_semaphore, #tpu.memory_space<semaphore_mem>>
    %dma_wait3A_211 = tpu.memref_squeeze %dma_wait3A_210 : memref<1x!tpu.dma_semaphore, #tpu.memory_space<semaphore_mem>> -> memref<!tpu.dma_semaphore, #tpu.memory_space<semaphore_mem>>
    %dma_wait3A_212 = tpu.memref_slice %arg2[%add3A_207] : memref<33554432xf32, #tpu.memory_space<hbm>> -> memref<32768xf32, #tpu.memory_space<hbm>>
    tpu.wait_dma2 semaphore(%dma_wait3A_211 : memref<!tpu.dma_semaphore, #tpu.memory_space<semaphore_mem>>) src(%dma_wait3A_212 : memref<32768xf32, #tpu.memory_space<hbm>>) dst(%arg5 : memref<32768xf32, #tpu.memory_space<vmem>>)
    %add3A_213 = arith.constant 229376 : i32
    %add3A_214 = arith.addi %mul3A_2, %add3A_213 : i32
    %dma_start3A_215 = arith.constant 1 : i32
    %dma_start3A_216 = tpu.memref_slice %arg3[%add3A_214] : memref<33554432xf32, #tpu.memory_space<hbm>> -> memref<32768xf32, #tpu.memory_space<hbm>>
    %dma_start3A_217 = tpu.memref_slice %arg8[%dma_start3A_215] : memref<3x!tpu.dma_semaphore, #tpu.memory_space<semaphore_mem>> -> memref<1x!tpu.dma_semaphore, #tpu.memory_space<semaphore_mem>>
    %dma_start3A_218 = tpu.memref_squeeze %dma_start3A_217 : memref<1x!tpu.dma_semaphore, #tpu.memory_space<semaphore_mem>> -> memref<!tpu.dma_semaphore, #tpu.memory_space<semaphore_mem>>
    %dma_start3A_219 = tpu.memref_slice %arg3[%add3A_214] : memref<33554432xf32, #tpu.memory_space<hbm>> -> memref<32768xf32, #tpu.memory_space<hbm>>
    tpu.enqueue_dma source(%arg5 : memref<32768xf32, #tpu.memory_space<vmem>>) target(%dma_start3A_219 : memref<32768xf32, #tpu.memory_space<hbm>>) target_semaphore(%dma_start3A_218 : memref<!tpu.dma_semaphore, #tpu.memory_space<semaphore_mem>>)
    %add3A_220 = arith.constant 196608 : i32
    %add3A_221 = arith.addi %mul3A_2, %add3A_220 : i32
    %dma_wait3A_222 = arith.constant 0 : i32
    %dma_wait3A_223 = tpu.memref_slice %arg3[%add3A_221] : memref<33554432xf32, #tpu.memory_space<hbm>> -> memref<32768xf32, #tpu.memory_space<hbm>>
    %dma_wait3A_224 = tpu.memref_slice %arg8[%dma_wait3A_222] : memref<3x!tpu.dma_semaphore, #tpu.memory_space<semaphore_mem>> -> memref<1x!tpu.dma_semaphore, #tpu.memory_space<semaphore_mem>>
    %dma_wait3A_225 = tpu.memref_squeeze %dma_wait3A_224 : memref<1x!tpu.dma_semaphore, #tpu.memory_space<semaphore_mem>> -> memref<!tpu.dma_semaphore, #tpu.memory_space<semaphore_mem>>
    %dma_wait3A_226 = tpu.memref_slice %arg3[%add3A_221] : memref<33554432xf32, #tpu.memory_space<hbm>> -> memref<32768xf32, #tpu.memory_space<hbm>>
    tpu.wait_dma2 semaphore(%dma_wait3A_225 : memref<!tpu.dma_semaphore, #tpu.memory_space<semaphore_mem>>) src(%arg4 : memref<32768xf32, #tpu.memory_space<vmem>>) dst(%dma_wait3A_226 : memref<32768xf32, #tpu.memory_space<hbm>>)
    %add3A_227 = arith.constant 294912 : i32
    %add3A_228 = arith.addi %mul3A_2, %add3A_227 : i32
    %dma_start3A_229 = arith.constant 0 : i32
    %dma_start3A_230 = tpu.memref_slice %arg2[%add3A_228] : memref<33554432xf32, #tpu.memory_space<hbm>> -> memref<32768xf32, #tpu.memory_space<hbm>>
    %dma_start3A_231 = tpu.memref_slice %arg7[%dma_start3A_229] : memref<3x!tpu.dma_semaphore, #tpu.memory_space<semaphore_mem>> -> memref<1x!tpu.dma_semaphore, #tpu.memory_space<semaphore_mem>>
    %dma_start3A_232 = tpu.memref_squeeze %dma_start3A_231 : memref<1x!tpu.dma_semaphore, #tpu.memory_space<semaphore_mem>> -> memref<!tpu.dma_semaphore, #tpu.memory_space<semaphore_mem>>
    %dma_start3A_233 = tpu.memref_slice %arg2[%add3A_228] : memref<33554432xf32, #tpu.memory_space<hbm>> -> memref<32768xf32, #tpu.memory_space<hbm>>
    tpu.enqueue_dma source(%dma_start3A_233 : memref<32768xf32, #tpu.memory_space<hbm>>) target(%arg4 : memref<32768xf32, #tpu.memory_space<vmem>>) target_semaphore(%dma_start3A_232 : memref<!tpu.dma_semaphore, #tpu.memory_space<semaphore_mem>>)
    %add3A_234 = arith.constant 262144 : i32
    %add3A_235 = arith.addi %mul3A_2, %add3A_234 : i32
    %dma_wait3A_236 = arith.constant 2 : i32
    %dma_wait3A_237 = tpu.memref_slice %arg2[%add3A_235] : memref<33554432xf32, #tpu.memory_space<hbm>> -> memref<32768xf32, #tpu.memory_space<hbm>>
    %dma_wait3A_238 = tpu.memref_slice %arg7[%dma_wait3A_236] : memref<3x!tpu.dma_semaphore, #tpu.memory_space<semaphore_mem>> -> memref<1x!tpu.dma_semaphore, #tpu.memory_space<semaphore_mem>>
    %dma_wait3A_239 = tpu.memref_squeeze %dma_wait3A_238 : memref<1x!tpu.dma_semaphore, #tpu.memory_space<semaphore_mem>> -> memref<!tpu.dma_semaphore, #tpu.memory_space<semaphore_mem>>
    %dma_wait3A_240 = tpu.memref_slice %arg2[%add3A_235] : memref<33554432xf32, #tpu.memory_space<hbm>> -> memref<32768xf32, #tpu.memory_space<hbm>>
    tpu.wait_dma2 semaphore(%dma_wait3A_239 : memref<!tpu.dma_semaphore, #tpu.memory_space<semaphore_mem>>) src(%dma_wait3A_240 : memref<32768xf32, #tpu.memory_space<hbm>>) dst(%arg6 : memref<32768xf32, #tpu.memory_space<vmem>>)
    %add3A_241 = arith.constant 262144 : i32
    %add3A_242 = arith.addi %mul3A_2, %add3A_241 : i32
    %dma_start3A_243 = arith.constant 2 : i32
    %dma_start3A_244 = tpu.memref_slice %arg3[%add3A_242] : memref<33554432xf32, #tpu.memory_space<hbm>> -> memref<32768xf32, #tpu.memory_space<hbm>>
    %dma_start3A_245 = tpu.memref_slice %arg8[%dma_start3A_243] : memref<3x!tpu.dma_semaphore, #tpu.memory_space<semaphore_mem>> -> memref<1x!tpu.dma_semaphore, #tpu.memory_space<semaphore_mem>>
    %dma_start3A_246 = tpu.memref_squeeze %dma_start3A_245 : memref<1x!tpu.dma_semaphore, #tpu.memory_space<semaphore_mem>> -> memref<!tpu.dma_semaphore, #tpu.memory_space<semaphore_mem>>
    %dma_start3A_247 = tpu.memref_slice %arg3[%add3A_242] : memref<33554432xf32, #tpu.memory_space<hbm>> -> memref<32768xf32, #tpu.memory_space<hbm>>
    tpu.enqueue_dma source(%arg6 : memref<32768xf32, #tpu.memory_space<vmem>>) target(%dma_start3A_247 : memref<32768xf32, #tpu.memory_space<hbm>>) target_semaphore(%dma_start3A_246 : memref<!tpu.dma_semaphore, #tpu.memory_space<semaphore_mem>>)
    %add3A_248 = arith.constant 229376 : i32
    %add3A_249 = arith.addi %mul3A_2, %add3A_248 : i32
    %dma_wait3A_250 = arith.constant 1 : i32
    %dma_wait3A_251 = tpu.memref_slice %arg3[%add3A_249] : memref<33554432xf32, #tpu.memory_space<hbm>> -> memref<32768xf32, #tpu.memory_space<hbm>>
    %dma_wait3A_252 = tpu.memref_slice %arg8[%dma_wait3A_250] : memref<3x!tpu.dma_semaphore, #tpu.memory_space<semaphore_mem>> -> memref<1x!tpu.dma_semaphore, #tpu.memory_space<semaphore_mem>>
    %dma_wait3A_253 = tpu.memref_squeeze %dma_wait3A_252 : memref<1x!tpu.dma_semaphore, #tpu.memory_space<semaphore_mem>> -> memref<!tpu.dma_semaphore, #tpu.memory_space<semaphore_mem>>
    %dma_wait3A_254 = tpu.memref_slice %arg3[%add3A_249] : memref<33554432xf32, #tpu.memory_space<hbm>> -> memref<32768xf32, #tpu.memory_space<hbm>>
    tpu.wait_dma2 semaphore(%dma_wait3A_253 : memref<!tpu.dma_semaphore, #tpu.memory_space<semaphore_mem>>) src(%arg5 : memref<32768xf32, #tpu.memory_space<vmem>>) dst(%dma_wait3A_254 : memref<32768xf32, #tpu.memory_space<hbm>>)
    %add3A_255 = arith.constant 327680 : i32
    %add3A_256 = arith.addi %mul3A_2, %add3A_255 : i32
    %dma_start3A_257 = arith.constant 1 : i32
    %dma_start3A_258 = tpu.memref_slice %arg2[%add3A_256] : memref<33554432xf32, #tpu.memory_space<hbm>> -> memref<32768xf32, #tpu.memory_space<hbm>>
    %dma_start3A_259 = tpu.memref_slice %arg7[%dma_start3A_257] : memref<3x!tpu.dma_semaphore, #tpu.memory_space<semaphore_mem>> -> memref<1x!tpu.dma_semaphore, #tpu.memory_space<semaphore_mem>>
    %dma_start3A_260 = tpu.memref_squeeze %dma_start3A_259 : memref<1x!tpu.dma_semaphore, #tpu.memory_space<semaphore_mem>> -> memref<!tpu.dma_semaphore, #tpu.memory_space<semaphore_mem>>
    %dma_start3A_261 = tpu.memref_slice %arg2[%add3A_256] : memref<33554432xf32, #tpu.memory_space<hbm>> -> memref<32768xf32, #tpu.memory_space<hbm>>
    tpu.enqueue_dma source(%dma_start3A_261 : memref<32768xf32, #tpu.memory_space<hbm>>) target(%arg5 : memref<32768xf32, #tpu.memory_space<vmem>>) target_semaphore(%dma_start3A_260 : memref<!tpu.dma_semaphore, #tpu.memory_space<semaphore_mem>>)
    %add3A_262 = arith.constant 294912 : i32
    %add3A_263 = arith.addi %mul3A_2, %add3A_262 : i32
    %dma_wait3A_264 = arith.constant 0 : i32
    %dma_wait3A_265 = tpu.memref_slice %arg2[%add3A_263] : memref<33554432xf32, #tpu.memory_space<hbm>> -> memref<32768xf32, #tpu.memory_space<hbm>>
    %dma_wait3A_266 = tpu.memref_slice %arg7[%dma_wait3A_264] : memref<3x!tpu.dma_semaphore, #tpu.memory_space<semaphore_mem>> -> memref<1x!tpu.dma_semaphore, #tpu.memory_space<semaphore_mem>>
    %dma_wait3A_267 = tpu.memref_squeeze %dma_wait3A_266 : memref<1x!tpu.dma_semaphore, #tpu.memory_space<semaphore_mem>> -> memref<!tpu.dma_semaphore, #tpu.memory_space<semaphore_mem>>
    %dma_wait3A_268 = tpu.memref_slice %arg2[%add3A_263] : memref<33554432xf32, #tpu.memory_space<hbm>> -> memref<32768xf32, #tpu.memory_space<hbm>>
    tpu.wait_dma2 semaphore(%dma_wait3A_267 : memref<!tpu.dma_semaphore, #tpu.memory_space<semaphore_mem>>) src(%dma_wait3A_268 : memref<32768xf32, #tpu.memory_space<hbm>>) dst(%arg4 : memref<32768xf32, #tpu.memory_space<vmem>>)
    %add3A_269 = arith.constant 294912 : i32
    %add3A_270 = arith.addi %mul3A_2, %add3A_269 : i32
    %dma_start3A_271 = arith.constant 0 : i32
    %dma_start3A_272 = tpu.memref_slice %arg3[%add3A_270] : memref<33554432xf32, #tpu.memory_space<hbm>> -> memref<32768xf32, #tpu.memory_space<hbm>>
    %dma_start3A_273 = tpu.memref_slice %arg8[%dma_start3A_271] : memref<3x!tpu.dma_semaphore, #tpu.memory_space<semaphore_mem>> -> memref<1x!tpu.dma_semaphore, #tpu.memory_space<semaphore_mem>>
    %dma_start3A_274 = tpu.memref_squeeze %dma_start3A_273 : memref<1x!tpu.dma_semaphore, #tpu.memory_space<semaphore_mem>> -> memref<!tpu.dma_semaphore, #tpu.memory_space<semaphore_mem>>
    %dma_start3A_275 = tpu.memref_slice %arg3[%add3A_270] : memref<33554432xf32, #tpu.memory_space<hbm>> -> memref<32768xf32, #tpu.memory_space<hbm>>
    tpu.enqueue_dma source(%arg4 : memref<32768xf32, #tpu.memory_space<vmem>>) target(%dma_start3A_275 : memref<32768xf32, #tpu.memory_space<hbm>>) target_semaphore(%dma_start3A_274 : memref<!tpu.dma_semaphore, #tpu.memory_space<semaphore_mem>>)
    %add3A_276 = arith.constant 262144 : i32
    %add3A_277 = arith.addi %mul3A_2, %add3A_276 : i32
    %dma_wait3A_278 = arith.constant 2 : i32
    %dma_wait3A_279 = tpu.memref_slice %arg3[%add3A_277] : memref<33554432xf32, #tpu.memory_space<hbm>> -> memref<32768xf32, #tpu.memory_space<hbm>>
    %dma_wait3A_280 = tpu.memref_slice %arg8[%dma_wait3A_278] : memref<3x!tpu.dma_semaphore, #tpu.memory_space<semaphore_mem>> -> memref<1x!tpu.dma_semaphore, #tpu.memory_space<semaphore_mem>>
    %dma_wait3A_281 = tpu.memref_squeeze %dma_wait3A_280 : memref<1x!tpu.dma_semaphore, #tpu.memory_space<semaphore_mem>> -> memref<!tpu.dma_semaphore, #tpu.memory_space<semaphore_mem>>
    %dma_wait3A_282 = tpu.memref_slice %arg3[%add3A_277] : memref<33554432xf32, #tpu.memory_space<hbm>> -> memref<32768xf32, #tpu.memory_space<hbm>>
    tpu.wait_dma2 semaphore(%dma_wait3A_281 : memref<!tpu.dma_semaphore, #tpu.memory_space<semaphore_mem>>) src(%arg6 : memref<32768xf32, #tpu.memory_space<vmem>>) dst(%dma_wait3A_282 : memref<32768xf32, #tpu.memory_space<hbm>>)
    %add3A_283 = arith.constant 360448 : i32
    %add3A_284 = arith.addi %mul3A_2, %add3A_283 : i32
    %dma_start3A_285 = arith.constant 2 : i32
    %dma_start3A_286 = tpu.memref_slice %arg2[%add3A_284] : memref<33554432xf32, #tpu.memory_space<hbm>> -> memref<32768xf32, #tpu.memory_space<hbm>>
    %dma_start3A_287 = tpu.memref_slice %arg7[%dma_start3A_285] : memref<3x!tpu.dma_semaphore, #tpu.memory_space<semaphore_mem>> -> memref<1x!tpu.dma_semaphore, #tpu.memory_space<semaphore_mem>>
    %dma_start3A_288 = tpu.memref_squeeze %dma_start3A_287 : memref<1x!tpu.dma_semaphore, #tpu.memory_space<semaphore_mem>> -> memref<!tpu.dma_semaphore, #tpu.memory_space<semaphore_mem>>
    %dma_start3A_289 = tpu.memref_slice %arg2[%add3A_284] : memref<33554432xf32, #tpu.memory_space<hbm>> -> memref<32768xf32, #tpu.memory_space<hbm>>
    tpu.enqueue_dma source(%dma_start3A_289 : memref<32768xf32, #tpu.memory_space<hbm>>) target(%arg6 : memref<32768xf32, #tpu.memory_space<vmem>>) target_semaphore(%dma_start3A_288 : memref<!tpu.dma_semaphore, #tpu.memory_space<semaphore_mem>>)
    %add3A_290 = arith.constant 327680 : i32
    %add3A_291 = arith.addi %mul3A_2, %add3A_290 : i32
    %dma_wait3A_292 = arith.constant 1 : i32
    %dma_wait3A_293 = tpu.memref_slice %arg2[%add3A_291] : memref<33554432xf32, #tpu.memory_space<hbm>> -> memref<32768xf32, #tpu.memory_space<hbm>>
    %dma_wait3A_294 = tpu.memref_slice %arg7[%dma_wait3A_292] : memref<3x!tpu.dma_semaphore, #tpu.memory_space<semaphore_mem>> -> memref<1x!tpu.dma_semaphore, #tpu.memory_space<semaphore_mem>>
    %dma_wait3A_295 = tpu.memref_squeeze %dma_wait3A_294 : memref<1x!tpu.dma_semaphore, #tpu.memory_space<semaphore_mem>> -> memref<!tpu.dma_semaphore, #tpu.memory_space<semaphore_mem>>
    %dma_wait3A_296 = tpu.memref_slice %arg2[%add3A_291] : memref<33554432xf32, #tpu.memory_space<hbm>> -> memref<32768xf32, #tpu.memory_space<hbm>>
    tpu.wait_dma2 semaphore(%dma_wait3A_295 : memref<!tpu.dma_semaphore, #tpu.memory_space<semaphore_mem>>) src(%dma_wait3A_296 : memref<32768xf32, #tpu.memory_space<hbm>>) dst(%arg5 : memref<32768xf32, #tpu.memory_space<vmem>>)
    %add3A_297 = arith.constant 327680 : i32
    %add3A_298 = arith.addi %mul3A_2, %add3A_297 : i32
    %dma_start3A_299 = arith.constant 1 : i32
    %dma_start3A_300 = tpu.memref_slice %arg3[%add3A_298] : memref<33554432xf32, #tpu.memory_space<hbm>> -> memref<32768xf32, #tpu.memory_space<hbm>>
    %dma_start3A_301 = tpu.memref_slice %arg8[%dma_start3A_299] : memref<3x!tpu.dma_semaphore, #tpu.memory_space<semaphore_mem>> -> memref<1x!tpu.dma_semaphore, #tpu.memory_space<semaphore_mem>>
    %dma_start3A_302 = tpu.memref_squeeze %dma_start3A_301 : memref<1x!tpu.dma_semaphore, #tpu.memory_space<semaphore_mem>> -> memref<!tpu.dma_semaphore, #tpu.memory_space<semaphore_mem>>
    %dma_start3A_303 = tpu.memref_slice %arg3[%add3A_298] : memref<33554432xf32, #tpu.memory_space<hbm>> -> memref<32768xf32, #tpu.memory_space<hbm>>
    tpu.enqueue_dma source(%arg5 : memref<32768xf32, #tpu.memory_space<vmem>>) target(%dma_start3A_303 : memref<32768xf32, #tpu.memory_space<hbm>>) target_semaphore(%dma_start3A_302 : memref<!tpu.dma_semaphore, #tpu.memory_space<semaphore_mem>>)
    %add3A_304 = arith.constant 294912 : i32
    %add3A_305 = arith.addi %mul3A_2, %add3A_304 : i32
    %dma_wait3A_306 = arith.constant 0 : i32
    %dma_wait3A_307 = tpu.memref_slice %arg3[%add3A_305] : memref<33554432xf32, #tpu.memory_space<hbm>> -> memref<32768xf32, #tpu.memory_space<hbm>>
    %dma_wait3A_308 = tpu.memref_slice %arg8[%dma_wait3A_306] : memref<3x!tpu.dma_semaphore, #tpu.memory_space<semaphore_mem>> -> memref<1x!tpu.dma_semaphore, #tpu.memory_space<semaphore_mem>>
    %dma_wait3A_309 = tpu.memref_squeeze %dma_wait3A_308 : memref<1x!tpu.dma_semaphore, #tpu.memory_space<semaphore_mem>> -> memref<!tpu.dma_semaphore, #tpu.memory_space<semaphore_mem>>
    %dma_wait3A_310 = tpu.memref_slice %arg3[%add3A_305] : memref<33554432xf32, #tpu.memory_space<hbm>> -> memref<32768xf32, #tpu.memory_space<hbm>>
    tpu.wait_dma2 semaphore(%dma_wait3A_309 : memref<!tpu.dma_semaphore, #tpu.memory_space<semaphore_mem>>) src(%arg4 : memref<32768xf32, #tpu.memory_space<vmem>>) dst(%dma_wait3A_310 : memref<32768xf32, #tpu.memory_space<hbm>>)
    %add3A_311 = arith.constant 393216 : i32
    %add3A_312 = arith.addi %mul3A_2, %add3A_311 : i32
    %dma_start3A_313 = arith.constant 0 : i32
    %dma_start3A_314 = tpu.memref_slice %arg2[%add3A_312] : memref<33554432xf32, #tpu.memory_space<hbm>> -> memref<32768xf32, #tpu.memory_space<hbm>>
    %dma_start3A_315 = tpu.memref_slice %arg7[%dma_start3A_313] : memref<3x!tpu.dma_semaphore, #tpu.memory_space<semaphore_mem>> -> memref<1x!tpu.dma_semaphore, #tpu.memory_space<semaphore_mem>>
    %dma_start3A_316 = tpu.memref_squeeze %dma_start3A_315 : memref<1x!tpu.dma_semaphore, #tpu.memory_space<semaphore_mem>> -> memref<!tpu.dma_semaphore, #tpu.memory_space<semaphore_mem>>
    %dma_start3A_317 = tpu.memref_slice %arg2[%add3A_312] : memref<33554432xf32, #tpu.memory_space<hbm>> -> memref<32768xf32, #tpu.memory_space<hbm>>
    tpu.enqueue_dma source(%dma_start3A_317 : memref<32768xf32, #tpu.memory_space<hbm>>) target(%arg4 : memref<32768xf32, #tpu.memory_space<vmem>>) target_semaphore(%dma_start3A_316 : memref<!tpu.dma_semaphore, #tpu.memory_space<semaphore_mem>>)
    %add3A_318 = arith.constant 360448 : i32
    %add3A_319 = arith.addi %mul3A_2, %add3A_318 : i32
    %dma_wait3A_320 = arith.constant 2 : i32
    %dma_wait3A_321 = tpu.memref_slice %arg2[%add3A_319] : memref<33554432xf32, #tpu.memory_space<hbm>> -> memref<32768xf32, #tpu.memory_space<hbm>>
    %dma_wait3A_322 = tpu.memref_slice %arg7[%dma_wait3A_320] : memref<3x!tpu.dma_semaphore, #tpu.memory_space<semaphore_mem>> -> memref<1x!tpu.dma_semaphore, #tpu.memory_space<semaphore_mem>>
    %dma_wait3A_323 = tpu.memref_squeeze %dma_wait3A_322 : memref<1x!tpu.dma_semaphore, #tpu.memory_space<semaphore_mem>> -> memref<!tpu.dma_semaphore, #tpu.memory_space<semaphore_mem>>
    %dma_wait3A_324 = tpu.memref_slice %arg2[%add3A_319] : memref<33554432xf32, #tpu.memory_space<hbm>> -> memref<32768xf32, #tpu.memory_space<hbm>>
    tpu.wait_dma2 semaphore(%dma_wait3A_323 : memref<!tpu.dma_semaphore, #tpu.memory_space<semaphore_mem>>) src(%dma_wait3A_324 : memref<32768xf32, #tpu.memory_space<hbm>>) dst(%arg6 : memref<32768xf32, #tpu.memory_space<vmem>>)
    %add3A_325 = arith.constant 360448 : i32
    %add3A_326 = arith.addi %mul3A_2, %add3A_325 : i32
    %dma_start3A_327 = arith.constant 2 : i32
    %dma_start3A_328 = tpu.memref_slice %arg3[%add3A_326] : memref<33554432xf32, #tpu.memory_space<hbm>> -> memref<32768xf32, #tpu.memory_space<hbm>>
    %dma_start3A_329 = tpu.memref_slice %arg8[%dma_start3A_327] : memref<3x!tpu.dma_semaphore, #tpu.memory_space<semaphore_mem>> -> memref<1x!tpu.dma_semaphore, #tpu.memory_space<semaphore_mem>>
    %dma_start3A_330 = tpu.memref_squeeze %dma_start3A_329 : memref<1x!tpu.dma_semaphore, #tpu.memory_space<semaphore_mem>> -> memref<!tpu.dma_semaphore, #tpu.memory_space<semaphore_mem>>
    %dma_start3A_331 = tpu.memref_slice %arg3[%add3A_326] : memref<33554432xf32, #tpu.memory_space<hbm>> -> memref<32768xf32, #tpu.memory_space<hbm>>
    tpu.enqueue_dma source(%arg6 : memref<32768xf32, #tpu.memory_space<vmem>>) target(%dma_start3A_331 : memref<32768xf32, #tpu.memory_space<hbm>>) target_semaphore(%dma_start3A_330 : memref<!tpu.dma_semaphore, #tpu.memory_space<semaphore_mem>>)
    %add3A_332 = arith.constant 327680 : i32
    %add3A_333 = arith.addi %mul3A_2, %add3A_332 : i32
    %dma_wait3A_334 = arith.constant 1 : i32
    %dma_wait3A_335 = tpu.memref_slice %arg3[%add3A_333] : memref<33554432xf32, #tpu.memory_space<hbm>> -> memref<32768xf32, #tpu.memory_space<hbm>>
    %dma_wait3A_336 = tpu.memref_slice %arg8[%dma_wait3A_334] : memref<3x!tpu.dma_semaphore, #tpu.memory_space<semaphore_mem>> -> memref<1x!tpu.dma_semaphore, #tpu.memory_space<semaphore_mem>>
    %dma_wait3A_337 = tpu.memref_squeeze %dma_wait3A_336 : memref<1x!tpu.dma_semaphore, #tpu.memory_space<semaphore_mem>> -> memref<!tpu.dma_semaphore, #tpu.memory_space<semaphore_mem>>
    %dma_wait3A_338 = tpu.memref_slice %arg3[%add3A_333] : memref<33554432xf32, #tpu.memory_space<hbm>> -> memref<32768xf32, #tpu.memory_space<hbm>>
    tpu.wait_dma2 semaphore(%dma_wait3A_337 : memref<!tpu.dma_semaphore, #tpu.memory_space<semaphore_mem>>) src(%arg5 : memref<32768xf32, #tpu.memory_space<vmem>>) dst(%dma_wait3A_338 : memref<32768xf32, #tpu.memory_space<hbm>>)
    %add3A_339 = arith.constant 425984 : i32
    %add3A_340 = arith.addi %mul3A_2, %add3A_339 : i32
    %dma_start3A_341 = arith.constant 1 : i32
    %dma_start3A_342 = tpu.memref_slice %arg2[%add3A_340] : memref<33554432xf32, #tpu.memory_space<hbm>> -> memref<32768xf32, #tpu.memory_space<hbm>>
    %dma_start3A_343 = tpu.memref_slice %arg7[%dma_start3A_341] : memref<3x!tpu.dma_semaphore, #tpu.memory_space<semaphore_mem>> -> memref<1x!tpu.dma_semaphore, #tpu.memory_space<semaphore_mem>>
    %dma_start3A_344 = tpu.memref_squeeze %dma_start3A_343 : memref<1x!tpu.dma_semaphore, #tpu.memory_space<semaphore_mem>> -> memref<!tpu.dma_semaphore, #tpu.memory_space<semaphore_mem>>
    %dma_start3A_345 = tpu.memref_slice %arg2[%add3A_340] : memref<33554432xf32, #tpu.memory_space<hbm>> -> memref<32768xf32, #tpu.memory_space<hbm>>
    tpu.enqueue_dma source(%dma_start3A_345 : memref<32768xf32, #tpu.memory_space<hbm>>) target(%arg5 : memref<32768xf32, #tpu.memory_space<vmem>>) target_semaphore(%dma_start3A_344 : memref<!tpu.dma_semaphore, #tpu.memory_space<semaphore_mem>>)
    %add3A_346 = arith.constant 393216 : i32
    %add3A_347 = arith.addi %mul3A_2, %add3A_346 : i32
    %dma_wait3A_348 = arith.constant 0 : i32
    %dma_wait3A_349 = tpu.memref_slice %arg2[%add3A_347] : memref<33554432xf32, #tpu.memory_space<hbm>> -> memref<32768xf32, #tpu.memory_space<hbm>>
    %dma_wait3A_350 = tpu.memref_slice %arg7[%dma_wait3A_348] : memref<3x!tpu.dma_semaphore, #tpu.memory_space<semaphore_mem>> -> memref<1x!tpu.dma_semaphore, #tpu.memory_space<semaphore_mem>>
    %dma_wait3A_351 = tpu.memref_squeeze %dma_wait3A_350 : memref<1x!tpu.dma_semaphore, #tpu.memory_space<semaphore_mem>> -> memref<!tpu.dma_semaphore, #tpu.memory_space<semaphore_mem>>
    %dma_wait3A_352 = tpu.memref_slice %arg2[%add3A_347] : memref<33554432xf32, #tpu.memory_space<hbm>> -> memref<32768xf32, #tpu.memory_space<hbm>>
    tpu.wait_dma2 semaphore(%dma_wait3A_351 : memref<!tpu.dma_semaphore, #tpu.memory_space<semaphore_mem>>) src(%dma_wait3A_352 : memref<32768xf32, #tpu.memory_space<hbm>>) dst(%arg4 : memref<32768xf32, #tpu.memory_space<vmem>>)
    %add3A_353 = arith.constant 393216 : i32
    %add3A_354 = arith.addi %mul3A_2, %add3A_353 : i32
    %dma_start3A_355 = arith.constant 0 : i32
    %dma_start3A_356 = tpu.memref_slice %arg3[%add3A_354] : memref<33554432xf32, #tpu.memory_space<hbm>> -> memref<32768xf32, #tpu.memory_space<hbm>>
    %dma_start3A_357 = tpu.memref_slice %arg8[%dma_start3A_355] : memref<3x!tpu.dma_semaphore, #tpu.memory_space<semaphore_mem>> -> memref<1x!tpu.dma_semaphore, #tpu.memory_space<semaphore_mem>>
    %dma_start3A_358 = tpu.memref_squeeze %dma_start3A_357 : memref<1x!tpu.dma_semaphore, #tpu.memory_space<semaphore_mem>> -> memref<!tpu.dma_semaphore, #tpu.memory_space<semaphore_mem>>
    %dma_start3A_359 = tpu.memref_slice %arg3[%add3A_354] : memref<33554432xf32, #tpu.memory_space<hbm>> -> memref<32768xf32, #tpu.memory_space<hbm>>
    tpu.enqueue_dma source(%arg4 : memref<32768xf32, #tpu.memory_space<vmem>>) target(%dma_start3A_359 : memref<32768xf32, #tpu.memory_space<hbm>>) target_semaphore(%dma_start3A_358 : memref<!tpu.dma_semaphore, #tpu.memory_space<semaphore_mem>>)
    %add3A_360 = arith.constant 360448 : i32
    %add3A_361 = arith.addi %mul3A_2, %add3A_360 : i32
    %dma_wait3A_362 = arith.constant 2 : i32
    %dma_wait3A_363 = tpu.memref_slice %arg3[%add3A_361] : memref<33554432xf32, #tpu.memory_space<hbm>> -> memref<32768xf32, #tpu.memory_space<hbm>>
    %dma_wait3A_364 = tpu.memref_slice %arg8[%dma_wait3A_362] : memref<3x!tpu.dma_semaphore, #tpu.memory_space<semaphore_mem>> -> memref<1x!tpu.dma_semaphore, #tpu.memory_space<semaphore_mem>>
    %dma_wait3A_365 = tpu.memref_squeeze %dma_wait3A_364 : memref<1x!tpu.dma_semaphore, #tpu.memory_space<semaphore_mem>> -> memref<!tpu.dma_semaphore, #tpu.memory_space<semaphore_mem>>
    %dma_wait3A_366 = tpu.memref_slice %arg3[%add3A_361] : memref<33554432xf32, #tpu.memory_space<hbm>> -> memref<32768xf32, #tpu.memory_space<hbm>>
    tpu.wait_dma2 semaphore(%dma_wait3A_365 : memref<!tpu.dma_semaphore, #tpu.memory_space<semaphore_mem>>) src(%arg6 : memref<32768xf32, #tpu.memory_space<vmem>>) dst(%dma_wait3A_366 : memref<32768xf32, #tpu.memory_space<hbm>>)
    %add3A_367 = arith.constant 458752 : i32
    %add3A_368 = arith.addi %mul3A_2, %add3A_367 : i32
    %dma_start3A_369 = arith.constant 2 : i32
    %dma_start3A_370 = tpu.memref_slice %arg2[%add3A_368] : memref<33554432xf32, #tpu.memory_space<hbm>> -> memref<32768xf32, #tpu.memory_space<hbm>>
    %dma_start3A_371 = tpu.memref_slice %arg7[%dma_start3A_369] : memref<3x!tpu.dma_semaphore, #tpu.memory_space<semaphore_mem>> -> memref<1x!tpu.dma_semaphore, #tpu.memory_space<semaphore_mem>>
    %dma_start3A_372 = tpu.memref_squeeze %dma_start3A_371 : memref<1x!tpu.dma_semaphore, #tpu.memory_space<semaphore_mem>> -> memref<!tpu.dma_semaphore, #tpu.memory_space<semaphore_mem>>
    %dma_start3A_373 = tpu.memref_slice %arg2[%add3A_368] : memref<33554432xf32, #tpu.memory_space<hbm>> -> memref<32768xf32, #tpu.memory_space<hbm>>
    tpu.enqueue_dma source(%dma_start3A_373 : memref<32768xf32, #tpu.memory_space<hbm>>) target(%arg6 : memref<32768xf32, #tpu.memory_space<vmem>>) target_semaphore(%dma_start3A_372 : memref<!tpu.dma_semaphore, #tpu.memory_space<semaphore_mem>>)
    %add3A_374 = arith.constant 425984 : i32
    %add3A_375 = arith.addi %mul3A_2, %add3A_374 : i32
    %dma_wait3A_376 = arith.constant 1 : i32
    %dma_wait3A_377 = tpu.memref_slice %arg2[%add3A_375] : memref<33554432xf32, #tpu.memory_space<hbm>> -> memref<32768xf32, #tpu.memory_space<hbm>>
    %dma_wait3A_378 = tpu.memref_slice %arg7[%dma_wait3A_376] : memref<3x!tpu.dma_semaphore, #tpu.memory_space<semaphore_mem>> -> memref<1x!tpu.dma_semaphore, #tpu.memory_space<semaphore_mem>>
    %dma_wait3A_379 = tpu.memref_squeeze %dma_wait3A_378 : memref<1x!tpu.dma_semaphore, #tpu.memory_space<semaphore_mem>> -> memref<!tpu.dma_semaphore, #tpu.memory_space<semaphore_mem>>
    %dma_wait3A_380 = tpu.memref_slice %arg2[%add3A_375] : memref<33554432xf32, #tpu.memory_space<hbm>> -> memref<32768xf32, #tpu.memory_space<hbm>>
    tpu.wait_dma2 semaphore(%dma_wait3A_379 : memref<!tpu.dma_semaphore, #tpu.memory_space<semaphore_mem>>) src(%dma_wait3A_380 : memref<32768xf32, #tpu.memory_space<hbm>>) dst(%arg5 : memref<32768xf32, #tpu.memory_space<vmem>>)
    %add3A_381 = arith.constant 425984 : i32
    %add3A_382 = arith.addi %mul3A_2, %add3A_381 : i32
    %dma_start3A_383 = arith.constant 1 : i32
    %dma_start3A_384 = tpu.memref_slice %arg3[%add3A_382] : memref<33554432xf32, #tpu.memory_space<hbm>> -> memref<32768xf32, #tpu.memory_space<hbm>>
    %dma_start3A_385 = tpu.memref_slice %arg8[%dma_start3A_383] : memref<3x!tpu.dma_semaphore, #tpu.memory_space<semaphore_mem>> -> memref<1x!tpu.dma_semaphore, #tpu.memory_space<semaphore_mem>>
    %dma_start3A_386 = tpu.memref_squeeze %dma_start3A_385 : memref<1x!tpu.dma_semaphore, #tpu.memory_space<semaphore_mem>> -> memref<!tpu.dma_semaphore, #tpu.memory_space<semaphore_mem>>
    %dma_start3A_387 = tpu.memref_slice %arg3[%add3A_382] : memref<33554432xf32, #tpu.memory_space<hbm>> -> memref<32768xf32, #tpu.memory_space<hbm>>
    tpu.enqueue_dma source(%arg5 : memref<32768xf32, #tpu.memory_space<vmem>>) target(%dma_start3A_387 : memref<32768xf32, #tpu.memory_space<hbm>>) target_semaphore(%dma_start3A_386 : memref<!tpu.dma_semaphore, #tpu.memory_space<semaphore_mem>>)
    %add3A_388 = arith.constant 393216 : i32
    %add3A_389 = arith.addi %mul3A_2, %add3A_388 : i32
    %dma_wait3A_390 = arith.constant 0 : i32
    %dma_wait3A_391 = tpu.memref_slice %arg3[%add3A_389] : memref<33554432xf32, #tpu.memory_space<hbm>> -> memref<32768xf32, #tpu.memory_space<hbm>>
    %dma_wait3A_392 = tpu.memref_slice %arg8[%dma_wait3A_390] : memref<3x!tpu.dma_semaphore, #tpu.memory_space<semaphore_mem>> -> memref<1x!tpu.dma_semaphore, #tpu.memory_space<semaphore_mem>>
    %dma_wait3A_393 = tpu.memref_squeeze %dma_wait3A_392 : memref<1x!tpu.dma_semaphore, #tpu.memory_space<semaphore_mem>> -> memref<!tpu.dma_semaphore, #tpu.memory_space<semaphore_mem>>
    %dma_wait3A_394 = tpu.memref_slice %arg3[%add3A_389] : memref<33554432xf32, #tpu.memory_space<hbm>> -> memref<32768xf32, #tpu.memory_space<hbm>>
    tpu.wait_dma2 semaphore(%dma_wait3A_393 : memref<!tpu.dma_semaphore, #tpu.memory_space<semaphore_mem>>) src(%arg4 : memref<32768xf32, #tpu.memory_space<vmem>>) dst(%dma_wait3A_394 : memref<32768xf32, #tpu.memory_space<hbm>>)
    %add3A_395 = arith.constant 491520 : i32
    %add3A_396 = arith.addi %mul3A_2, %add3A_395 : i32
    %dma_start3A_397 = arith.constant 0 : i32
    %dma_start3A_398 = tpu.memref_slice %arg2[%add3A_396] : memref<33554432xf32, #tpu.memory_space<hbm>> -> memref<32768xf32, #tpu.memory_space<hbm>>
    %dma_start3A_399 = tpu.memref_slice %arg7[%dma_start3A_397] : memref<3x!tpu.dma_semaphore, #tpu.memory_space<semaphore_mem>> -> memref<1x!tpu.dma_semaphore, #tpu.memory_space<semaphore_mem>>
    %dma_start3A_400 = tpu.memref_squeeze %dma_start3A_399 : memref<1x!tpu.dma_semaphore, #tpu.memory_space<semaphore_mem>> -> memref<!tpu.dma_semaphore, #tpu.memory_space<semaphore_mem>>
    %dma_start3A_401 = tpu.memref_slice %arg2[%add3A_396] : memref<33554432xf32, #tpu.memory_space<hbm>> -> memref<32768xf32, #tpu.memory_space<hbm>>
    tpu.enqueue_dma source(%dma_start3A_401 : memref<32768xf32, #tpu.memory_space<hbm>>) target(%arg4 : memref<32768xf32, #tpu.memory_space<vmem>>) target_semaphore(%dma_start3A_400 : memref<!tpu.dma_semaphore, #tpu.memory_space<semaphore_mem>>)
    %add3A_402 = arith.constant 458752 : i32
    %add3A_403 = arith.addi %mul3A_2, %add3A_402 : i32
    %dma_wait3A_404 = arith.constant 2 : i32
    %dma_wait3A_405 = tpu.memref_slice %arg2[%add3A_403] : memref<33554432xf32, #tpu.memory_space<hbm>> -> memref<32768xf32, #tpu.memory_space<hbm>>
    %dma_wait3A_406 = tpu.memref_slice %arg7[%dma_wait3A_404] : memref<3x!tpu.dma_semaphore, #tpu.memory_space<semaphore_mem>> -> memref<1x!tpu.dma_semaphore, #tpu.memory_space<semaphore_mem>>
    %dma_wait3A_407 = tpu.memref_squeeze %dma_wait3A_406 : memref<1x!tpu.dma_semaphore, #tpu.memory_space<semaphore_mem>> -> memref<!tpu.dma_semaphore, #tpu.memory_space<semaphore_mem>>
    %dma_wait3A_408 = tpu.memref_slice %arg2[%add3A_403] : memref<33554432xf32, #tpu.memory_space<hbm>> -> memref<32768xf32, #tpu.memory_space<hbm>>
    tpu.wait_dma2 semaphore(%dma_wait3A_407 : memref<!tpu.dma_semaphore, #tpu.memory_space<semaphore_mem>>) src(%dma_wait3A_408 : memref<32768xf32, #tpu.memory_space<hbm>>) dst(%arg6 : memref<32768xf32, #tpu.memory_space<vmem>>)
    %add3A_409 = arith.constant 458752 : i32
    %add3A_410 = arith.addi %mul3A_2, %add3A_409 : i32
    %dma_start3A_411 = arith.constant 2 : i32
    %dma_start3A_412 = tpu.memref_slice %arg3[%add3A_410] : memref<33554432xf32, #tpu.memory_space<hbm>> -> memref<32768xf32, #tpu.memory_space<hbm>>
    %dma_start3A_413 = tpu.memref_slice %arg8[%dma_start3A_411] : memref<3x!tpu.dma_semaphore, #tpu.memory_space<semaphore_mem>> -> memref<1x!tpu.dma_semaphore, #tpu.memory_space<semaphore_mem>>
    %dma_start3A_414 = tpu.memref_squeeze %dma_start3A_413 : memref<1x!tpu.dma_semaphore, #tpu.memory_space<semaphore_mem>> -> memref<!tpu.dma_semaphore, #tpu.memory_space<semaphore_mem>>
    %dma_start3A_415 = tpu.memref_slice %arg3[%add3A_410] : memref<33554432xf32, #tpu.memory_space<hbm>> -> memref<32768xf32, #tpu.memory_space<hbm>>
    tpu.enqueue_dma source(%arg6 : memref<32768xf32, #tpu.memory_space<vmem>>) target(%dma_start3A_415 : memref<32768xf32, #tpu.memory_space<hbm>>) target_semaphore(%dma_start3A_414 : memref<!tpu.dma_semaphore, #tpu.memory_space<semaphore_mem>>)
    %add3A_416 = arith.constant 425984 : i32
    %add3A_417 = arith.addi %mul3A_2, %add3A_416 : i32
    %dma_wait3A_418 = arith.constant 1 : i32
    %dma_wait3A_419 = tpu.memref_slice %arg3[%add3A_417] : memref<33554432xf32, #tpu.memory_space<hbm>> -> memref<32768xf32, #tpu.memory_space<hbm>>
    %dma_wait3A_420 = tpu.memref_slice %arg8[%dma_wait3A_418] : memref<3x!tpu.dma_semaphore, #tpu.memory_space<semaphore_mem>> -> memref<1x!tpu.dma_semaphore, #tpu.memory_space<semaphore_mem>>
    %dma_wait3A_421 = tpu.memref_squeeze %dma_wait3A_420 : memref<1x!tpu.dma_semaphore, #tpu.memory_space<semaphore_mem>> -> memref<!tpu.dma_semaphore, #tpu.memory_space<semaphore_mem>>
    %dma_wait3A_422 = tpu.memref_slice %arg3[%add3A_417] : memref<33554432xf32, #tpu.memory_space<hbm>> -> memref<32768xf32, #tpu.memory_space<hbm>>
    tpu.wait_dma2 semaphore(%dma_wait3A_421 : memref<!tpu.dma_semaphore, #tpu.memory_space<semaphore_mem>>) src(%arg5 : memref<32768xf32, #tpu.memory_space<vmem>>) dst(%dma_wait3A_422 : memref<32768xf32, #tpu.memory_space<hbm>>)
    %add3A_423 = arith.constant 524288 : i32
    %add3A_424 = arith.addi %mul3A_2, %add3A_423 : i32
    %dma_start3A_425 = arith.constant 1 : i32
    %dma_start3A_426 = tpu.memref_slice %arg2[%add3A_424] : memref<33554432xf32, #tpu.memory_space<hbm>> -> memref<32768xf32, #tpu.memory_space<hbm>>
    %dma_start3A_427 = tpu.memref_slice %arg7[%dma_start3A_425] : memref<3x!tpu.dma_semaphore, #tpu.memory_space<semaphore_mem>> -> memref<1x!tpu.dma_semaphore, #tpu.memory_space<semaphore_mem>>
    %dma_start3A_428 = tpu.memref_squeeze %dma_start3A_427 : memref<1x!tpu.dma_semaphore, #tpu.memory_space<semaphore_mem>> -> memref<!tpu.dma_semaphore, #tpu.memory_space<semaphore_mem>>
    %dma_start3A_429 = tpu.memref_slice %arg2[%add3A_424] : memref<33554432xf32, #tpu.memory_space<hbm>> -> memref<32768xf32, #tpu.memory_space<hbm>>
    tpu.enqueue_dma source(%dma_start3A_429 : memref<32768xf32, #tpu.memory_space<hbm>>) target(%arg5 : memref<32768xf32, #tpu.memory_space<vmem>>) target_semaphore(%dma_start3A_428 : memref<!tpu.dma_semaphore, #tpu.memory_space<semaphore_mem>>)
    %add3A_430 = arith.constant 491520 : i32
    %add3A_431 = arith.addi %mul3A_2, %add3A_430 : i32
    %dma_wait3A_432 = arith.constant 0 : i32
    %dma_wait3A_433 = tpu.memref_slice %arg2[%add3A_431] : memref<33554432xf32, #tpu.memory_space<hbm>> -> memref<32768xf32, #tpu.memory_space<hbm>>
    %dma_wait3A_434 = tpu.memref_slice %arg7[%dma_wait3A_432] : memref<3x!tpu.dma_semaphore, #tpu.memory_space<semaphore_mem>> -> memref<1x!tpu.dma_semaphore, #tpu.memory_space<semaphore_mem>>
    %dma_wait3A_435 = tpu.memref_squeeze %dma_wait3A_434 : memref<1x!tpu.dma_semaphore, #tpu.memory_space<semaphore_mem>> -> memref<!tpu.dma_semaphore, #tpu.memory_space<semaphore_mem>>
    %dma_wait3A_436 = tpu.memref_slice %arg2[%add3A_431] : memref<33554432xf32, #tpu.memory_space<hbm>> -> memref<32768xf32, #tpu.memory_space<hbm>>
    tpu.wait_dma2 semaphore(%dma_wait3A_435 : memref<!tpu.dma_semaphore, #tpu.memory_space<semaphore_mem>>) src(%dma_wait3A_436 : memref<32768xf32, #tpu.memory_space<hbm>>) dst(%arg4 : memref<32768xf32, #tpu.memory_space<vmem>>)
    %add3A_437 = arith.constant 491520 : i32
    %add3A_438 = arith.addi %mul3A_2, %add3A_437 : i32
    %dma_start3A_439 = arith.constant 0 : i32
    %dma_start3A_440 = tpu.memref_slice %arg3[%add3A_438] : memref<33554432xf32, #tpu.memory_space<hbm>> -> memref<32768xf32, #tpu.memory_space<hbm>>
    %dma_start3A_441 = tpu.memref_slice %arg8[%dma_start3A_439] : memref<3x!tpu.dma_semaphore, #tpu.memory_space<semaphore_mem>> -> memref<1x!tpu.dma_semaphore, #tpu.memory_space<semaphore_mem>>
    %dma_start3A_442 = tpu.memref_squeeze %dma_start3A_441 : memref<1x!tpu.dma_semaphore, #tpu.memory_space<semaphore_mem>> -> memref<!tpu.dma_semaphore, #tpu.memory_space<semaphore_mem>>
    %dma_start3A_443 = tpu.memref_slice %arg3[%add3A_438] : memref<33554432xf32, #tpu.memory_space<hbm>> -> memref<32768xf32, #tpu.memory_space<hbm>>
    tpu.enqueue_dma source(%arg4 : memref<32768xf32, #tpu.memory_space<vmem>>) target(%dma_start3A_443 : memref<32768xf32, #tpu.memory_space<hbm>>) target_semaphore(%dma_start3A_442 : memref<!tpu.dma_semaphore, #tpu.memory_space<semaphore_mem>>)
    %add3A_444 = arith.constant 458752 : i32
    %add3A_445 = arith.addi %mul3A_2, %add3A_444 : i32
    %dma_wait3A_446 = arith.constant 2 : i32
    %dma_wait3A_447 = tpu.memref_slice %arg3[%add3A_445] : memref<33554432xf32, #tpu.memory_space<hbm>> -> memref<32768xf32, #tpu.memory_space<hbm>>
    %dma_wait3A_448 = tpu.memref_slice %arg8[%dma_wait3A_446] : memref<3x!tpu.dma_semaphore, #tpu.memory_space<semaphore_mem>> -> memref<1x!tpu.dma_semaphore, #tpu.memory_space<semaphore_mem>>
    %dma_wait3A_449 = tpu.memref_squeeze %dma_wait3A_448 : memref<1x!tpu.dma_semaphore, #tpu.memory_space<semaphore_mem>> -> memref<!tpu.dma_semaphore, #tpu.memory_space<semaphore_mem>>
    %dma_wait3A_450 = tpu.memref_slice %arg3[%add3A_445] : memref<33554432xf32, #tpu.memory_space<hbm>> -> memref<32768xf32, #tpu.memory_space<hbm>>
    tpu.wait_dma2 semaphore(%dma_wait3A_449 : memref<!tpu.dma_semaphore, #tpu.memory_space<semaphore_mem>>) src(%arg6 : memref<32768xf32, #tpu.memory_space<vmem>>) dst(%dma_wait3A_450 : memref<32768xf32, #tpu.memory_space<hbm>>)
    %add3A_451 = arith.constant 557056 : i32
    %add3A_452 = arith.addi %mul3A_2, %add3A_451 : i32
    %dma_start3A_453 = arith.constant 2 : i32
    %dma_start3A_454 = tpu.memref_slice %arg2[%add3A_452] : memref<33554432xf32, #tpu.memory_space<hbm>> -> memref<32768xf32, #tpu.memory_space<hbm>>
    %dma_start3A_455 = tpu.memref_slice %arg7[%dma_start3A_453] : memref<3x!tpu.dma_semaphore, #tpu.memory_space<semaphore_mem>> -> memref<1x!tpu.dma_semaphore, #tpu.memory_space<semaphore_mem>>
    %dma_start3A_456 = tpu.memref_squeeze %dma_start3A_455 : memref<1x!tpu.dma_semaphore, #tpu.memory_space<semaphore_mem>> -> memref<!tpu.dma_semaphore, #tpu.memory_space<semaphore_mem>>
    %dma_start3A_457 = tpu.memref_slice %arg2[%add3A_452] : memref<33554432xf32, #tpu.memory_space<hbm>> -> memref<32768xf32, #tpu.memory_space<hbm>>
    tpu.enqueue_dma source(%dma_start3A_457 : memref<32768xf32, #tpu.memory_space<hbm>>) target(%arg6 : memref<32768xf32, #tpu.memory_space<vmem>>) target_semaphore(%dma_start3A_456 : memref<!tpu.dma_semaphore, #tpu.memory_space<semaphore_mem>>)
    %add3A_458 = arith.constant 524288 : i32
    %add3A_459 = arith.addi %mul3A_2, %add3A_458 : i32
    %dma_wait3A_460 = arith.constant 1 : i32
    %dma_wait3A_461 = tpu.memref_slice %arg2[%add3A_459] : memref<33554432xf32, #tpu.memory_space<hbm>> -> memref<32768xf32, #tpu.memory_space<hbm>>
    %dma_wait3A_462 = tpu.memref_slice %arg7[%dma_wait3A_460] : memref<3x!tpu.dma_semaphore, #tpu.memory_space<semaphore_mem>> -> memref<1x!tpu.dma_semaphore, #tpu.memory_space<semaphore_mem>>
    %dma_wait3A_463 = tpu.memref_squeeze %dma_wait3A_462 : memref<1x!tpu.dma_semaphore, #tpu.memory_space<semaphore_mem>> -> memref<!tpu.dma_semaphore, #tpu.memory_space<semaphore_mem>>
    %dma_wait3A_464 = tpu.memref_slice %arg2[%add3A_459] : memref<33554432xf32, #tpu.memory_space<hbm>> -> memref<32768xf32, #tpu.memory_space<hbm>>
    tpu.wait_dma2 semaphore(%dma_wait3A_463 : memref<!tpu.dma_semaphore, #tpu.memory_space<semaphore_mem>>) src(%dma_wait3A_464 : memref<32768xf32, #tpu.memory_space<hbm>>) dst(%arg5 : memref<32768xf32, #tpu.memory_space<vmem>>)
    %add3A_465 = arith.constant 524288 : i32
    %add3A_466 = arith.addi %mul3A_2, %add3A_465 : i32
    %dma_start3A_467 = arith.constant 1 : i32
    %dma_start3A_468 = tpu.memref_slice %arg3[%add3A_466] : memref<33554432xf32, #tpu.memory_space<hbm>> -> memref<32768xf32, #tpu.memory_space<hbm>>
    %dma_start3A_469 = tpu.memref_slice %arg8[%dma_start3A_467] : memref<3x!tpu.dma_semaphore, #tpu.memory_space<semaphore_mem>> -> memref<1x!tpu.dma_semaphore, #tpu.memory_space<semaphore_mem>>
    %dma_start3A_470 = tpu.memref_squeeze %dma_start3A_469 : memref<1x!tpu.dma_semaphore, #tpu.memory_space<semaphore_mem>> -> memref<!tpu.dma_semaphore, #tpu.memory_space<semaphore_mem>>
    %dma_start3A_471 = tpu.memref_slice %arg3[%add3A_466] : memref<33554432xf32, #tpu.memory_space<hbm>> -> memref<32768xf32, #tpu.memory_space<hbm>>
    tpu.enqueue_dma source(%arg5 : memref<32768xf32, #tpu.memory_space<vmem>>) target(%dma_start3A_471 : memref<32768xf32, #tpu.memory_space<hbm>>) target_semaphore(%dma_start3A_470 : memref<!tpu.dma_semaphore, #tpu.memory_space<semaphore_mem>>)
    %add3A_472 = arith.constant 491520 : i32
    %add3A_473 = arith.addi %mul3A_2, %add3A_472 : i32
    %dma_wait3A_474 = arith.constant 0 : i32
    %dma_wait3A_475 = tpu.memref_slice %arg3[%add3A_473] : memref<33554432xf32, #tpu.memory_space<hbm>> -> memref<32768xf32, #tpu.memory_space<hbm>>
    %dma_wait3A_476 = tpu.memref_slice %arg8[%dma_wait3A_474] : memref<3x!tpu.dma_semaphore, #tpu.memory_space<semaphore_mem>> -> memref<1x!tpu.dma_semaphore, #tpu.memory_space<semaphore_mem>>
    %dma_wait3A_477 = tpu.memref_squeeze %dma_wait3A_476 : memref<1x!tpu.dma_semaphore, #tpu.memory_space<semaphore_mem>> -> memref<!tpu.dma_semaphore, #tpu.memory_space<semaphore_mem>>
    %dma_wait3A_478 = tpu.memref_slice %arg3[%add3A_473] : memref<33554432xf32, #tpu.memory_space<hbm>> -> memref<32768xf32, #tpu.memory_space<hbm>>
    tpu.wait_dma2 semaphore(%dma_wait3A_477 : memref<!tpu.dma_semaphore, #tpu.memory_space<semaphore_mem>>) src(%arg4 : memref<32768xf32, #tpu.memory_space<vmem>>) dst(%dma_wait3A_478 : memref<32768xf32, #tpu.memory_space<hbm>>)
    %add3A_479 = arith.constant 589824 : i32
    %add3A_480 = arith.addi %mul3A_2, %add3A_479 : i32
    %dma_start3A_481 = arith.constant 0 : i32
    %dma_start3A_482 = tpu.memref_slice %arg2[%add3A_480] : memref<33554432xf32, #tpu.memory_space<hbm>> -> memref<32768xf32, #tpu.memory_space<hbm>>
    %dma_start3A_483 = tpu.memref_slice %arg7[%dma_start3A_481] : memref<3x!tpu.dma_semaphore, #tpu.memory_space<semaphore_mem>> -> memref<1x!tpu.dma_semaphore, #tpu.memory_space<semaphore_mem>>
    %dma_start3A_484 = tpu.memref_squeeze %dma_start3A_483 : memref<1x!tpu.dma_semaphore, #tpu.memory_space<semaphore_mem>> -> memref<!tpu.dma_semaphore, #tpu.memory_space<semaphore_mem>>
    %dma_start3A_485 = tpu.memref_slice %arg2[%add3A_480] : memref<33554432xf32, #tpu.memory_space<hbm>> -> memref<32768xf32, #tpu.memory_space<hbm>>
    tpu.enqueue_dma source(%dma_start3A_485 : memref<32768xf32, #tpu.memory_space<hbm>>) target(%arg4 : memref<32768xf32, #tpu.memory_space<vmem>>) target_semaphore(%dma_start3A_484 : memref<!tpu.dma_semaphore, #tpu.memory_space<semaphore_mem>>)
    %add3A_486 = arith.constant 557056 : i32
    %add3A_487 = arith.addi %mul3A_2, %add3A_486 : i32
    %dma_wait3A_488 = arith.constant 2 : i32
    %dma_wait3A_489 = tpu.memref_slice %arg2[%add3A_487] : memref<33554432xf32, #tpu.memory_space<hbm>> -> memref<32768xf32, #tpu.memory_space<hbm>>
    %dma_wait3A_490 = tpu.memref_slice %arg7[%dma_wait3A_488] : memref<3x!tpu.dma_semaphore, #tpu.memory_space<semaphore_mem>> -> memref<1x!tpu.dma_semaphore, #tpu.memory_space<semaphore_mem>>
    %dma_wait3A_491 = tpu.memref_squeeze %dma_wait3A_490 : memref<1x!tpu.dma_semaphore, #tpu.memory_space<semaphore_mem>> -> memref<!tpu.dma_semaphore, #tpu.memory_space<semaphore_mem>>
    %dma_wait3A_492 = tpu.memref_slice %arg2[%add3A_487] : memref<33554432xf32, #tpu.memory_space<hbm>> -> memref<32768xf32, #tpu.memory_space<hbm>>
    tpu.wait_dma2 semaphore(%dma_wait3A_491 : memref<!tpu.dma_semaphore, #tpu.memory_space<semaphore_mem>>) src(%dma_wait3A_492 : memref<32768xf32, #tpu.memory_space<hbm>>) dst(%arg6 : memref<32768xf32, #tpu.memory_space<vmem>>)
    %add3A_493 = arith.constant 557056 : i32
    %add3A_494 = arith.addi %mul3A_2, %add3A_493 : i32
    %dma_start3A_495 = arith.constant 2 : i32
    %dma_start3A_496 = tpu.memref_slice %arg3[%add3A_494] : memref<33554432xf32, #tpu.memory_space<hbm>> -> memref<32768xf32, #tpu.memory_space<hbm>>
    %dma_start3A_497 = tpu.memref_slice %arg8[%dma_start3A_495] : memref<3x!tpu.dma_semaphore, #tpu.memory_space<semaphore_mem>> -> memref<1x!tpu.dma_semaphore, #tpu.memory_space<semaphore_mem>>
    %dma_start3A_498 = tpu.memref_squeeze %dma_start3A_497 : memref<1x!tpu.dma_semaphore, #tpu.memory_space<semaphore_mem>> -> memref<!tpu.dma_semaphore, #tpu.memory_space<semaphore_mem>>
    %dma_start3A_499 = tpu.memref_slice %arg3[%add3A_494] : memref<33554432xf32, #tpu.memory_space<hbm>> -> memref<32768xf32, #tpu.memory_space<hbm>>
    tpu.enqueue_dma source(%arg6 : memref<32768xf32, #tpu.memory_space<vmem>>) target(%dma_start3A_499 : memref<32768xf32, #tpu.memory_space<hbm>>) target_semaphore(%dma_start3A_498 : memref<!tpu.dma_semaphore, #tpu.memory_space<semaphore_mem>>)
    %add3A_500 = arith.constant 524288 : i32
    %add3A_501 = arith.addi %mul3A_2, %add3A_500 : i32
    %dma_wait3A_502 = arith.constant 1 : i32
    %dma_wait3A_503 = tpu.memref_slice %arg3[%add3A_501] : memref<33554432xf32, #tpu.memory_space<hbm>> -> memref<32768xf32, #tpu.memory_space<hbm>>
    %dma_wait3A_504 = tpu.memref_slice %arg8[%dma_wait3A_502] : memref<3x!tpu.dma_semaphore, #tpu.memory_space<semaphore_mem>> -> memref<1x!tpu.dma_semaphore, #tpu.memory_space<semaphore_mem>>
    %dma_wait3A_505 = tpu.memref_squeeze %dma_wait3A_504 : memref<1x!tpu.dma_semaphore, #tpu.memory_space<semaphore_mem>> -> memref<!tpu.dma_semaphore, #tpu.memory_space<semaphore_mem>>
    %dma_wait3A_506 = tpu.memref_slice %arg3[%add3A_501] : memref<33554432xf32, #tpu.memory_space<hbm>> -> memref<32768xf32, #tpu.memory_space<hbm>>
    tpu.wait_dma2 semaphore(%dma_wait3A_505 : memref<!tpu.dma_semaphore, #tpu.memory_space<semaphore_mem>>) src(%arg5 : memref<32768xf32, #tpu.memory_space<vmem>>) dst(%dma_wait3A_506 : memref<32768xf32, #tpu.memory_space<hbm>>)
    %add3A_507 = arith.constant 622592 : i32
    %add3A_508 = arith.addi %mul3A_2, %add3A_507 : i32
    %dma_start3A_509 = arith.constant 1 : i32
    %dma_start3A_510 = tpu.memref_slice %arg2[%add3A_508] : memref<33554432xf32, #tpu.memory_space<hbm>> -> memref<32768xf32, #tpu.memory_space<hbm>>
    %dma_start3A_511 = tpu.memref_slice %arg7[%dma_start3A_509] : memref<3x!tpu.dma_semaphore, #tpu.memory_space<semaphore_mem>> -> memref<1x!tpu.dma_semaphore, #tpu.memory_space<semaphore_mem>>
    %dma_start3A_512 = tpu.memref_squeeze %dma_start3A_511 : memref<1x!tpu.dma_semaphore, #tpu.memory_space<semaphore_mem>> -> memref<!tpu.dma_semaphore, #tpu.memory_space<semaphore_mem>>
    %dma_start3A_513 = tpu.memref_slice %arg2[%add3A_508] : memref<33554432xf32, #tpu.memory_space<hbm>> -> memref<32768xf32, #tpu.memory_space<hbm>>
    tpu.enqueue_dma source(%dma_start3A_513 : memref<32768xf32, #tpu.memory_space<hbm>>) target(%arg5 : memref<32768xf32, #tpu.memory_space<vmem>>) target_semaphore(%dma_start3A_512 : memref<!tpu.dma_semaphore, #tpu.memory_space<semaphore_mem>>)
    %add3A_514 = arith.constant 589824 : i32
    %add3A_515 = arith.addi %mul3A_2, %add3A_514 : i32
    %dma_wait3A_516 = arith.constant 0 : i32
    %dma_wait3A_517 = tpu.memref_slice %arg2[%add3A_515] : memref<33554432xf32, #tpu.memory_space<hbm>> -> memref<32768xf32, #tpu.memory_space<hbm>>
    %dma_wait3A_518 = tpu.memref_slice %arg7[%dma_wait3A_516] : memref<3x!tpu.dma_semaphore, #tpu.memory_space<semaphore_mem>> -> memref<1x!tpu.dma_semaphore, #tpu.memory_space<semaphore_mem>>
    %dma_wait3A_519 = tpu.memref_squeeze %dma_wait3A_518 : memref<1x!tpu.dma_semaphore, #tpu.memory_space<semaphore_mem>> -> memref<!tpu.dma_semaphore, #tpu.memory_space<semaphore_mem>>
    %dma_wait3A_520 = tpu.memref_slice %arg2[%add3A_515] : memref<33554432xf32, #tpu.memory_space<hbm>> -> memref<32768xf32, #tpu.memory_space<hbm>>
    tpu.wait_dma2 semaphore(%dma_wait3A_519 : memref<!tpu.dma_semaphore, #tpu.memory_space<semaphore_mem>>) src(%dma_wait3A_520 : memref<32768xf32, #tpu.memory_space<hbm>>) dst(%arg4 : memref<32768xf32, #tpu.memory_space<vmem>>)
    %add3A_521 = arith.constant 589824 : i32
    %add3A_522 = arith.addi %mul3A_2, %add3A_521 : i32
    %dma_start3A_523 = arith.constant 0 : i32
    %dma_start3A_524 = tpu.memref_slice %arg3[%add3A_522] : memref<33554432xf32, #tpu.memory_space<hbm>> -> memref<32768xf32, #tpu.memory_space<hbm>>
    %dma_start3A_525 = tpu.memref_slice %arg8[%dma_start3A_523] : memref<3x!tpu.dma_semaphore, #tpu.memory_space<semaphore_mem>> -> memref<1x!tpu.dma_semaphore, #tpu.memory_space<semaphore_mem>>
    %dma_start3A_526 = tpu.memref_squeeze %dma_start3A_525 : memref<1x!tpu.dma_semaphore, #tpu.memory_space<semaphore_mem>> -> memref<!tpu.dma_semaphore, #tpu.memory_space<semaphore_mem>>
    %dma_start3A_527 = tpu.memref_slice %arg3[%add3A_522] : memref<33554432xf32, #tpu.memory_space<hbm>> -> memref<32768xf32, #tpu.memory_space<hbm>>
    tpu.enqueue_dma source(%arg4 : memref<32768xf32, #tpu.memory_space<vmem>>) target(%dma_start3A_527 : memref<32768xf32, #tpu.memory_space<hbm>>) target_semaphore(%dma_start3A_526 : memref<!tpu.dma_semaphore, #tpu.memory_space<semaphore_mem>>)
    %add3A_528 = arith.constant 557056 : i32
    %add3A_529 = arith.addi %mul3A_2, %add3A_528 : i32
    %dma_wait3A_530 = arith.constant 2 : i32
    %dma_wait3A_531 = tpu.memref_slice %arg3[%add3A_529] : memref<33554432xf32, #tpu.memory_space<hbm>> -> memref<32768xf32, #tpu.memory_space<hbm>>
    %dma_wait3A_532 = tpu.memref_slice %arg8[%dma_wait3A_530] : memref<3x!tpu.dma_semaphore, #tpu.memory_space<semaphore_mem>> -> memref<1x!tpu.dma_semaphore, #tpu.memory_space<semaphore_mem>>
    %dma_wait3A_533 = tpu.memref_squeeze %dma_wait3A_532 : memref<1x!tpu.dma_semaphore, #tpu.memory_space<semaphore_mem>> -> memref<!tpu.dma_semaphore, #tpu.memory_space<semaphore_mem>>
    %dma_wait3A_534 = tpu.memref_slice %arg3[%add3A_529] : memref<33554432xf32, #tpu.memory_space<hbm>> -> memref<32768xf32, #tpu.memory_space<hbm>>
    tpu.wait_dma2 semaphore(%dma_wait3A_533 : memref<!tpu.dma_semaphore, #tpu.memory_space<semaphore_mem>>) src(%arg6 : memref<32768xf32, #tpu.memory_space<vmem>>) dst(%dma_wait3A_534 : memref<32768xf32, #tpu.memory_space<hbm>>)
    %add3A_535 = arith.constant 655360 : i32
    %add3A_536 = arith.addi %mul3A_2, %add3A_535 : i32
    %dma_start3A_537 = arith.constant 2 : i32
    %dma_start3A_538 = tpu.memref_slice %arg2[%add3A_536] : memref<33554432xf32, #tpu.memory_space<hbm>> -> memref<32768xf32, #tpu.memory_space<hbm>>
    %dma_start3A_539 = tpu.memref_slice %arg7[%dma_start3A_537] : memref<3x!tpu.dma_semaphore, #tpu.memory_space<semaphore_mem>> -> memref<1x!tpu.dma_semaphore, #tpu.memory_space<semaphore_mem>>
    %dma_start3A_540 = tpu.memref_squeeze %dma_start3A_539 : memref<1x!tpu.dma_semaphore, #tpu.memory_space<semaphore_mem>> -> memref<!tpu.dma_semaphore, #tpu.memory_space<semaphore_mem>>
    %dma_start3A_541 = tpu.memref_slice %arg2[%add3A_536] : memref<33554432xf32, #tpu.memory_space<hbm>> -> memref<32768xf32, #tpu.memory_space<hbm>>
    tpu.enqueue_dma source(%dma_start3A_541 : memref<32768xf32, #tpu.memory_space<hbm>>) target(%arg6 : memref<32768xf32, #tpu.memory_space<vmem>>) target_semaphore(%dma_start3A_540 : memref<!tpu.dma_semaphore, #tpu.memory_space<semaphore_mem>>)
    %add3A_542 = arith.constant 622592 : i32
    %add3A_543 = arith.addi %mul3A_2, %add3A_542 : i32
    %dma_wait3A_544 = arith.constant 1 : i32
    %dma_wait3A_545 = tpu.memref_slice %arg2[%add3A_543] : memref<33554432xf32, #tpu.memory_space<hbm>> -> memref<32768xf32, #tpu.memory_space<hbm>>
    %dma_wait3A_546 = tpu.memref_slice %arg7[%dma_wait3A_544] : memref<3x!tpu.dma_semaphore, #tpu.memory_space<semaphore_mem>> -> memref<1x!tpu.dma_semaphore, #tpu.memory_space<semaphore_mem>>
    %dma_wait3A_547 = tpu.memref_squeeze %dma_wait3A_546 : memref<1x!tpu.dma_semaphore, #tpu.memory_space<semaphore_mem>> -> memref<!tpu.dma_semaphore, #tpu.memory_space<semaphore_mem>>
    %dma_wait3A_548 = tpu.memref_slice %arg2[%add3A_543] : memref<33554432xf32, #tpu.memory_space<hbm>> -> memref<32768xf32, #tpu.memory_space<hbm>>
    tpu.wait_dma2 semaphore(%dma_wait3A_547 : memref<!tpu.dma_semaphore, #tpu.memory_space<semaphore_mem>>) src(%dma_wait3A_548 : memref<32768xf32, #tpu.memory_space<hbm>>) dst(%arg5 : memref<32768xf32, #tpu.memory_space<vmem>>)
    %add3A_549 = arith.constant 622592 : i32
    %add3A_550 = arith.addi %mul3A_2, %add3A_549 : i32
    %dma_start3A_551 = arith.constant 1 : i32
    %dma_start3A_552 = tpu.memref_slice %arg3[%add3A_550] : memref<33554432xf32, #tpu.memory_space<hbm>> -> memref<32768xf32, #tpu.memory_space<hbm>>
    %dma_start3A_553 = tpu.memref_slice %arg8[%dma_start3A_551] : memref<3x!tpu.dma_semaphore, #tpu.memory_space<semaphore_mem>> -> memref<1x!tpu.dma_semaphore, #tpu.memory_space<semaphore_mem>>
    %dma_start3A_554 = tpu.memref_squeeze %dma_start3A_553 : memref<1x!tpu.dma_semaphore, #tpu.memory_space<semaphore_mem>> -> memref<!tpu.dma_semaphore, #tpu.memory_space<semaphore_mem>>
    %dma_start3A_555 = tpu.memref_slice %arg3[%add3A_550] : memref<33554432xf32, #tpu.memory_space<hbm>> -> memref<32768xf32, #tpu.memory_space<hbm>>
    tpu.enqueue_dma source(%arg5 : memref<32768xf32, #tpu.memory_space<vmem>>) target(%dma_start3A_555 : memref<32768xf32, #tpu.memory_space<hbm>>) target_semaphore(%dma_start3A_554 : memref<!tpu.dma_semaphore, #tpu.memory_space<semaphore_mem>>)
    %add3A_556 = arith.constant 589824 : i32
    %add3A_557 = arith.addi %mul3A_2, %add3A_556 : i32
    %dma_wait3A_558 = arith.constant 0 : i32
    %dma_wait3A_559 = tpu.memref_slice %arg3[%add3A_557] : memref<33554432xf32, #tpu.memory_space<hbm>> -> memref<32768xf32, #tpu.memory_space<hbm>>
    %dma_wait3A_560 = tpu.memref_slice %arg8[%dma_wait3A_558] : memref<3x!tpu.dma_semaphore, #tpu.memory_space<semaphore_mem>> -> memref<1x!tpu.dma_semaphore, #tpu.memory_space<semaphore_mem>>
    %dma_wait3A_561 = tpu.memref_squeeze %dma_wait3A_560 : memref<1x!tpu.dma_semaphore, #tpu.memory_space<semaphore_mem>> -> memref<!tpu.dma_semaphore, #tpu.memory_space<semaphore_mem>>
    %dma_wait3A_562 = tpu.memref_slice %arg3[%add3A_557] : memref<33554432xf32, #tpu.memory_space<hbm>> -> memref<32768xf32, #tpu.memory_space<hbm>>
    tpu.wait_dma2 semaphore(%dma_wait3A_561 : memref<!tpu.dma_semaphore, #tpu.memory_space<semaphore_mem>>) src(%arg4 : memref<32768xf32, #tpu.memory_space<vmem>>) dst(%dma_wait3A_562 : memref<32768xf32, #tpu.memory_space<hbm>>)
    %add3A_563 = arith.constant 688128 : i32
    %add3A_564 = arith.addi %mul3A_2, %add3A_563 : i32
    %dma_start3A_565 = arith.constant 0 : i32
    %dma_start3A_566 = tpu.memref_slice %arg2[%add3A_564] : memref<33554432xf32, #tpu.memory_space<hbm>> -> memref<32768xf32, #tpu.memory_space<hbm>>
    %dma_start3A_567 = tpu.memref_slice %arg7[%dma_start3A_565] : memref<3x!tpu.dma_semaphore, #tpu.memory_space<semaphore_mem>> -> memref<1x!tpu.dma_semaphore, #tpu.memory_space<semaphore_mem>>
    %dma_start3A_568 = tpu.memref_squeeze %dma_start3A_567 : memref<1x!tpu.dma_semaphore, #tpu.memory_space<semaphore_mem>> -> memref<!tpu.dma_semaphore, #tpu.memory_space<semaphore_mem>>
    %dma_start3A_569 = tpu.memref_slice %arg2[%add3A_564] : memref<33554432xf32, #tpu.memory_space<hbm>> -> memref<32768xf32, #tpu.memory_space<hbm>>
    tpu.enqueue_dma source(%dma_start3A_569 : memref<32768xf32, #tpu.memory_space<hbm>>) target(%arg4 : memref<32768xf32, #tpu.memory_space<vmem>>) target_semaphore(%dma_start3A_568 : memref<!tpu.dma_semaphore, #tpu.memory_space<semaphore_mem>>)
    %add3A_570 = arith.constant 655360 : i32
    %add3A_571 = arith.addi %mul3A_2, %add3A_570 : i32
    %dma_wait3A_572 = arith.constant 2 : i32
    %dma_wait3A_573 = tpu.memref_slice %arg2[%add3A_571] : memref<33554432xf32, #tpu.memory_space<hbm>> -> memref<32768xf32, #tpu.memory_space<hbm>>
    %dma_wait3A_574 = tpu.memref_slice %arg7[%dma_wait3A_572] : memref<3x!tpu.dma_semaphore, #tpu.memory_space<semaphore_mem>> -> memref<1x!tpu.dma_semaphore, #tpu.memory_space<semaphore_mem>>
    %dma_wait3A_575 = tpu.memref_squeeze %dma_wait3A_574 : memref<1x!tpu.dma_semaphore, #tpu.memory_space<semaphore_mem>> -> memref<!tpu.dma_semaphore, #tpu.memory_space<semaphore_mem>>
    %dma_wait3A_576 = tpu.memref_slice %arg2[%add3A_571] : memref<33554432xf32, #tpu.memory_space<hbm>> -> memref<32768xf32, #tpu.memory_space<hbm>>
    tpu.wait_dma2 semaphore(%dma_wait3A_575 : memref<!tpu.dma_semaphore, #tpu.memory_space<semaphore_mem>>) src(%dma_wait3A_576 : memref<32768xf32, #tpu.memory_space<hbm>>) dst(%arg6 : memref<32768xf32, #tpu.memory_space<vmem>>)
    %add3A_577 = arith.constant 655360 : i32
    %add3A_578 = arith.addi %mul3A_2, %add3A_577 : i32
    %dma_start3A_579 = arith.constant 2 : i32
    %dma_start3A_580 = tpu.memref_slice %arg3[%add3A_578] : memref<33554432xf32, #tpu.memory_space<hbm>> -> memref<32768xf32, #tpu.memory_space<hbm>>
    %dma_start3A_581 = tpu.memref_slice %arg8[%dma_start3A_579] : memref<3x!tpu.dma_semaphore, #tpu.memory_space<semaphore_mem>> -> memref<1x!tpu.dma_semaphore, #tpu.memory_space<semaphore_mem>>
    %dma_start3A_582 = tpu.memref_squeeze %dma_start3A_581 : memref<1x!tpu.dma_semaphore, #tpu.memory_space<semaphore_mem>> -> memref<!tpu.dma_semaphore, #tpu.memory_space<semaphore_mem>>
    %dma_start3A_583 = tpu.memref_slice %arg3[%add3A_578] : memref<33554432xf32, #tpu.memory_space<hbm>> -> memref<32768xf32, #tpu.memory_space<hbm>>
    tpu.enqueue_dma source(%arg6 : memref<32768xf32, #tpu.memory_space<vmem>>) target(%dma_start3A_583 : memref<32768xf32, #tpu.memory_space<hbm>>) target_semaphore(%dma_start3A_582 : memref<!tpu.dma_semaphore, #tpu.memory_space<semaphore_mem>>)
    %add3A_584 = arith.constant 622592 : i32
    %add3A_585 = arith.addi %mul3A_2, %add3A_584 : i32
    %dma_wait3A_586 = arith.constant 1 : i32
    %dma_wait3A_587 = tpu.memref_slice %arg3[%add3A_585] : memref<33554432xf32, #tpu.memory_space<hbm>> -> memref<32768xf32, #tpu.memory_space<hbm>>
    %dma_wait3A_588 = tpu.memref_slice %arg8[%dma_wait3A_586] : memref<3x!tpu.dma_semaphore, #tpu.memory_space<semaphore_mem>> -> memref<1x!tpu.dma_semaphore, #tpu.memory_space<semaphore_mem>>
    %dma_wait3A_589 = tpu.memref_squeeze %dma_wait3A_588 : memref<1x!tpu.dma_semaphore, #tpu.memory_space<semaphore_mem>> -> memref<!tpu.dma_semaphore, #tpu.memory_space<semaphore_mem>>
    %dma_wait3A_590 = tpu.memref_slice %arg3[%add3A_585] : memref<33554432xf32, #tpu.memory_space<hbm>> -> memref<32768xf32, #tpu.memory_space<hbm>>
    tpu.wait_dma2 semaphore(%dma_wait3A_589 : memref<!tpu.dma_semaphore, #tpu.memory_space<semaphore_mem>>) src(%arg5 : memref<32768xf32, #tpu.memory_space<vmem>>) dst(%dma_wait3A_590 : memref<32768xf32, #tpu.memory_space<hbm>>)
    %add3A_591 = arith.constant 720896 : i32
    %add3A_592 = arith.addi %mul3A_2, %add3A_591 : i32
    %dma_start3A_593 = arith.constant 1 : i32
    %dma_start3A_594 = tpu.memref_slice %arg2[%add3A_592] : memref<33554432xf32, #tpu.memory_space<hbm>> -> memref<32768xf32, #tpu.memory_space<hbm>>
    %dma_start3A_595 = tpu.memref_slice %arg7[%dma_start3A_593] : memref<3x!tpu.dma_semaphore, #tpu.memory_space<semaphore_mem>> -> memref<1x!tpu.dma_semaphore, #tpu.memory_space<semaphore_mem>>
    %dma_start3A_596 = tpu.memref_squeeze %dma_start3A_595 : memref<1x!tpu.dma_semaphore, #tpu.memory_space<semaphore_mem>> -> memref<!tpu.dma_semaphore, #tpu.memory_space<semaphore_mem>>
    %dma_start3A_597 = tpu.memref_slice %arg2[%add3A_592] : memref<33554432xf32, #tpu.memory_space<hbm>> -> memref<32768xf32, #tpu.memory_space<hbm>>
    tpu.enqueue_dma source(%dma_start3A_597 : memref<32768xf32, #tpu.memory_space<hbm>>) target(%arg5 : memref<32768xf32, #tpu.memory_space<vmem>>) target_semaphore(%dma_start3A_596 : memref<!tpu.dma_semaphore, #tpu.memory_space<semaphore_mem>>)
    %add3A_598 = arith.constant 688128 : i32
    %add3A_599 = arith.addi %mul3A_2, %add3A_598 : i32
    %dma_wait3A_600 = arith.constant 0 : i32
    %dma_wait3A_601 = tpu.memref_slice %arg2[%add3A_599] : memref<33554432xf32, #tpu.memory_space<hbm>> -> memref<32768xf32, #tpu.memory_space<hbm>>
    %dma_wait3A_602 = tpu.memref_slice %arg7[%dma_wait3A_600] : memref<3x!tpu.dma_semaphore, #tpu.memory_space<semaphore_mem>> -> memref<1x!tpu.dma_semaphore, #tpu.memory_space<semaphore_mem>>
    %dma_wait3A_603 = tpu.memref_squeeze %dma_wait3A_602 : memref<1x!tpu.dma_semaphore, #tpu.memory_space<semaphore_mem>> -> memref<!tpu.dma_semaphore, #tpu.memory_space<semaphore_mem>>
    %dma_wait3A_604 = tpu.memref_slice %arg2[%add3A_599] : memref<33554432xf32, #tpu.memory_space<hbm>> -> memref<32768xf32, #tpu.memory_space<hbm>>
    tpu.wait_dma2 semaphore(%dma_wait3A_603 : memref<!tpu.dma_semaphore, #tpu.memory_space<semaphore_mem>>) src(%dma_wait3A_604 : memref<32768xf32, #tpu.memory_space<hbm>>) dst(%arg4 : memref<32768xf32, #tpu.memory_space<vmem>>)
    %add3A_605 = arith.constant 688128 : i32
    %add3A_606 = arith.addi %mul3A_2, %add3A_605 : i32
    %dma_start3A_607 = arith.constant 0 : i32
    %dma_start3A_608 = tpu.memref_slice %arg3[%add3A_606] : memref<33554432xf32, #tpu.memory_space<hbm>> -> memref<32768xf32, #tpu.memory_space<hbm>>
    %dma_start3A_609 = tpu.memref_slice %arg8[%dma_start3A_607] : memref<3x!tpu.dma_semaphore, #tpu.memory_space<semaphore_mem>> -> memref<1x!tpu.dma_semaphore, #tpu.memory_space<semaphore_mem>>
    %dma_start3A_610 = tpu.memref_squeeze %dma_start3A_609 : memref<1x!tpu.dma_semaphore, #tpu.memory_space<semaphore_mem>> -> memref<!tpu.dma_semaphore, #tpu.memory_space<semaphore_mem>>
    %dma_start3A_611 = tpu.memref_slice %arg3[%add3A_606] : memref<33554432xf32, #tpu.memory_space<hbm>> -> memref<32768xf32, #tpu.memory_space<hbm>>
    tpu.enqueue_dma source(%arg4 : memref<32768xf32, #tpu.memory_space<vmem>>) target(%dma_start3A_611 : memref<32768xf32, #tpu.memory_space<hbm>>) target_semaphore(%dma_start3A_610 : memref<!tpu.dma_semaphore, #tpu.memory_space<semaphore_mem>>)
    %add3A_612 = arith.constant 655360 : i32
    %add3A_613 = arith.addi %mul3A_2, %add3A_612 : i32
    %dma_wait3A_614 = arith.constant 2 : i32
    %dma_wait3A_615 = tpu.memref_slice %arg3[%add3A_613] : memref<33554432xf32, #tpu.memory_space<hbm>> -> memref<32768xf32, #tpu.memory_space<hbm>>
    %dma_wait3A_616 = tpu.memref_slice %arg8[%dma_wait3A_614] : memref<3x!tpu.dma_semaphore, #tpu.memory_space<semaphore_mem>> -> memref<1x!tpu.dma_semaphore, #tpu.memory_space<semaphore_mem>>
    %dma_wait3A_617 = tpu.memref_squeeze %dma_wait3A_616 : memref<1x!tpu.dma_semaphore, #tpu.memory_space<semaphore_mem>> -> memref<!tpu.dma_semaphore, #tpu.memory_space<semaphore_mem>>
    %dma_wait3A_618 = tpu.memref_slice %arg3[%add3A_613] : memref<33554432xf32, #tpu.memory_space<hbm>> -> memref<32768xf32, #tpu.memory_space<hbm>>
    tpu.wait_dma2 semaphore(%dma_wait3A_617 : memref<!tpu.dma_semaphore, #tpu.memory_space<semaphore_mem>>) src(%arg6 : memref<32768xf32, #tpu.memory_space<vmem>>) dst(%dma_wait3A_618 : memref<32768xf32, #tpu.memory_space<hbm>>)
    %add3A_619 = arith.constant 753664 : i32
    %add3A_620 = arith.addi %mul3A_2, %add3A_619 : i32
    %dma_start3A_621 = arith.constant 2 : i32
    %dma_start3A_622 = tpu.memref_slice %arg2[%add3A_620] : memref<33554432xf32, #tpu.memory_space<hbm>> -> memref<32768xf32, #tpu.memory_space<hbm>>
    %dma_start3A_623 = tpu.memref_slice %arg7[%dma_start3A_621] : memref<3x!tpu.dma_semaphore, #tpu.memory_space<semaphore_mem>> -> memref<1x!tpu.dma_semaphore, #tpu.memory_space<semaphore_mem>>
    %dma_start3A_624 = tpu.memref_squeeze %dma_start3A_623 : memref<1x!tpu.dma_semaphore, #tpu.memory_space<semaphore_mem>> -> memref<!tpu.dma_semaphore, #tpu.memory_space<semaphore_mem>>
    %dma_start3A_625 = tpu.memref_slice %arg2[%add3A_620] : memref<33554432xf32, #tpu.memory_space<hbm>> -> memref<32768xf32, #tpu.memory_space<hbm>>
    tpu.enqueue_dma source(%dma_start3A_625 : memref<32768xf32, #tpu.memory_space<hbm>>) target(%arg6 : memref<32768xf32, #tpu.memory_space<vmem>>) target_semaphore(%dma_start3A_624 : memref<!tpu.dma_semaphore, #tpu.memory_space<semaphore_mem>>)
    %add3A_626 = arith.constant 720896 : i32
    %add3A_627 = arith.addi %mul3A_2, %add3A_626 : i32
    %dma_wait3A_628 = arith.constant 1 : i32
    %dma_wait3A_629 = tpu.memref_slice %arg2[%add3A_627] : memref<33554432xf32, #tpu.memory_space<hbm>> -> memref<32768xf32, #tpu.memory_space<hbm>>
    %dma_wait3A_630 = tpu.memref_slice %arg7[%dma_wait3A_628] : memref<3x!tpu.dma_semaphore, #tpu.memory_space<semaphore_mem>> -> memref<1x!tpu.dma_semaphore, #tpu.memory_space<semaphore_mem>>
    %dma_wait3A_631 = tpu.memref_squeeze %dma_wait3A_630 : memref<1x!tpu.dma_semaphore, #tpu.memory_space<semaphore_mem>> -> memref<!tpu.dma_semaphore, #tpu.memory_space<semaphore_mem>>
    %dma_wait3A_632 = tpu.memref_slice %arg2[%add3A_627] : memref<33554432xf32, #tpu.memory_space<hbm>> -> memref<32768xf32, #tpu.memory_space<hbm>>
    tpu.wait_dma2 semaphore(%dma_wait3A_631 : memref<!tpu.dma_semaphore, #tpu.memory_space<semaphore_mem>>) src(%dma_wait3A_632 : memref<32768xf32, #tpu.memory_space<hbm>>) dst(%arg5 : memref<32768xf32, #tpu.memory_space<vmem>>)
    %add3A_633 = arith.constant 720896 : i32
    %add3A_634 = arith.addi %mul3A_2, %add3A_633 : i32
    %dma_start3A_635 = arith.constant 1 : i32
    %dma_start3A_636 = tpu.memref_slice %arg3[%add3A_634] : memref<33554432xf32, #tpu.memory_space<hbm>> -> memref<32768xf32, #tpu.memory_space<hbm>>
    %dma_start3A_637 = tpu.memref_slice %arg8[%dma_start3A_635] : memref<3x!tpu.dma_semaphore, #tpu.memory_space<semaphore_mem>> -> memref<1x!tpu.dma_semaphore, #tpu.memory_space<semaphore_mem>>
    %dma_start3A_638 = tpu.memref_squeeze %dma_start3A_637 : memref<1x!tpu.dma_semaphore, #tpu.memory_space<semaphore_mem>> -> memref<!tpu.dma_semaphore, #tpu.memory_space<semaphore_mem>>
    %dma_start3A_639 = tpu.memref_slice %arg3[%add3A_634] : memref<33554432xf32, #tpu.memory_space<hbm>> -> memref<32768xf32, #tpu.memory_space<hbm>>
    tpu.enqueue_dma source(%arg5 : memref<32768xf32, #tpu.memory_space<vmem>>) target(%dma_start3A_639 : memref<32768xf32, #tpu.memory_space<hbm>>) target_semaphore(%dma_start3A_638 : memref<!tpu.dma_semaphore, #tpu.memory_space<semaphore_mem>>)
    %add3A_640 = arith.constant 688128 : i32
    %add3A_641 = arith.addi %mul3A_2, %add3A_640 : i32
    %dma_wait3A_642 = arith.constant 0 : i32
    %dma_wait3A_643 = tpu.memref_slice %arg3[%add3A_641] : memref<33554432xf32, #tpu.memory_space<hbm>> -> memref<32768xf32, #tpu.memory_space<hbm>>
    %dma_wait3A_644 = tpu.memref_slice %arg8[%dma_wait3A_642] : memref<3x!tpu.dma_semaphore, #tpu.memory_space<semaphore_mem>> -> memref<1x!tpu.dma_semaphore, #tpu.memory_space<semaphore_mem>>
    %dma_wait3A_645 = tpu.memref_squeeze %dma_wait3A_644 : memref<1x!tpu.dma_semaphore, #tpu.memory_space<semaphore_mem>> -> memref<!tpu.dma_semaphore, #tpu.memory_space<semaphore_mem>>
    %dma_wait3A_646 = tpu.memref_slice %arg3[%add3A_641] : memref<33554432xf32, #tpu.memory_space<hbm>> -> memref<32768xf32, #tpu.memory_space<hbm>>
    tpu.wait_dma2 semaphore(%dma_wait3A_645 : memref<!tpu.dma_semaphore, #tpu.memory_space<semaphore_mem>>) src(%arg4 : memref<32768xf32, #tpu.memory_space<vmem>>) dst(%dma_wait3A_646 : memref<32768xf32, #tpu.memory_space<hbm>>)
    %add3A_647 = arith.constant 786432 : i32
    %add3A_648 = arith.addi %mul3A_2, %add3A_647 : i32
    %dma_start3A_649 = arith.constant 0 : i32
    %dma_start3A_650 = tpu.memref_slice %arg2[%add3A_648] : memref<33554432xf32, #tpu.memory_space<hbm>> -> memref<32768xf32, #tpu.memory_space<hbm>>
    %dma_start3A_651 = tpu.memref_slice %arg7[%dma_start3A_649] : memref<3x!tpu.dma_semaphore, #tpu.memory_space<semaphore_mem>> -> memref<1x!tpu.dma_semaphore, #tpu.memory_space<semaphore_mem>>
    %dma_start3A_652 = tpu.memref_squeeze %dma_start3A_651 : memref<1x!tpu.dma_semaphore, #tpu.memory_space<semaphore_mem>> -> memref<!tpu.dma_semaphore, #tpu.memory_space<semaphore_mem>>
    %dma_start3A_653 = tpu.memref_slice %arg2[%add3A_648] : memref<33554432xf32, #tpu.memory_space<hbm>> -> memref<32768xf32, #tpu.memory_space<hbm>>
    tpu.enqueue_dma source(%dma_start3A_653 : memref<32768xf32, #tpu.memory_space<hbm>>) target(%arg4 : memref<32768xf32, #tpu.memory_space<vmem>>) target_semaphore(%dma_start3A_652 : memref<!tpu.dma_semaphore, #tpu.memory_space<semaphore_mem>>)
    %add3A_654 = arith.constant 753664 : i32
    %add3A_655 = arith.addi %mul3A_2, %add3A_654 : i32
    %dma_wait3A_656 = arith.constant 2 : i32
    %dma_wait3A_657 = tpu.memref_slice %arg2[%add3A_655] : memref<33554432xf32, #tpu.memory_space<hbm>> -> memref<32768xf32, #tpu.memory_space<hbm>>
    %dma_wait3A_658 = tpu.memref_slice %arg7[%dma_wait3A_656] : memref<3x!tpu.dma_semaphore, #tpu.memory_space<semaphore_mem>> -> memref<1x!tpu.dma_semaphore, #tpu.memory_space<semaphore_mem>>
    %dma_wait3A_659 = tpu.memref_squeeze %dma_wait3A_658 : memref<1x!tpu.dma_semaphore, #tpu.memory_space<semaphore_mem>> -> memref<!tpu.dma_semaphore, #tpu.memory_space<semaphore_mem>>
    %dma_wait3A_660 = tpu.memref_slice %arg2[%add3A_655] : memref<33554432xf32, #tpu.memory_space<hbm>> -> memref<32768xf32, #tpu.memory_space<hbm>>
    tpu.wait_dma2 semaphore(%dma_wait3A_659 : memref<!tpu.dma_semaphore, #tpu.memory_space<semaphore_mem>>) src(%dma_wait3A_660 : memref<32768xf32, #tpu.memory_space<hbm>>) dst(%arg6 : memref<32768xf32, #tpu.memory_space<vmem>>)
    %add3A_661 = arith.constant 753664 : i32
    %add3A_662 = arith.addi %mul3A_2, %add3A_661 : i32
    %dma_start3A_663 = arith.constant 2 : i32
    %dma_start3A_664 = tpu.memref_slice %arg3[%add3A_662] : memref<33554432xf32, #tpu.memory_space<hbm>> -> memref<32768xf32, #tpu.memory_space<hbm>>
    %dma_start3A_665 = tpu.memref_slice %arg8[%dma_start3A_663] : memref<3x!tpu.dma_semaphore, #tpu.memory_space<semaphore_mem>> -> memref<1x!tpu.dma_semaphore, #tpu.memory_space<semaphore_mem>>
    %dma_start3A_666 = tpu.memref_squeeze %dma_start3A_665 : memref<1x!tpu.dma_semaphore, #tpu.memory_space<semaphore_mem>> -> memref<!tpu.dma_semaphore, #tpu.memory_space<semaphore_mem>>
    %dma_start3A_667 = tpu.memref_slice %arg3[%add3A_662] : memref<33554432xf32, #tpu.memory_space<hbm>> -> memref<32768xf32, #tpu.memory_space<hbm>>
    tpu.enqueue_dma source(%arg6 : memref<32768xf32, #tpu.memory_space<vmem>>) target(%dma_start3A_667 : memref<32768xf32, #tpu.memory_space<hbm>>) target_semaphore(%dma_start3A_666 : memref<!tpu.dma_semaphore, #tpu.memory_space<semaphore_mem>>)
    %add3A_668 = arith.constant 720896 : i32
    %add3A_669 = arith.addi %mul3A_2, %add3A_668 : i32
    %dma_wait3A_670 = arith.constant 1 : i32
    %dma_wait3A_671 = tpu.memref_slice %arg3[%add3A_669] : memref<33554432xf32, #tpu.memory_space<hbm>> -> memref<32768xf32, #tpu.memory_space<hbm>>
    %dma_wait3A_672 = tpu.memref_slice %arg8[%dma_wait3A_670] : memref<3x!tpu.dma_semaphore, #tpu.memory_space<semaphore_mem>> -> memref<1x!tpu.dma_semaphore, #tpu.memory_space<semaphore_mem>>
    %dma_wait3A_673 = tpu.memref_squeeze %dma_wait3A_672 : memref<1x!tpu.dma_semaphore, #tpu.memory_space<semaphore_mem>> -> memref<!tpu.dma_semaphore, #tpu.memory_space<semaphore_mem>>
    %dma_wait3A_674 = tpu.memref_slice %arg3[%add3A_669] : memref<33554432xf32, #tpu.memory_space<hbm>> -> memref<32768xf32, #tpu.memory_space<hbm>>
    tpu.wait_dma2 semaphore(%dma_wait3A_673 : memref<!tpu.dma_semaphore, #tpu.memory_space<semaphore_mem>>) src(%arg5 : memref<32768xf32, #tpu.memory_space<vmem>>) dst(%dma_wait3A_674 : memref<32768xf32, #tpu.memory_space<hbm>>)
    %add3A_675 = arith.constant 819200 : i32
    %add3A_676 = arith.addi %mul3A_2, %add3A_675 : i32
    %dma_start3A_677 = arith.constant 1 : i32
    %dma_start3A_678 = tpu.memref_slice %arg2[%add3A_676] : memref<33554432xf32, #tpu.memory_space<hbm>> -> memref<32768xf32, #tpu.memory_space<hbm>>
    %dma_start3A_679 = tpu.memref_slice %arg7[%dma_start3A_677] : memref<3x!tpu.dma_semaphore, #tpu.memory_space<semaphore_mem>> -> memref<1x!tpu.dma_semaphore, #tpu.memory_space<semaphore_mem>>
    %dma_start3A_680 = tpu.memref_squeeze %dma_start3A_679 : memref<1x!tpu.dma_semaphore, #tpu.memory_space<semaphore_mem>> -> memref<!tpu.dma_semaphore, #tpu.memory_space<semaphore_mem>>
    %dma_start3A_681 = tpu.memref_slice %arg2[%add3A_676] : memref<33554432xf32, #tpu.memory_space<hbm>> -> memref<32768xf32, #tpu.memory_space<hbm>>
    tpu.enqueue_dma source(%dma_start3A_681 : memref<32768xf32, #tpu.memory_space<hbm>>) target(%arg5 : memref<32768xf32, #tpu.memory_space<vmem>>) target_semaphore(%dma_start3A_680 : memref<!tpu.dma_semaphore, #tpu.memory_space<semaphore_mem>>)
    %add3A_682 = arith.constant 786432 : i32
    %add3A_683 = arith.addi %mul3A_2, %add3A_682 : i32
    %dma_wait3A_684 = arith.constant 0 : i32
    %dma_wait3A_685 = tpu.memref_slice %arg2[%add3A_683] : memref<33554432xf32, #tpu.memory_space<hbm>> -> memref<32768xf32, #tpu.memory_space<hbm>>
    %dma_wait3A_686 = tpu.memref_slice %arg7[%dma_wait3A_684] : memref<3x!tpu.dma_semaphore, #tpu.memory_space<semaphore_mem>> -> memref<1x!tpu.dma_semaphore, #tpu.memory_space<semaphore_mem>>
    %dma_wait3A_687 = tpu.memref_squeeze %dma_wait3A_686 : memref<1x!tpu.dma_semaphore, #tpu.memory_space<semaphore_mem>> -> memref<!tpu.dma_semaphore, #tpu.memory_space<semaphore_mem>>
    %dma_wait3A_688 = tpu.memref_slice %arg2[%add3A_683] : memref<33554432xf32, #tpu.memory_space<hbm>> -> memref<32768xf32, #tpu.memory_space<hbm>>
    tpu.wait_dma2 semaphore(%dma_wait3A_687 : memref<!tpu.dma_semaphore, #tpu.memory_space<semaphore_mem>>) src(%dma_wait3A_688 : memref<32768xf32, #tpu.memory_space<hbm>>) dst(%arg4 : memref<32768xf32, #tpu.memory_space<vmem>>)
    %add3A_689 = arith.constant 786432 : i32
    %add3A_690 = arith.addi %mul3A_2, %add3A_689 : i32
    %dma_start3A_691 = arith.constant 0 : i32
    %dma_start3A_692 = tpu.memref_slice %arg3[%add3A_690] : memref<33554432xf32, #tpu.memory_space<hbm>> -> memref<32768xf32, #tpu.memory_space<hbm>>
    %dma_start3A_693 = tpu.memref_slice %arg8[%dma_start3A_691] : memref<3x!tpu.dma_semaphore, #tpu.memory_space<semaphore_mem>> -> memref<1x!tpu.dma_semaphore, #tpu.memory_space<semaphore_mem>>
    %dma_start3A_694 = tpu.memref_squeeze %dma_start3A_693 : memref<1x!tpu.dma_semaphore, #tpu.memory_space<semaphore_mem>> -> memref<!tpu.dma_semaphore, #tpu.memory_space<semaphore_mem>>
    %dma_start3A_695 = tpu.memref_slice %arg3[%add3A_690] : memref<33554432xf32, #tpu.memory_space<hbm>> -> memref<32768xf32, #tpu.memory_space<hbm>>
    tpu.enqueue_dma source(%arg4 : memref<32768xf32, #tpu.memory_space<vmem>>) target(%dma_start3A_695 : memref<32768xf32, #tpu.memory_space<hbm>>) target_semaphore(%dma_start3A_694 : memref<!tpu.dma_semaphore, #tpu.memory_space<semaphore_mem>>)
    %add3A_696 = arith.constant 753664 : i32
    %add3A_697 = arith.addi %mul3A_2, %add3A_696 : i32
    %dma_wait3A_698 = arith.constant 2 : i32
    %dma_wait3A_699 = tpu.memref_slice %arg3[%add3A_697] : memref<33554432xf32, #tpu.memory_space<hbm>> -> memref<32768xf32, #tpu.memory_space<hbm>>
    %dma_wait3A_700 = tpu.memref_slice %arg8[%dma_wait3A_698] : memref<3x!tpu.dma_semaphore, #tpu.memory_space<semaphore_mem>> -> memref<1x!tpu.dma_semaphore, #tpu.memory_space<semaphore_mem>>
    %dma_wait3A_701 = tpu.memref_squeeze %dma_wait3A_700 : memref<1x!tpu.dma_semaphore, #tpu.memory_space<semaphore_mem>> -> memref<!tpu.dma_semaphore, #tpu.memory_space<semaphore_mem>>
    %dma_wait3A_702 = tpu.memref_slice %arg3[%add3A_697] : memref<33554432xf32, #tpu.memory_space<hbm>> -> memref<32768xf32, #tpu.memory_space<hbm>>
    tpu.wait_dma2 semaphore(%dma_wait3A_701 : memref<!tpu.dma_semaphore, #tpu.memory_space<semaphore_mem>>) src(%arg6 : memref<32768xf32, #tpu.memory_space<vmem>>) dst(%dma_wait3A_702 : memref<32768xf32, #tpu.memory_space<hbm>>)
    %add3A_703 = arith.constant 851968 : i32
    %add3A_704 = arith.addi %mul3A_2, %add3A_703 : i32
    %dma_start3A_705 = arith.constant 2 : i32
    %dma_start3A_706 = tpu.memref_slice %arg2[%add3A_704] : memref<33554432xf32, #tpu.memory_space<hbm>> -> memref<32768xf32, #tpu.memory_space<hbm>>
    %dma_start3A_707 = tpu.memref_slice %arg7[%dma_start3A_705] : memref<3x!tpu.dma_semaphore, #tpu.memory_space<semaphore_mem>> -> memref<1x!tpu.dma_semaphore, #tpu.memory_space<semaphore_mem>>
    %dma_start3A_708 = tpu.memref_squeeze %dma_start3A_707 : memref<1x!tpu.dma_semaphore, #tpu.memory_space<semaphore_mem>> -> memref<!tpu.dma_semaphore, #tpu.memory_space<semaphore_mem>>
    %dma_start3A_709 = tpu.memref_slice %arg2[%add3A_704] : memref<33554432xf32, #tpu.memory_space<hbm>> -> memref<32768xf32, #tpu.memory_space<hbm>>
    tpu.enqueue_dma source(%dma_start3A_709 : memref<32768xf32, #tpu.memory_space<hbm>>) target(%arg6 : memref<32768xf32, #tpu.memory_space<vmem>>) target_semaphore(%dma_start3A_708 : memref<!tpu.dma_semaphore, #tpu.memory_space<semaphore_mem>>)
    %add3A_710 = arith.constant 819200 : i32
    %add3A_711 = arith.addi %mul3A_2, %add3A_710 : i32
    %dma_wait3A_712 = arith.constant 1 : i32
    %dma_wait3A_713 = tpu.memref_slice %arg2[%add3A_711] : memref<33554432xf32, #tpu.memory_space<hbm>> -> memref<32768xf32, #tpu.memory_space<hbm>>
    %dma_wait3A_714 = tpu.memref_slice %arg7[%dma_wait3A_712] : memref<3x!tpu.dma_semaphore, #tpu.memory_space<semaphore_mem>> -> memref<1x!tpu.dma_semaphore, #tpu.memory_space<semaphore_mem>>
    %dma_wait3A_715 = tpu.memref_squeeze %dma_wait3A_714 : memref<1x!tpu.dma_semaphore, #tpu.memory_space<semaphore_mem>> -> memref<!tpu.dma_semaphore, #tpu.memory_space<semaphore_mem>>
    %dma_wait3A_716 = tpu.memref_slice %arg2[%add3A_711] : memref<33554432xf32, #tpu.memory_space<hbm>> -> memref<32768xf32, #tpu.memory_space<hbm>>
    tpu.wait_dma2 semaphore(%dma_wait3A_715 : memref<!tpu.dma_semaphore, #tpu.memory_space<semaphore_mem>>) src(%dma_wait3A_716 : memref<32768xf32, #tpu.memory_space<hbm>>) dst(%arg5 : memref<32768xf32, #tpu.memory_space<vmem>>)
    %add3A_717 = arith.constant 819200 : i32
    %add3A_718 = arith.addi %mul3A_2, %add3A_717 : i32
    %dma_start3A_719 = arith.constant 1 : i32
    %dma_start3A_720 = tpu.memref_slice %arg3[%add3A_718] : memref<33554432xf32, #tpu.memory_space<hbm>> -> memref<32768xf32, #tpu.memory_space<hbm>>
    %dma_start3A_721 = tpu.memref_slice %arg8[%dma_start3A_719] : memref<3x!tpu.dma_semaphore, #tpu.memory_space<semaphore_mem>> -> memref<1x!tpu.dma_semaphore, #tpu.memory_space<semaphore_mem>>
    %dma_start3A_722 = tpu.memref_squeeze %dma_start3A_721 : memref<1x!tpu.dma_semaphore, #tpu.memory_space<semaphore_mem>> -> memref<!tpu.dma_semaphore, #tpu.memory_space<semaphore_mem>>
    %dma_start3A_723 = tpu.memref_slice %arg3[%add3A_718] : memref<33554432xf32, #tpu.memory_space<hbm>> -> memref<32768xf32, #tpu.memory_space<hbm>>
    tpu.enqueue_dma source(%arg5 : memref<32768xf32, #tpu.memory_space<vmem>>) target(%dma_start3A_723 : memref<32768xf32, #tpu.memory_space<hbm>>) target_semaphore(%dma_start3A_722 : memref<!tpu.dma_semaphore, #tpu.memory_space<semaphore_mem>>)
    %add3A_724 = arith.constant 786432 : i32
    %add3A_725 = arith.addi %mul3A_2, %add3A_724 : i32
    %dma_wait3A_726 = arith.constant 0 : i32
    %dma_wait3A_727 = tpu.memref_slice %arg3[%add3A_725] : memref<33554432xf32, #tpu.memory_space<hbm>> -> memref<32768xf32, #tpu.memory_space<hbm>>
    %dma_wait3A_728 = tpu.memref_slice %arg8[%dma_wait3A_726] : memref<3x!tpu.dma_semaphore, #tpu.memory_space<semaphore_mem>> -> memref<1x!tpu.dma_semaphore, #tpu.memory_space<semaphore_mem>>
    %dma_wait3A_729 = tpu.memref_squeeze %dma_wait3A_728 : memref<1x!tpu.dma_semaphore, #tpu.memory_space<semaphore_mem>> -> memref<!tpu.dma_semaphore, #tpu.memory_space<semaphore_mem>>
    %dma_wait3A_730 = tpu.memref_slice %arg3[%add3A_725] : memref<33554432xf32, #tpu.memory_space<hbm>> -> memref<32768xf32, #tpu.memory_space<hbm>>
    tpu.wait_dma2 semaphore(%dma_wait3A_729 : memref<!tpu.dma_semaphore, #tpu.memory_space<semaphore_mem>>) src(%arg4 : memref<32768xf32, #tpu.memory_space<vmem>>) dst(%dma_wait3A_730 : memref<32768xf32, #tpu.memory_space<hbm>>)
    %add3A_731 = arith.constant 884736 : i32
    %add3A_732 = arith.addi %mul3A_2, %add3A_731 : i32
    %dma_start3A_733 = arith.constant 0 : i32
    %dma_start3A_734 = tpu.memref_slice %arg2[%add3A_732] : memref<33554432xf32, #tpu.memory_space<hbm>> -> memref<32768xf32, #tpu.memory_space<hbm>>
    %dma_start3A_735 = tpu.memref_slice %arg7[%dma_start3A_733] : memref<3x!tpu.dma_semaphore, #tpu.memory_space<semaphore_mem>> -> memref<1x!tpu.dma_semaphore, #tpu.memory_space<semaphore_mem>>
    %dma_start3A_736 = tpu.memref_squeeze %dma_start3A_735 : memref<1x!tpu.dma_semaphore, #tpu.memory_space<semaphore_mem>> -> memref<!tpu.dma_semaphore, #tpu.memory_space<semaphore_mem>>
    %dma_start3A_737 = tpu.memref_slice %arg2[%add3A_732] : memref<33554432xf32, #tpu.memory_space<hbm>> -> memref<32768xf32, #tpu.memory_space<hbm>>
    tpu.enqueue_dma source(%dma_start3A_737 : memref<32768xf32, #tpu.memory_space<hbm>>) target(%arg4 : memref<32768xf32, #tpu.memory_space<vmem>>) target_semaphore(%dma_start3A_736 : memref<!tpu.dma_semaphore, #tpu.memory_space<semaphore_mem>>)
    %add3A_738 = arith.constant 851968 : i32
    %add3A_739 = arith.addi %mul3A_2, %add3A_738 : i32
    %dma_wait3A_740 = arith.constant 2 : i32
    %dma_wait3A_741 = tpu.memref_slice %arg2[%add3A_739] : memref<33554432xf32, #tpu.memory_space<hbm>> -> memref<32768xf32, #tpu.memory_space<hbm>>
    %dma_wait3A_742 = tpu.memref_slice %arg7[%dma_wait3A_740] : memref<3x!tpu.dma_semaphore, #tpu.memory_space<semaphore_mem>> -> memref<1x!tpu.dma_semaphore, #tpu.memory_space<semaphore_mem>>
    %dma_wait3A_743 = tpu.memref_squeeze %dma_wait3A_742 : memref<1x!tpu.dma_semaphore, #tpu.memory_space<semaphore_mem>> -> memref<!tpu.dma_semaphore, #tpu.memory_space<semaphore_mem>>
    %dma_wait3A_744 = tpu.memref_slice %arg2[%add3A_739] : memref<33554432xf32, #tpu.memory_space<hbm>> -> memref<32768xf32, #tpu.memory_space<hbm>>
    tpu.wait_dma2 semaphore(%dma_wait3A_743 : memref<!tpu.dma_semaphore, #tpu.memory_space<semaphore_mem>>) src(%dma_wait3A_744 : memref<32768xf32, #tpu.memory_space<hbm>>) dst(%arg6 : memref<32768xf32, #tpu.memory_space<vmem>>)
    %add3A_745 = arith.constant 851968 : i32
    %add3A_746 = arith.addi %mul3A_2, %add3A_745 : i32
    %dma_start3A_747 = arith.constant 2 : i32
    %dma_start3A_748 = tpu.memref_slice %arg3[%add3A_746] : memref<33554432xf32, #tpu.memory_space<hbm>> -> memref<32768xf32, #tpu.memory_space<hbm>>
    %dma_start3A_749 = tpu.memref_slice %arg8[%dma_start3A_747] : memref<3x!tpu.dma_semaphore, #tpu.memory_space<semaphore_mem>> -> memref<1x!tpu.dma_semaphore, #tpu.memory_space<semaphore_mem>>
    %dma_start3A_750 = tpu.memref_squeeze %dma_start3A_749 : memref<1x!tpu.dma_semaphore, #tpu.memory_space<semaphore_mem>> -> memref<!tpu.dma_semaphore, #tpu.memory_space<semaphore_mem>>
    %dma_start3A_751 = tpu.memref_slice %arg3[%add3A_746] : memref<33554432xf32, #tpu.memory_space<hbm>> -> memref<32768xf32, #tpu.memory_space<hbm>>
    tpu.enqueue_dma source(%arg6 : memref<32768xf32, #tpu.memory_space<vmem>>) target(%dma_start3A_751 : memref<32768xf32, #tpu.memory_space<hbm>>) target_semaphore(%dma_start3A_750 : memref<!tpu.dma_semaphore, #tpu.memory_space<semaphore_mem>>)
    %add3A_752 = arith.constant 819200 : i32
    %add3A_753 = arith.addi %mul3A_2, %add3A_752 : i32
    %dma_wait3A_754 = arith.constant 1 : i32
    %dma_wait3A_755 = tpu.memref_slice %arg3[%add3A_753] : memref<33554432xf32, #tpu.memory_space<hbm>> -> memref<32768xf32, #tpu.memory_space<hbm>>
    %dma_wait3A_756 = tpu.memref_slice %arg8[%dma_wait3A_754] : memref<3x!tpu.dma_semaphore, #tpu.memory_space<semaphore_mem>> -> memref<1x!tpu.dma_semaphore, #tpu.memory_space<semaphore_mem>>
    %dma_wait3A_757 = tpu.memref_squeeze %dma_wait3A_756 : memref<1x!tpu.dma_semaphore, #tpu.memory_space<semaphore_mem>> -> memref<!tpu.dma_semaphore, #tpu.memory_space<semaphore_mem>>
    %dma_wait3A_758 = tpu.memref_slice %arg3[%add3A_753] : memref<33554432xf32, #tpu.memory_space<hbm>> -> memref<32768xf32, #tpu.memory_space<hbm>>
    tpu.wait_dma2 semaphore(%dma_wait3A_757 : memref<!tpu.dma_semaphore, #tpu.memory_space<semaphore_mem>>) src(%arg5 : memref<32768xf32, #tpu.memory_space<vmem>>) dst(%dma_wait3A_758 : memref<32768xf32, #tpu.memory_space<hbm>>)
    %add3A_759 = arith.constant 917504 : i32
    %add3A_760 = arith.addi %mul3A_2, %add3A_759 : i32
    %dma_start3A_761 = arith.constant 1 : i32
    %dma_start3A_762 = tpu.memref_slice %arg2[%add3A_760] : memref<33554432xf32, #tpu.memory_space<hbm>> -> memref<32768xf32, #tpu.memory_space<hbm>>
    %dma_start3A_763 = tpu.memref_slice %arg7[%dma_start3A_761] : memref<3x!tpu.dma_semaphore, #tpu.memory_space<semaphore_mem>> -> memref<1x!tpu.dma_semaphore, #tpu.memory_space<semaphore_mem>>
    %dma_start3A_764 = tpu.memref_squeeze %dma_start3A_763 : memref<1x!tpu.dma_semaphore, #tpu.memory_space<semaphore_mem>> -> memref<!tpu.dma_semaphore, #tpu.memory_space<semaphore_mem>>
    %dma_start3A_765 = tpu.memref_slice %arg2[%add3A_760] : memref<33554432xf32, #tpu.memory_space<hbm>> -> memref<32768xf32, #tpu.memory_space<hbm>>
    tpu.enqueue_dma source(%dma_start3A_765 : memref<32768xf32, #tpu.memory_space<hbm>>) target(%arg5 : memref<32768xf32, #tpu.memory_space<vmem>>) target_semaphore(%dma_start3A_764 : memref<!tpu.dma_semaphore, #tpu.memory_space<semaphore_mem>>)
    %add3A_766 = arith.constant 884736 : i32
    %add3A_767 = arith.addi %mul3A_2, %add3A_766 : i32
    %dma_wait3A_768 = arith.constant 0 : i32
    %dma_wait3A_769 = tpu.memref_slice %arg2[%add3A_767] : memref<33554432xf32, #tpu.memory_space<hbm>> -> memref<32768xf32, #tpu.memory_space<hbm>>
    %dma_wait3A_770 = tpu.memref_slice %arg7[%dma_wait3A_768] : memref<3x!tpu.dma_semaphore, #tpu.memory_space<semaphore_mem>> -> memref<1x!tpu.dma_semaphore, #tpu.memory_space<semaphore_mem>>
    %dma_wait3A_771 = tpu.memref_squeeze %dma_wait3A_770 : memref<1x!tpu.dma_semaphore, #tpu.memory_space<semaphore_mem>> -> memref<!tpu.dma_semaphore, #tpu.memory_space<semaphore_mem>>
    %dma_wait3A_772 = tpu.memref_slice %arg2[%add3A_767] : memref<33554432xf32, #tpu.memory_space<hbm>> -> memref<32768xf32, #tpu.memory_space<hbm>>
    tpu.wait_dma2 semaphore(%dma_wait3A_771 : memref<!tpu.dma_semaphore, #tpu.memory_space<semaphore_mem>>) src(%dma_wait3A_772 : memref<32768xf32, #tpu.memory_space<hbm>>) dst(%arg4 : memref<32768xf32, #tpu.memory_space<vmem>>)
    %add3A_773 = arith.constant 884736 : i32
    %add3A_774 = arith.addi %mul3A_2, %add3A_773 : i32
    %dma_start3A_775 = arith.constant 0 : i32
    %dma_start3A_776 = tpu.memref_slice %arg3[%add3A_774] : memref<33554432xf32, #tpu.memory_space<hbm>> -> memref<32768xf32, #tpu.memory_space<hbm>>
    %dma_start3A_777 = tpu.memref_slice %arg8[%dma_start3A_775] : memref<3x!tpu.dma_semaphore, #tpu.memory_space<semaphore_mem>> -> memref<1x!tpu.dma_semaphore, #tpu.memory_space<semaphore_mem>>
    %dma_start3A_778 = tpu.memref_squeeze %dma_start3A_777 : memref<1x!tpu.dma_semaphore, #tpu.memory_space<semaphore_mem>> -> memref<!tpu.dma_semaphore, #tpu.memory_space<semaphore_mem>>
    %dma_start3A_779 = tpu.memref_slice %arg3[%add3A_774] : memref<33554432xf32, #tpu.memory_space<hbm>> -> memref<32768xf32, #tpu.memory_space<hbm>>
    tpu.enqueue_dma source(%arg4 : memref<32768xf32, #tpu.memory_space<vmem>>) target(%dma_start3A_779 : memref<32768xf32, #tpu.memory_space<hbm>>) target_semaphore(%dma_start3A_778 : memref<!tpu.dma_semaphore, #tpu.memory_space<semaphore_mem>>)
    %add3A_780 = arith.constant 851968 : i32
    %add3A_781 = arith.addi %mul3A_2, %add3A_780 : i32
    %dma_wait3A_782 = arith.constant 2 : i32
    %dma_wait3A_783 = tpu.memref_slice %arg3[%add3A_781] : memref<33554432xf32, #tpu.memory_space<hbm>> -> memref<32768xf32, #tpu.memory_space<hbm>>
    %dma_wait3A_784 = tpu.memref_slice %arg8[%dma_wait3A_782] : memref<3x!tpu.dma_semaphore, #tpu.memory_space<semaphore_mem>> -> memref<1x!tpu.dma_semaphore, #tpu.memory_space<semaphore_mem>>
    %dma_wait3A_785 = tpu.memref_squeeze %dma_wait3A_784 : memref<1x!tpu.dma_semaphore, #tpu.memory_space<semaphore_mem>> -> memref<!tpu.dma_semaphore, #tpu.memory_space<semaphore_mem>>
    %dma_wait3A_786 = tpu.memref_slice %arg3[%add3A_781] : memref<33554432xf32, #tpu.memory_space<hbm>> -> memref<32768xf32, #tpu.memory_space<hbm>>
    tpu.wait_dma2 semaphore(%dma_wait3A_785 : memref<!tpu.dma_semaphore, #tpu.memory_space<semaphore_mem>>) src(%arg6 : memref<32768xf32, #tpu.memory_space<vmem>>) dst(%dma_wait3A_786 : memref<32768xf32, #tpu.memory_space<hbm>>)
    %add3A_787 = arith.constant 950272 : i32
    %add3A_788 = arith.addi %mul3A_2, %add3A_787 : i32
    %dma_start3A_789 = arith.constant 2 : i32
    %dma_start3A_790 = tpu.memref_slice %arg2[%add3A_788] : memref<33554432xf32, #tpu.memory_space<hbm>> -> memref<32768xf32, #tpu.memory_space<hbm>>
    %dma_start3A_791 = tpu.memref_slice %arg7[%dma_start3A_789] : memref<3x!tpu.dma_semaphore, #tpu.memory_space<semaphore_mem>> -> memref<1x!tpu.dma_semaphore, #tpu.memory_space<semaphore_mem>>
    %dma_start3A_792 = tpu.memref_squeeze %dma_start3A_791 : memref<1x!tpu.dma_semaphore, #tpu.memory_space<semaphore_mem>> -> memref<!tpu.dma_semaphore, #tpu.memory_space<semaphore_mem>>
    %dma_start3A_793 = tpu.memref_slice %arg2[%add3A_788] : memref<33554432xf32, #tpu.memory_space<hbm>> -> memref<32768xf32, #tpu.memory_space<hbm>>
    tpu.enqueue_dma source(%dma_start3A_793 : memref<32768xf32, #tpu.memory_space<hbm>>) target(%arg6 : memref<32768xf32, #tpu.memory_space<vmem>>) target_semaphore(%dma_start3A_792 : memref<!tpu.dma_semaphore, #tpu.memory_space<semaphore_mem>>)
    %add3A_794 = arith.constant 917504 : i32
    %add3A_795 = arith.addi %mul3A_2, %add3A_794 : i32
    %dma_wait3A_796 = arith.constant 1 : i32
    %dma_wait3A_797 = tpu.memref_slice %arg2[%add3A_795] : memref<33554432xf32, #tpu.memory_space<hbm>> -> memref<32768xf32, #tpu.memory_space<hbm>>
    %dma_wait3A_798 = tpu.memref_slice %arg7[%dma_wait3A_796] : memref<3x!tpu.dma_semaphore, #tpu.memory_space<semaphore_mem>> -> memref<1x!tpu.dma_semaphore, #tpu.memory_space<semaphore_mem>>
    %dma_wait3A_799 = tpu.memref_squeeze %dma_wait3A_798 : memref<1x!tpu.dma_semaphore, #tpu.memory_space<semaphore_mem>> -> memref<!tpu.dma_semaphore, #tpu.memory_space<semaphore_mem>>
    %dma_wait3A_800 = tpu.memref_slice %arg2[%add3A_795] : memref<33554432xf32, #tpu.memory_space<hbm>> -> memref<32768xf32, #tpu.memory_space<hbm>>
    tpu.wait_dma2 semaphore(%dma_wait3A_799 : memref<!tpu.dma_semaphore, #tpu.memory_space<semaphore_mem>>) src(%dma_wait3A_800 : memref<32768xf32, #tpu.memory_space<hbm>>) dst(%arg5 : memref<32768xf32, #tpu.memory_space<vmem>>)
    %add3A_801 = arith.constant 917504 : i32
    %add3A_802 = arith.addi %mul3A_2, %add3A_801 : i32
    %dma_start3A_803 = arith.constant 1 : i32
    %dma_start3A_804 = tpu.memref_slice %arg3[%add3A_802] : memref<33554432xf32, #tpu.memory_space<hbm>> -> memref<32768xf32, #tpu.memory_space<hbm>>
    %dma_start3A_805 = tpu.memref_slice %arg8[%dma_start3A_803] : memref<3x!tpu.dma_semaphore, #tpu.memory_space<semaphore_mem>> -> memref<1x!tpu.dma_semaphore, #tpu.memory_space<semaphore_mem>>
    %dma_start3A_806 = tpu.memref_squeeze %dma_start3A_805 : memref<1x!tpu.dma_semaphore, #tpu.memory_space<semaphore_mem>> -> memref<!tpu.dma_semaphore, #tpu.memory_space<semaphore_mem>>
    %dma_start3A_807 = tpu.memref_slice %arg3[%add3A_802] : memref<33554432xf32, #tpu.memory_space<hbm>> -> memref<32768xf32, #tpu.memory_space<hbm>>
    tpu.enqueue_dma source(%arg5 : memref<32768xf32, #tpu.memory_space<vmem>>) target(%dma_start3A_807 : memref<32768xf32, #tpu.memory_space<hbm>>) target_semaphore(%dma_start3A_806 : memref<!tpu.dma_semaphore, #tpu.memory_space<semaphore_mem>>)
    %add3A_808 = arith.constant 884736 : i32
    %add3A_809 = arith.addi %mul3A_2, %add3A_808 : i32
    %dma_wait3A_810 = arith.constant 0 : i32
    %dma_wait3A_811 = tpu.memref_slice %arg3[%add3A_809] : memref<33554432xf32, #tpu.memory_space<hbm>> -> memref<32768xf32, #tpu.memory_space<hbm>>
    %dma_wait3A_812 = tpu.memref_slice %arg8[%dma_wait3A_810] : memref<3x!tpu.dma_semaphore, #tpu.memory_space<semaphore_mem>> -> memref<1x!tpu.dma_semaphore, #tpu.memory_space<semaphore_mem>>
    %dma_wait3A_813 = tpu.memref_squeeze %dma_wait3A_812 : memref<1x!tpu.dma_semaphore, #tpu.memory_space<semaphore_mem>> -> memref<!tpu.dma_semaphore, #tpu.memory_space<semaphore_mem>>
    %dma_wait3A_814 = tpu.memref_slice %arg3[%add3A_809] : memref<33554432xf32, #tpu.memory_space<hbm>> -> memref<32768xf32, #tpu.memory_space<hbm>>
    tpu.wait_dma2 semaphore(%dma_wait3A_813 : memref<!tpu.dma_semaphore, #tpu.memory_space<semaphore_mem>>) src(%arg4 : memref<32768xf32, #tpu.memory_space<vmem>>) dst(%dma_wait3A_814 : memref<32768xf32, #tpu.memory_space<hbm>>)
    %add3A_815 = arith.constant 983040 : i32
    %add3A_816 = arith.addi %mul3A_2, %add3A_815 : i32
    %dma_start3A_817 = arith.constant 0 : i32
    %dma_start3A_818 = tpu.memref_slice %arg2[%add3A_816] : memref<33554432xf32, #tpu.memory_space<hbm>> -> memref<32768xf32, #tpu.memory_space<hbm>>
    %dma_start3A_819 = tpu.memref_slice %arg7[%dma_start3A_817] : memref<3x!tpu.dma_semaphore, #tpu.memory_space<semaphore_mem>> -> memref<1x!tpu.dma_semaphore, #tpu.memory_space<semaphore_mem>>
    %dma_start3A_820 = tpu.memref_squeeze %dma_start3A_819 : memref<1x!tpu.dma_semaphore, #tpu.memory_space<semaphore_mem>> -> memref<!tpu.dma_semaphore, #tpu.memory_space<semaphore_mem>>
    %dma_start3A_821 = tpu.memref_slice %arg2[%add3A_816] : memref<33554432xf32, #tpu.memory_space<hbm>> -> memref<32768xf32, #tpu.memory_space<hbm>>
    tpu.enqueue_dma source(%dma_start3A_821 : memref<32768xf32, #tpu.memory_space<hbm>>) target(%arg4 : memref<32768xf32, #tpu.memory_space<vmem>>) target_semaphore(%dma_start3A_820 : memref<!tpu.dma_semaphore, #tpu.memory_space<semaphore_mem>>)
    %add3A_822 = arith.constant 950272 : i32
    %add3A_823 = arith.addi %mul3A_2, %add3A_822 : i32
    %dma_wait3A_824 = arith.constant 2 : i32
    %dma_wait3A_825 = tpu.memref_slice %arg2[%add3A_823] : memref<33554432xf32, #tpu.memory_space<hbm>> -> memref<32768xf32, #tpu.memory_space<hbm>>
    %dma_wait3A_826 = tpu.memref_slice %arg7[%dma_wait3A_824] : memref<3x!tpu.dma_semaphore, #tpu.memory_space<semaphore_mem>> -> memref<1x!tpu.dma_semaphore, #tpu.memory_space<semaphore_mem>>
    %dma_wait3A_827 = tpu.memref_squeeze %dma_wait3A_826 : memref<1x!tpu.dma_semaphore, #tpu.memory_space<semaphore_mem>> -> memref<!tpu.dma_semaphore, #tpu.memory_space<semaphore_mem>>
    %dma_wait3A_828 = tpu.memref_slice %arg2[%add3A_823] : memref<33554432xf32, #tpu.memory_space<hbm>> -> memref<32768xf32, #tpu.memory_space<hbm>>
    tpu.wait_dma2 semaphore(%dma_wait3A_827 : memref<!tpu.dma_semaphore, #tpu.memory_space<semaphore_mem>>) src(%dma_wait3A_828 : memref<32768xf32, #tpu.memory_space<hbm>>) dst(%arg6 : memref<32768xf32, #tpu.memory_space<vmem>>)
    %add3A_829 = arith.constant 950272 : i32
    %add3A_830 = arith.addi %mul3A_2, %add3A_829 : i32
    %dma_start3A_831 = arith.constant 2 : i32
    %dma_start3A_832 = tpu.memref_slice %arg3[%add3A_830] : memref<33554432xf32, #tpu.memory_space<hbm>> -> memref<32768xf32, #tpu.memory_space<hbm>>
    %dma_start3A_833 = tpu.memref_slice %arg8[%dma_start3A_831] : memref<3x!tpu.dma_semaphore, #tpu.memory_space<semaphore_mem>> -> memref<1x!tpu.dma_semaphore, #tpu.memory_space<semaphore_mem>>
    %dma_start3A_834 = tpu.memref_squeeze %dma_start3A_833 : memref<1x!tpu.dma_semaphore, #tpu.memory_space<semaphore_mem>> -> memref<!tpu.dma_semaphore, #tpu.memory_space<semaphore_mem>>
    %dma_start3A_835 = tpu.memref_slice %arg3[%add3A_830] : memref<33554432xf32, #tpu.memory_space<hbm>> -> memref<32768xf32, #tpu.memory_space<hbm>>
    tpu.enqueue_dma source(%arg6 : memref<32768xf32, #tpu.memory_space<vmem>>) target(%dma_start3A_835 : memref<32768xf32, #tpu.memory_space<hbm>>) target_semaphore(%dma_start3A_834 : memref<!tpu.dma_semaphore, #tpu.memory_space<semaphore_mem>>)
    %add3A_836 = arith.constant 917504 : i32
    %add3A_837 = arith.addi %mul3A_2, %add3A_836 : i32
    %dma_wait3A_838 = arith.constant 1 : i32
    %dma_wait3A_839 = tpu.memref_slice %arg3[%add3A_837] : memref<33554432xf32, #tpu.memory_space<hbm>> -> memref<32768xf32, #tpu.memory_space<hbm>>
    %dma_wait3A_840 = tpu.memref_slice %arg8[%dma_wait3A_838] : memref<3x!tpu.dma_semaphore, #tpu.memory_space<semaphore_mem>> -> memref<1x!tpu.dma_semaphore, #tpu.memory_space<semaphore_mem>>
    %dma_wait3A_841 = tpu.memref_squeeze %dma_wait3A_840 : memref<1x!tpu.dma_semaphore, #tpu.memory_space<semaphore_mem>> -> memref<!tpu.dma_semaphore, #tpu.memory_space<semaphore_mem>>
    %dma_wait3A_842 = tpu.memref_slice %arg3[%add3A_837] : memref<33554432xf32, #tpu.memory_space<hbm>> -> memref<32768xf32, #tpu.memory_space<hbm>>
    tpu.wait_dma2 semaphore(%dma_wait3A_841 : memref<!tpu.dma_semaphore, #tpu.memory_space<semaphore_mem>>) src(%arg5 : memref<32768xf32, #tpu.memory_space<vmem>>) dst(%dma_wait3A_842 : memref<32768xf32, #tpu.memory_space<hbm>>)
    %add3A_843 = arith.constant 1015808 : i32
    %add3A_844 = arith.addi %mul3A_2, %add3A_843 : i32
    %dma_start3A_845 = arith.constant 1 : i32
    %dma_start3A_846 = tpu.memref_slice %arg2[%add3A_844] : memref<33554432xf32, #tpu.memory_space<hbm>> -> memref<32768xf32, #tpu.memory_space<hbm>>
    %dma_start3A_847 = tpu.memref_slice %arg7[%dma_start3A_845] : memref<3x!tpu.dma_semaphore, #tpu.memory_space<semaphore_mem>> -> memref<1x!tpu.dma_semaphore, #tpu.memory_space<semaphore_mem>>
    %dma_start3A_848 = tpu.memref_squeeze %dma_start3A_847 : memref<1x!tpu.dma_semaphore, #tpu.memory_space<semaphore_mem>> -> memref<!tpu.dma_semaphore, #tpu.memory_space<semaphore_mem>>
    %dma_start3A_849 = tpu.memref_slice %arg2[%add3A_844] : memref<33554432xf32, #tpu.memory_space<hbm>> -> memref<32768xf32, #tpu.memory_space<hbm>>
    tpu.enqueue_dma source(%dma_start3A_849 : memref<32768xf32, #tpu.memory_space<hbm>>) target(%arg5 : memref<32768xf32, #tpu.memory_space<vmem>>) target_semaphore(%dma_start3A_848 : memref<!tpu.dma_semaphore, #tpu.memory_space<semaphore_mem>>)
    %add3A_850 = arith.constant 983040 : i32
    %add3A_851 = arith.addi %mul3A_2, %add3A_850 : i32
    %dma_wait3A_852 = arith.constant 0 : i32
    %dma_wait3A_853 = tpu.memref_slice %arg2[%add3A_851] : memref<33554432xf32, #tpu.memory_space<hbm>> -> memref<32768xf32, #tpu.memory_space<hbm>>
    %dma_wait3A_854 = tpu.memref_slice %arg7[%dma_wait3A_852] : memref<3x!tpu.dma_semaphore, #tpu.memory_space<semaphore_mem>> -> memref<1x!tpu.dma_semaphore, #tpu.memory_space<semaphore_mem>>
    %dma_wait3A_855 = tpu.memref_squeeze %dma_wait3A_854 : memref<1x!tpu.dma_semaphore, #tpu.memory_space<semaphore_mem>> -> memref<!tpu.dma_semaphore, #tpu.memory_space<semaphore_mem>>
    %dma_wait3A_856 = tpu.memref_slice %arg2[%add3A_851] : memref<33554432xf32, #tpu.memory_space<hbm>> -> memref<32768xf32, #tpu.memory_space<hbm>>
    tpu.wait_dma2 semaphore(%dma_wait3A_855 : memref<!tpu.dma_semaphore, #tpu.memory_space<semaphore_mem>>) src(%dma_wait3A_856 : memref<32768xf32, #tpu.memory_space<hbm>>) dst(%arg4 : memref<32768xf32, #tpu.memory_space<vmem>>)
    %add3A_857 = arith.constant 983040 : i32
    %add3A_858 = arith.addi %mul3A_2, %add3A_857 : i32
    %dma_start3A_859 = arith.constant 0 : i32
    %dma_start3A_860 = tpu.memref_slice %arg3[%add3A_858] : memref<33554432xf32, #tpu.memory_space<hbm>> -> memref<32768xf32, #tpu.memory_space<hbm>>
    %dma_start3A_861 = tpu.memref_slice %arg8[%dma_start3A_859] : memref<3x!tpu.dma_semaphore, #tpu.memory_space<semaphore_mem>> -> memref<1x!tpu.dma_semaphore, #tpu.memory_space<semaphore_mem>>
    %dma_start3A_862 = tpu.memref_squeeze %dma_start3A_861 : memref<1x!tpu.dma_semaphore, #tpu.memory_space<semaphore_mem>> -> memref<!tpu.dma_semaphore, #tpu.memory_space<semaphore_mem>>
    %dma_start3A_863 = tpu.memref_slice %arg3[%add3A_858] : memref<33554432xf32, #tpu.memory_space<hbm>> -> memref<32768xf32, #tpu.memory_space<hbm>>
    tpu.enqueue_dma source(%arg4 : memref<32768xf32, #tpu.memory_space<vmem>>) target(%dma_start3A_863 : memref<32768xf32, #tpu.memory_space<hbm>>) target_semaphore(%dma_start3A_862 : memref<!tpu.dma_semaphore, #tpu.memory_space<semaphore_mem>>)
    %add3A_864 = arith.constant 1015808 : i32
    %add3A_865 = arith.addi %mul3A_2, %add3A_864 : i32
    %dma_wait3A_866 = arith.constant 1 : i32
    %dma_wait3A_867 = tpu.memref_slice %arg2[%add3A_865] : memref<33554432xf32, #tpu.memory_space<hbm>> -> memref<32768xf32, #tpu.memory_space<hbm>>
    %dma_wait3A_868 = tpu.memref_slice %arg7[%dma_wait3A_866] : memref<3x!tpu.dma_semaphore, #tpu.memory_space<semaphore_mem>> -> memref<1x!tpu.dma_semaphore, #tpu.memory_space<semaphore_mem>>
    %dma_wait3A_869 = tpu.memref_squeeze %dma_wait3A_868 : memref<1x!tpu.dma_semaphore, #tpu.memory_space<semaphore_mem>> -> memref<!tpu.dma_semaphore, #tpu.memory_space<semaphore_mem>>
    %dma_wait3A_870 = tpu.memref_slice %arg2[%add3A_865] : memref<33554432xf32, #tpu.memory_space<hbm>> -> memref<32768xf32, #tpu.memory_space<hbm>>
    tpu.wait_dma2 semaphore(%dma_wait3A_869 : memref<!tpu.dma_semaphore, #tpu.memory_space<semaphore_mem>>) src(%dma_wait3A_870 : memref<32768xf32, #tpu.memory_space<hbm>>) dst(%arg5 : memref<32768xf32, #tpu.memory_space<vmem>>)
    %add3A_871 = arith.constant 1015808 : i32
    %add3A_872 = arith.addi %mul3A_2, %add3A_871 : i32
    %dma_start3A_873 = arith.constant 1 : i32
    %dma_start3A_874 = tpu.memref_slice %arg3[%add3A_872] : memref<33554432xf32, #tpu.memory_space<hbm>> -> memref<32768xf32, #tpu.memory_space<hbm>>
    %dma_start3A_875 = tpu.memref_slice %arg8[%dma_start3A_873] : memref<3x!tpu.dma_semaphore, #tpu.memory_space<semaphore_mem>> -> memref<1x!tpu.dma_semaphore, #tpu.memory_space<semaphore_mem>>
    %dma_start3A_876 = tpu.memref_squeeze %dma_start3A_875 : memref<1x!tpu.dma_semaphore, #tpu.memory_space<semaphore_mem>> -> memref<!tpu.dma_semaphore, #tpu.memory_space<semaphore_mem>>
    %dma_start3A_877 = tpu.memref_slice %arg3[%add3A_872] : memref<33554432xf32, #tpu.memory_space<hbm>> -> memref<32768xf32, #tpu.memory_space<hbm>>
    tpu.enqueue_dma source(%arg5 : memref<32768xf32, #tpu.memory_space<vmem>>) target(%dma_start3A_877 : memref<32768xf32, #tpu.memory_space<hbm>>) target_semaphore(%dma_start3A_876 : memref<!tpu.dma_semaphore, #tpu.memory_space<semaphore_mem>>)
    %add3A_878 = arith.constant 950272 : i32
    %add3A_879 = arith.addi %mul3A_2, %add3A_878 : i32
    %dma_wait3A_880 = arith.constant 2 : i32
    %dma_wait3A_881 = tpu.memref_slice %arg3[%add3A_879] : memref<33554432xf32, #tpu.memory_space<hbm>> -> memref<32768xf32, #tpu.memory_space<hbm>>
    %dma_wait3A_882 = tpu.memref_slice %arg8[%dma_wait3A_880] : memref<3x!tpu.dma_semaphore, #tpu.memory_space<semaphore_mem>> -> memref<1x!tpu.dma_semaphore, #tpu.memory_space<semaphore_mem>>
    %dma_wait3A_883 = tpu.memref_squeeze %dma_wait3A_882 : memref<1x!tpu.dma_semaphore, #tpu.memory_space<semaphore_mem>> -> memref<!tpu.dma_semaphore, #tpu.memory_space<semaphore_mem>>
    %dma_wait3A_884 = tpu.memref_slice %arg3[%add3A_879] : memref<33554432xf32, #tpu.memory_space<hbm>> -> memref<32768xf32, #tpu.memory_space<hbm>>
    tpu.wait_dma2 semaphore(%dma_wait3A_883 : memref<!tpu.dma_semaphore, #tpu.memory_space<semaphore_mem>>) src(%arg6 : memref<32768xf32, #tpu.memory_space<vmem>>) dst(%dma_wait3A_884 : memref<32768xf32, #tpu.memory_space<hbm>>)
    %add3A_885 = arith.constant 983040 : i32
    %add3A_886 = arith.addi %mul3A_2, %add3A_885 : i32
    %dma_wait3A_887 = arith.constant 0 : i32
    %dma_wait3A_888 = tpu.memref_slice %arg3[%add3A_886] : memref<33554432xf32, #tpu.memory_space<hbm>> -> memref<32768xf32, #tpu.memory_space<hbm>>
    %dma_wait3A_889 = tpu.memref_slice %arg8[%dma_wait3A_887] : memref<3x!tpu.dma_semaphore, #tpu.memory_space<semaphore_mem>> -> memref<1x!tpu.dma_semaphore, #tpu.memory_space<semaphore_mem>>
    %dma_wait3A_890 = tpu.memref_squeeze %dma_wait3A_889 : memref<1x!tpu.dma_semaphore, #tpu.memory_space<semaphore_mem>> -> memref<!tpu.dma_semaphore, #tpu.memory_space<semaphore_mem>>
    %dma_wait3A_891 = tpu.memref_slice %arg3[%add3A_886] : memref<33554432xf32, #tpu.memory_space<hbm>> -> memref<32768xf32, #tpu.memory_space<hbm>>
    tpu.wait_dma2 semaphore(%dma_wait3A_890 : memref<!tpu.dma_semaphore, #tpu.memory_space<semaphore_mem>>) src(%arg4 : memref<32768xf32, #tpu.memory_space<vmem>>) dst(%dma_wait3A_891 : memref<32768xf32, #tpu.memory_space<hbm>>)
    %add3A_892 = arith.constant 1015808 : i32
    %add3A_893 = arith.addi %mul3A_2, %add3A_892 : i32
    %dma_wait3A_894 = arith.constant 1 : i32
    %dma_wait3A_895 = tpu.memref_slice %arg3[%add3A_893] : memref<33554432xf32, #tpu.memory_space<hbm>> -> memref<32768xf32, #tpu.memory_space<hbm>>
    %dma_wait3A_896 = tpu.memref_slice %arg8[%dma_wait3A_894] : memref<3x!tpu.dma_semaphore, #tpu.memory_space<semaphore_mem>> -> memref<1x!tpu.dma_semaphore, #tpu.memory_space<semaphore_mem>>
    %dma_wait3A_897 = tpu.memref_squeeze %dma_wait3A_896 : memref<1x!tpu.dma_semaphore, #tpu.memory_space<semaphore_mem>> -> memref<!tpu.dma_semaphore, #tpu.memory_space<semaphore_mem>>
    %dma_wait3A_898 = tpu.memref_slice %arg3[%add3A_893] : memref<33554432xf32, #tpu.memory_space<hbm>> -> memref<32768xf32, #tpu.memory_space<hbm>>
    tpu.wait_dma2 semaphore(%dma_wait3A_897 : memref<!tpu.dma_semaphore, #tpu.memory_space<semaphore_mem>>) src(%arg5 : memref<32768xf32, #tpu.memory_space<vmem>>) dst(%dma_wait3A_898 : memref<32768xf32, #tpu.memory_space<hbm>>)
    return
  }
}

</mosaic_0001>

<sc_bundles>
// kernel: kernel.3.cloned.1.call-start
scs
__scs_entry_jumppad:
0x0: {  	(pc) =	sbr.rel $0x88, $3  }
0x1: {  	(tag) =	ssettag $0x0;
	lr =	simm.s32 $0x1  }
0x2: {  	[smem:$0x3FA0] =	sst lr;
	_ =	strace $0xD0000000  }
0x3: {  	_ = 	snop  }
0x4: {  	_ = 	snop  }
0x5: {  	_ = 	snop  }
0x6: {  	_ = 	snop  }
0x7: {  	_ = 	snop  }
__scs_overlays_trampoline_lowered:
0x8: {  	[smem:$0x3FAF] =	sst s0  }
0x9: {  	[smem:$0x3FB0] =	sst s1  }
0xa: {  	[smem:$0x3FB1] =	sst s2  }
0xb: {  	[smem:$0x3FB2] =	sst s3  }
0xc: {  	[smem:$0x3FB3] =	sst s4  }
0xd: {  	[smem:$0x3FB4] =	sst s5  }
0xe: {  	[smem:$0x3FB5] =	sst s6  }
0xf: {  	[smem:$0x3FB6] =	sst s7  }
0x10: {  	[smem:$0x3FB7] =	sst s8  }
0x11: {  	[smem:$0x3FB8] =	sst s9;
	s0 =	simm.s32 @!p0 $0x0  }
0x12: {  	s1 =	sld [smem:$0x3F9E];
	s0 =	simm.s32 @p0 $0x1  }
0x13: {  	[smem:$0x3FB9] =	sst s0;
	s0 =	simm.s32 @!p1 $0x0  }
0x14: {  	s2 =	sld [smem:$0x3F9D];
	s0 =	simm.s32 @p1 $0x1  }
0x15: {  	[smem:$0x3FBA] =	sst s0;
	s0 =	simm.s32 @!p2 $0x0  }
0x16: {  	s3 =	sld [smem:$0x3FDB];
	s0 =	simm.s32 @p2 $0x1  }
0x17: {  	s4 =	simm.s32 $0x1BF5;
	[smem:$0x3FBC] =	sst s0  }
0x18: {  	s0 =	sld [smem:$0x3F9F];
	_ =	swait.ge [sflag:s4], $0x0  }
0x19: {  	s7 =	sld [smem:$0x3FA0]  }
0x1a: {  	s8 =	sadd.s32 $0xFFFFE003, lr  }
0x1b: {  	s9 =	sadd.s32 $0xFFFFFEF7, lr;
	s5 =	simm.s32 $0xFFFFFFFF;
	p2 =	slt.u32 s8, $0xFFFFF086  }
0x1c: {  	p1 =	slt.u32 s9, $0xF7A;
	s5 =	simm.s32 @!p2 $0x0  }
0x1d: {  	s5 =	simm.s32 @p1 $0x1;
	p0 =	seq.s32 s7, s2  }
0x1e: {  	s7 =	smul.u32 @!p0 $0xF7A, s2;
	p2 =	seq.s32 @!p0 s5, $0x0  }
0x1f: {  	s9 =	smul.u32 $0xF7A, s1;
	s8 =	simm.s32 @!p0 $0x1BF5;
	p2 =	por !p2, p0  }
0x20: {  	[sflag:s8] =	ssyncset.s32 @!p0 $0xFFFFF086;
	s6 =	sadd.s32 @!p0 s3, s7;
	s7 =	simm.s32 @!p0 $0x108  }
0x21: {  	s3 =	sadd.s32 s3, s9;
	s6 =	sadd.s32 @!p0 $0x88, s6;
	s7 =	simm.s32 @p2 $0x1082  }
0x22: {  	[simem:s7], [sflag:s8] =	dma.local @!p0 [hbm:s6], $0xF7A  }
0x23: {  	s9 =	sor.u32 $0xD0000000, s2;
	s6 =	simm.s32 $0x108;
	_ =	swait.ge @!p0 [sflag:s8], $0x0  }
0x24: {  	s3 =	sadd.s32 $0x88, s3;
	s6 =	simm.s32 @!p1 $0x1082;
	[sflag:s4] =	ssyncset.s32 $0xFFFFF086  }
0x25: {  	[simem:s6], [sflag:s4] =	dma.local [hbm:s3], $0xF7A  }
0x26: {  	[smem:$0x3FA0] =	sst s1;
	(tag) =	ssettag s2;
	_ =	strace s9  }
0x27: {  	s1 =	sld [smem:$0x3FB0]  }
0x28: {  	s2 =	sld [smem:$0x3FB1]  }
0x29: {  	s4 =	sld [smem:$0x3FB3]  }
0x2a: {  	p0 =	seq.s32 s5, $0x0;
	s5 =	sld [smem:$0x3FB4]  }
0x2b: {  	s6 =	sld [smem:$0x3FB5]  }
0x2c: {  	s7 =	sld [smem:$0x3FB6]  }
0x2d: {  	s3 =	simm.s32 $0x108;
	s8 =	sld [smem:$0x3FB7]  }
0x2e: {  	s3 =	simm.s32 @!p0 $0x1082;
	s9 =	sld [smem:$0x3FB8]  }
0x2f: {  	lr =	sadd.s32 s0, s3;
	s0 =	sld [smem:$0x3FAF]  }
0x30: {  	s3 =	sld [smem:$0x3FB2]  }
0x31: {  	[smem:$0x3FBB] =	sst s10  }
0x32: {  	s10 =	sld [smem:$0x3FB9];
	_ =	sdelay $0x3  }
0x33: {  	p0 =	seq.s32 s10, $0x1;
	s10 =	sld [smem:$0x3FBB];
	_ =	sdelay $0x3  }
0x34: {  	[smem:$0x3FBB] =	sst s10  }
0x35: {  	s10 =	sld [smem:$0x3FBA];
	_ =	sdelay $0x3  }
0x36: {  	p1 =	seq.s32 s10, $0x1;
	s10 =	sld [smem:$0x3FBB];
	_ =	sdelay $0x3  }
0x37: {  	[smem:$0x3FBB] =	sst s10  }
0x38: {  	s10 =	sld [smem:$0x3FBC]  }
0x39: {  	_ = 	snop;
	(pc) =	sbr.ind lr, $3  }
0x3a: {  	_ = 	snop  }
0x3b: {  	_ = 	snop  }
0x3c: {  	p2 =	seq.s32 s10, $0x1;
	s10 =	sld [smem:$0x3FBB]  }
0x3d: {  	_ =	shalt  }
0x3e: {  	_ =	shalt  }
0x3f: {  	_ =	shalt  }
0x40: {  	_ =	shalt  }
0x41: {  	_ =	shalt  }
0x42: {  	_ =	shalt  }
0x43: {  	_ =	shalt  }
0x44: {  	_ =	shalt  }
0x45: {  	_ =	shalt  }
0x46: {  	_ =	shalt  }
0x47: {  	_ =	shalt  }
0x48: {  	_ =	shalt  }
0x49: {  	_ =	shalt  }
0x4a: {  	_ =	shalt  }
0x4b: {  	_ =	shalt  }
0x4c: {  	_ =	shalt  }
0x4d: {  	_ =	shalt  }
0x4e: {  	_ =	shalt  }
0x4f: {  	_ =	shalt  }
0x50: {  	_ =	shalt  }
0x51: {  	_ =	shalt  }
0x52: {  	_ =	shalt  }
0x53: {  	_ =	shalt  }
0x54: {  	_ =	shalt  }
0x55: {  	_ =	shalt  }
0x56: {  	_ =	shalt  }
0x57: {  	_ =	shalt  }
0x58: {  	_ =	shalt  }
0x59: {  	_ =	shalt  }
0x5a: {  	_ =	shalt  }
0x5b: {  	_ =	shalt  }
0x5c: {  	_ =	shalt  }
0x5d: {  	_ =	shalt  }
0x5e: {  	_ =	shalt  }
0x5f: {  	_ =	shalt  }
0x60: {  	_ =	shalt  }
0x61: {  	_ =	shalt  }
0x62: {  	_ =	shalt  }
0x63: {  	_ =	shalt  }
0x64: {  	_ =	shalt  }
0x65: {  	_ =	shalt  }
0x66: {  	_ =	shalt  }
0x67: {  	_ =	shalt  }
0x68: {  	_ =	shalt  }
0x69: {  	_ =	shalt  }
0x6a: {  	_ =	shalt  }
0x6b: {  	_ =	shalt  }
0x6c: {  	_ =	shalt  }
0x6d: {  	_ =	shalt  }
0x6e: {  	_ =	shalt  }
0x6f: {  	_ =	shalt  }
0x70: {  	_ =	shalt  }
0x71: {  	_ =	shalt  }
0x72: {  	_ =	shalt  }
0x73: {  	_ =	shalt  }
0x74: {  	_ =	shalt  }
0x75: {  	_ =	shalt  }
0x76: {  	_ =	shalt  }
0x77: {  	_ =	shalt  }
0x78: {  	_ =	shalt  }
0x79: {  	_ =	shalt  }
0x7a: {  	_ =	shalt  }
0x7b: {  	_ =	shalt  }
0x7c: {  	_ =	shalt  }
0x7d: {  	_ =	shalt  }
0x7e: {  	_ =	shalt  }
0x7f: {  	_ =	shalt  }
0x80: {  	_ =	shalt  }
0x81: {  	_ =	shalt  }
0x82: {  	_ =	shalt  }
0x83: {  	_ =	shalt  }
0x84: {  	_ =	shalt  }
0x85: {  	_ =	shalt  }
0x86: {  	_ =	shalt  }
0x87: {  	_ =	shalt  }
.Lfunc_end0:
.L_simem_size_0:
called_computation_lowered:
.L_overlay_start_0:
0x88: {  	s2 =	sld [smem:$0x3FD9]  }
0x89: {  	s3 =	sld [smem:$0x3FFE];
	_ =	sdelay $0x1  }
0x8a: {  	s1 =	srdreg.scid  }
0x8b: {  	s0 =	sand.u32 $0x1, s1  }
0x8c: {  	s18 =	sshll.u32 s0, $0xA;
	s2 =	sadd.s32 s3, s2  }
0x8d: {  	s2 =	sadd.s32 s2, s18  }
0x8e: {  	[smem:$0x3FC7] =	sst s2  }
0x8f: {  	_ = 	snop  }
0x90: {  	s2 =	sld [smem:$0x3FC9]  }
0x91: {  	s19 =	sld [smem:$0x3FD0];
	(tm) =	ssettm $0x1  }
0x92: {  	s4 =	sld [smem:$0x3FFB];
	_ =	sdelay $0x3  }
0x93: {  	_ =	strace s4  }
0x94: {  	s4 =	sld [smem:$0x3FFC];
	_ =	sdelay $0x3  }
0x95: {  	_ =	strace s4  }
0x96: {  	s4 =	sld [smem:$0x3FFD];
	_ =	sdelay $0x3  }
0x97: {  	_ =	strace s4  }
0x98: {  	_ =	strace $0x8FFFFFFF  }
0x99: {  	s20 =	sld [smem:$0x3FDB];
	_ =	sdelay $0x1  }
0x9a: {  	s5 =	simm.s32 $_scs_section_size  }
0x9b: {  	s6 =	simm.s32 $_size__tile_overlayer_lowered;
	s7 =	simm.s32 $_tile_overlayer_lowered  }
0x9c: {  	s23 =	simm.s32 $0x1BFF;
	s22 =	sshll.u32 s7, $0x1;
	s4 =	sadd.s32 s5, s20  }
0x9d: {  	s8 =	simm.s32 $0x0;
	s21 =	sshll.u32 s6, $0x1;
	s6 =	sadd.s32 s22, s4  }
0x9e: {  	[timem:s8], [sflag:s23] =	dma.local [hbm:s6], s21  }
0x9f: {  	_ =	swait.ge [sflag:s23], s21  }
0xa0: {  	s5 =	ssub.s32 $0x0, s21;
	[sflag:s23] =	ssyncset.done $0x0  }
0xa1: {  	[sflag:s23] =	ssyncadd.s32 s5;
	_ =	sdelay $0x1  }
0xa2: {  	s24 =	simm.s32 $0x1B8B  }
0xa3: {  	_ =	swait.ge [sflag:s24], $0x1  }
0xa4: {  	[sflag:s24] =	ssyncset.done $0x0  }
0xa5: {  	s25 =	simm.s32 $0x1B8E;
	[sflag:s24] =	ssyncadd.s32 $0xFFFFFFFF  }
0xa6: {  	s26 =	simm.s32 $execute0_lowered;
	[smem:$0x3FD2] =	sst s25  }
0xa7: {  	s5 =	sshll.u32 s26, $0x1;
	_ =	strace $0x80000046;
	[dreg:$0x1] =	wrdreg $0xFFFFFFFF  }
0xa8: {  	s28 =	simm.s32 $_size_execute0_lowered;
	s4 =	sadd.s32 s4, s5;
	[dreg:$0x0] =	wrdreg $0x0  }
0xa9: {  	s5 =	sshll.u32 s28, $0x1;
	[dreg:$0x2] =	wrdreg s4  }
0xaa: {  	[dreg:$0x3] =	wrdreg s5  }
0xab: {  	[dreg:$0x4] =	wrdreg $0xC0  }
0xac: {  	_ =	task [dreg:s8], $0x5FFFF  }
0xad: {  	[dreg:$0x1] =	wrdreg $0xFFFFFFFF  }
0xae: {  	[dreg:$0x0] =	wrdreg $0x60  }
0xaf: {  	[dreg:$0x2] =	wrdreg s2  }
0xb0: {  	[dreg:$0x3] =	wrdreg s19  }
0xb1: {  	[dreg:$0x4] =	wrdreg $0x9  }
0xb2: {  	_ =	task.clear_ibuf [dreg:s8], $0x5FFFF;
	_ =	strace $0x90000046  }
0xb3: {  	s29 =	simm.s32 $0x9;
	_ =	strace $0x80000048  }
0xb4: {  	_ =	swait.ge [sflag:s29], $0x1  }
0xb5: {  	[sflag:s29] =	ssyncadd.s32 $0xFFFFFFFF  }
0xb6: {  	_ =	strace $0x90000048  }
0xb7: {  	_ =	sfence  }
0xb8: {  	s30 =	sld [smem:$0x0];
	_ =	sdelay $0x2  }
0xb9: {  	s31 =	sshll.u32 s1, $0xD;
	s1 =	sshrl.u32 s1, $0x2  }
0xba: {  	s3 =	sand.u32 $0x4000, s31;
	s1 =	sadd.s32 s1, s30  }
0xbb: {  	s0 =	sor.u32 s3, s0;
	s1 =	sshll.u32 s1, $0x11  }
0xbc: {  	s0 =	sor.u32 s1, s0  }
0xbd: {  	s0 =	sadd.s32 $0x8F2B, s0  }
0xbe: {  	[sflag:s0] =	ssyncadd.remote.s32 $0x1  }
0xbf: {  	_ =	sfence.sel $0xFFFF  }
0xc0: {  	[dreg:$0x0] =	wrdreg $0xFFFFFFFF;
	(pc) =	sbr.abs _section_cstart, $3  }
0xc1: {  	[dreg:$0x1] =	wrdreg $0xFFFFFFFF  }
0xc2: {  	_ =	task.clear_ibuf [dreg:s8], $0x2FFFF;
	_ =	strace $0x9FFFFFFF  }
0xc3: {  	(tm) =	ssettm $0x7FFFFFFF  }
tec
execute0_lowered:
.L_overlay_start_1:
0x0: {  	(tag) =	ssettag $0x1  }
0x1: {  	s0 =	srdreg.scid;
	s2 =	stileid.u32  }
0x2: {  	s6 =	sand.u32 $0x1, s0;
	s10 =	sshll.u32 s2, $0x1  }
0x3: {  	s1 =	rddreg [dreg:$0x0];
	s2 =	simm.s32 $0x0;
	s5 =	sor.u32 s6, s10  }
0x4: {  	[smem:$0x7FF] =	sst s2;
	s4 =	sshll.u32 s5, $0x11  }
0x5: {  	s3 =	rddreg [dreg:$0x1];
	_ =	strace $0x80000047;
	s11 =	sadd.s32 s1, s4  }
0x6: {  	s7 =	sor.u32 $0x1000, s4;
	s13 =	sadd.s32 s3, s4;
	[dreg:$0x3] =	wrdreg s11  }
0x7: {  	s8 =	sor.u32 $0x2000, s4;
	s12 =	sadd.s32 s1, s7;
	[dreg:$0x5] =	wrdreg s13  }
0x8: {  	s14 =	sadd.s32 s1, s8;
	[dreg:$0x4] =	wrdreg s12  }
0x9: {  	s16 =	sor.u32 $0x3000, s4;
	s15 =	sadd.s32 s3, s7;
	[dreg:$0x6] =	wrdreg s14  }
0xa: {  	s17 =	sadd.s32 s1, s16;
	[dreg:$0x7] =	wrdreg s15  }
0xb: {  	s19 =	sor.u32 $0x4000, s4;
	s18 =	sadd.s32 s3, s8;
	[dreg:$0x8] =	wrdreg s17  }
0xc: {  	s20 =	sadd.s32 s1, s19;
	[dreg:$0x9] =	wrdreg s18  }
0xd: {  	s22 =	sor.u32 $0x5000, s4;
	s21 =	sadd.s32 s3, s16;
	[dreg:$0xa] =	wrdreg s20  }
0xe: {  	s23 =	sadd.s32 s1, s22;
	[dreg:$0xb] =	wrdreg s21  }
0xf: {  	s25 =	sor.u32 $0x6000, s4;
	s24 =	sadd.s32 s3, s19;
	[dreg:$0xc] =	wrdreg s23  }
0x10: {  	s26 =	sadd.s32 s1, s25;
	[dreg:$0xd] =	wrdreg s24  }
0x11: {  	s10 =	sor.u32 $0x7000, s4;
	s9 =	sadd.s32 s3, s22;
	[dreg:$0xe] =	wrdreg s26  }
0x12: {  	s11 =	sadd.s32 s1, s10;
	[dreg:$0xf] =	wrdreg s9  }
0x13: {  	[dreg:$0x10] =	wrdreg s11  }
0x14: {  	s13 =	sor.u32 $0x8000, s4;
	s12 =	sadd.s32 s3, s25;
	s0 =	rddreg [dreg:$0x3]  }
0x15: {  	s14 =	sadd.s32 s1, s13;
	[dreg:$0x11] =	wrdreg s12  }
0x16: {  	s16 =	sor.u32 $0x9000, s4;
	s15 =	sadd.s32 s3, s10;
	[dreg:$0x12] =	wrdreg s14  }
0x17: {  	s17 =	sadd.s32 s1, s16;
	[dreg:$0x13] =	wrdreg s15  }
0x18: {  	s19 =	sor.u32 $0xA000, s4;
	s18 =	sadd.s32 s3, s13;
	[dreg:$0x14] =	wrdreg s17  }
0x19: {  	s20 =	sadd.s32 s1, s19;
	[dreg:$0x15] =	wrdreg s18  }
0x1a: {  	s22 =	sor.u32 $0xB000, s4;
	s21 =	sadd.s32 s3, s16;
	[dreg:$0x16] =	wrdreg s20  }
0x1b: {  	s23 =	sadd.s32 s1, s22;
	[dreg:$0x17] =	wrdreg s21  }
0x1c: {  	p1 =	por $0x0, $0x0;
	s24 =	sadd.s32 s3, s19;
	[dreg:$0x18] =	wrdreg s23  }
0x1d: {  	s25 =	sor.u32 $0xC000, s4;
	s9 =	sadd.s32 s3, s22;
	[dreg:$0x19] =	wrdreg s24  }
0x1e: {  	s10 =	sor.u32 $0xD000, s4;
	s26 =	sadd.s32 s1, s25;
	[dreg:$0x1b] =	wrdreg s9  }
0x1f: {  	s6 =	ssub.s32 $0x2, s6;
	s11 =	sadd.s32 s1, s10;
	[dreg:$0x1a] =	wrdreg s26  }
0x20: {  	s13 =	sor.u32 $0xE000, s4;
	s12 =	sadd.s32 s3, s25;
	[dreg:$0x1c] =	wrdreg s11  }
0x21: {  	p0 =	sne.s32 s5, $0x0;
	s14 =	sadd.s32 s1, s13;
	[dreg:$0x1d] =	wrdreg s12  }
0x22: {  	s16 =	sor.u32 $0xF000, s4;
	s15 =	sadd.s32 s3, s10;
	[dreg:$0x1e] =	wrdreg s14  }
0x23: {  	s5 =	simm.s32 $0x8000;
	s17 =	sadd.s32 s1, s16;
	[dreg:$0x1f] =	wrdreg s15  }
0x24: {  	s19 =	sor.u32 $0x10000, s4;
	s18 =	sadd.s32 s3, s13;
	[smem:$0x7EF] =	sst s17  }
0x25: {  	s22 =	sor.u32 $0x11000, s4;
	s20 =	sadd.s32 s1, s19;
	[smem:$0x7F0] =	sst s18  }
0x26: {  	s21 =	sadd.s32 s3, s16;
	s23 =	sadd.s32 s1, s22;
	[smem:$0x7F1] =	sst s20  }
0x27: {  	s24 =	sadd.s32 s3, s19;
	s25 =	sor.u32 $0x12000, s4;
	[smem:$0x7F2] =	sst s21  }
0x28: {  	s7 =	sadd.s32 s3, s22;
	s9 =	sor.u32 $0x13000, s4;
	[smem:$0x7F3] =	sst s23  }
0x29: {  	s22 =	sor.u32 $0x19000, s4;
	[smem:$0x7F4] =	sst s24;
	s26 =	sadd.s32 s1, s25  }
0x2a: {  	s10 =	sadd.s32 s1, s9;
	s11 =	sadd.s32 s3, s25;
	s12 =	sor.u32 $0x14000, s4  }
0x2b: {  	s14 =	sadd.s32 s3, s9;
	s15 =	sor.u32 $0x15000, s4;
	s18 =	sor.u32 $0x16000, s4  }
0x2c: {  	s9 =	sshrl.u32 s6, $0x1;
	s20 =	sor.u32 $0x17000, s4;
	[smem:$0x7F5] =	sst s26  }
0x2d: {  	s21 =	sor.u32 $0x18000, s4;
	s25 =	sadd.s32 s1, s22;
	[smem:$0x7F7] =	sst s10  }
0x2e: {  	[smem:$0x7F8] =	sst s11;
	s13 =	sadd.s32 s1, s12;
	s16 =	sadd.s32 s1, s15  }
0x2f: {  	s17 =	sadd.s32 s3, s12;
	s19 =	sadd.s32 s1, s18;
	s6 =	ssub.s32 s6, s9  }
0x30: {  	s31 =	sadd.s32 s3, s15;
	s30 =	sadd.s32 s1, s20;
	s29 =	sadd.s32 s3, s18  }
0x31: {  	s28 =	sadd.s32 s1, s21;
	s26 =	sadd.s32 s3, s20;
	s9 =	sor.u32 $0x1A000, s4  }
0x32: {  	s24 =	sadd.s32 s3, s21;
	s10 =	sor.u32 $0x1B000, s4;
	[smem:$0x7F9] =	sst s13  }
0x33: {  	s11 =	sor.u32 $0x1C000, s4;
	s12 =	sor.u32 $0x1D000, s4;
	[smem:$0x7FB] =	sst s16  }
0x34: {  	[smem:$0x7FC] =	sst s17;
	s23 =	sadd.s32 s1, s9;
	s21 =	sadd.s32 s1, s10  }
0x35: {  	s18 =	sadd.s32 s1, s11;
	s16 =	sadd.s32 s3, s10;
	s15 =	sadd.s32 s1, s12  }
0x36: {  	s17 =	sor.u32 $0x1E000, s4;
	s10 =	sor.u32 $0x1F000, s4;
	s20 =	smax.u32 s6, $0x1  }
0x37: {  	s13 =	sadd.s32 s1, s17;
	s8 =	sadd.s32 s1, s10;
	s1 =	sadd.s32 $0xFFFFFFFF, s20  }
0x38: {  	[smem:$0x7F6] =	sst s7;
	s22 =	sadd.s32 s3, s22;
	p2 =	sne.s32 s1, $0x0  }
.Ltmp0:
0x39: {  	s7 =	simm.s32 $0x4;
	[smem:$0x7FA] =	sst s14;
	(pc) =	sbr.rel @!p2 .LBB2_3-.Ltmp0, $4  }
0x3a: {  	[smem:$0x7FD] =	sst s19;
	s19 =	sadd.s32 s3, s9;
	s14 =	sadd.s32 s3, s11  }
0x3b: {  	s9 =	sadd.s32 s3, s12;
	s11 =	simm.s32 $0x2;
	s6 =	simm.s32 $0x5  }
0x3c: {  	s12 =	simm.s32 $0x6;
	s4 =	sadd.s32 s3, s17;
	s3 =	sadd.s32 s3, s10  }
0x3d: {  	s10 =	simm.s32 $0x1;
	s17 =	simm.s32 $0x10000;
	s20 =	simm.s32 $0x3  }
0x3e: {  	[smem:$0x7EE] =	sst s1  }
0x3f: {  	[tilespmem:s2], [sflag:$0x1] =	stream.linear.gather [hbm4b:s0+s2], $0x8000, $0x38;
	[tilespmem:$0x18000] =	vst v63  }
0x40: {  	s1 =	rddreg [dreg:$0x4]  }
0x41: {  	[tilespmem:s5], [sflag:$0x2] =	stream.linear.gather [hbm4b:s1+s2], $0x8000, $0x38;
	[tilespmem:$0x18000] =	vst v63  }
0x42: {  	_ =	swait.ge [sflag:s10], $0x8000  }
0x43: {  	[sflag:s10] =	ssyncset.done $0x0  }
0x44: {  	[sflag:s10] =	ssyncadd.s32 $0xFFFF8000  }
0x45: {  	v0 =	vld @!p0 [tilespmem:$0x0];
	_ =	sdelay $0x2  }
0x46: {  	v1 =	vlaneseq.u32 @!p0  }
0x47: {  	vm0 =	veq.s32 @!p0 v1, $0x0  }
0x48: {  	v0 =	vsel @!p0 vm0, $0x0, v0  }
0x49: {  	s0 =	rddreg [dreg:$0x5];
	[tilespmem:$0x0] =	vst @!p0 v0  }
0x4a: {  	[hbm4b:s0+s2] =	stream.linear.scatter [tilespmem:s2], [sflag:$0x4], $0x8000, $0x38;
	[tilespmem:$0x18000] =	vst v63  }
0x4b: {  	s1 =	rddreg [dreg:$0x6]  }
0x4c: {  	[tilespmem:s17], [sflag:$0x3] =	stream.linear.gather [hbm4b:s1+s2], $0x8000, $0x38;
	[tilespmem:$0x18000] =	vst v63  }
0x4d: {  	_ =	swait.ge [sflag:s11], $0x8000  }
0x4e: {  	[sflag:s11] =	ssyncset.done $0x0  }
0x4f: {  	s1 =	rddreg [dreg:$0x7];
	[sflag:s11] =	ssyncadd.s32 $0xFFFF8000  }
0x50: {  	[hbm4b:s1+s2] =	stream.linear.scatter [tilespmem:s5], [sflag:$0x5], $0x8000, $0x38;
	[tilespmem:$0x18000] =	vst v63  }
0x51: {  	_ =	swait.ge [sflag:s7], $0x8000  }
0x52: {  	[sflag:s7] =	ssyncset.done $0x0  }
0x53: {  	s1 =	rddreg [dreg:$0x8];
	[sflag:s7] =	ssyncadd.s32 $0xFFFF8000  }
0x54: {  	[tilespmem:s2], [sflag:$0x1] =	stream.linear.gather [hbm4b:s1+s2], $0x8000, $0x38;
	[tilespmem:$0x18000] =	vst v63  }
0x55: {  	_ =	swait.ge [sflag:s20], $0x8000  }
0x56: {  	[sflag:s20] =	ssyncset.done $0x0  }
0x57: {  	s1 =	rddreg [dreg:$0x9];
	[sflag:s20] =	ssyncadd.s32 $0xFFFF8000  }
0x58: {  	[hbm4b:s1+s2] =	stream.linear.scatter [tilespmem:s17], [sflag:$0x6], $0x8000, $0x38;
	[tilespmem:$0x18000] =	vst v63  }
0x59: {  	_ =	swait.ge [sflag:s6], $0x8000  }
0x5a: {  	[sflag:s6] =	ssyncset.done $0x0  }
0x5b: {  	s1 =	rddreg [dreg:$0xa];
	[sflag:s6] =	ssyncadd.s32 $0xFFFF8000  }
0x5c: {  	[tilespmem:s5], [sflag:$0x2] =	stream.linear.gather [hbm4b:s1+s2], $0x8000, $0x38;
	[tilespmem:$0x18000] =	vst v63  }
0x5d: {  	_ =	swait.ge [sflag:s10], $0x8000  }
0x5e: {  	[sflag:s10] =	ssyncset.done $0x0  }
0x5f: {  	s1 =	rddreg [dreg:$0xb];
	[sflag:s10] =	ssyncadd.s32 $0xFFFF8000  }
0x60: {  	[hbm4b:s1+s2] =	stream.linear.scatter [tilespmem:s2], [sflag:$0x4], $0x8000, $0x38;
	[tilespmem:$0x18000] =	vst v63  }
0x61: {  	_ =	swait.ge [sflag:s12], $0x8000  }
0x62: {  	[sflag:s12] =	ssyncset.done $0x0  }
0x63: {  	s1 =	rddreg [dreg:$0xc];
	[sflag:s12] =	ssyncadd.s32 $0xFFFF8000  }
0x64: {  	[tilespmem:s17], [sflag:$0x3] =	stream.linear.gather [hbm4b:s1+s2], $0x8000, $0x38;
	[tilespmem:$0x18000] =	vst v63  }
0x65: {  	_ =	swait.ge [sflag:s11], $0x8000  }
0x66: {  	[sflag:s11] =	ssyncset.done $0x0  }
0x67: {  	s1 =	rddreg [dreg:$0xd];
	[sflag:s11] =	ssyncadd.s32 $0xFFFF8000  }
0x68: {  	[hbm4b:s1+s2] =	stream.linear.scatter [tilespmem:s5], [sflag:$0x5], $0x8000, $0x38;
	[tilespmem:$0x18000] =	vst v63  }
0x69: {  	_ =	swait.ge [sflag:s7], $0x8000  }
0x6a: {  	[sflag:s7] =	ssyncset.done $0x0  }
0x6b: {  	s1 =	rddreg [dreg:$0xe];
	[sflag:s7] =	ssyncadd.s32 $0xFFFF8000  }
0x6c: {  	[tilespmem:s2], [sflag:$0x1] =	stream.linear.gather [hbm4b:s1+s2], $0x8000, $0x38;
	[tilespmem:$0x18000] =	vst v63  }
0x6d: {  	_ =	swait.ge [sflag:s20], $0x8000  }
0x6e: {  	[sflag:s20] =	ssyncset.done $0x0  }
0x6f: {  	s1 =	rddreg [dreg:$0xf];
	[sflag:s20] =	ssyncadd.s32 $0xFFFF8000  }
0x70: {  	[hbm4b:s1+s2] =	stream.linear.scatter [tilespmem:s17], [sflag:$0x6], $0x8000, $0x38;
	[tilespmem:$0x18000] =	vst v63  }
0x71: {  	_ =	swait.ge [sflag:s6], $0x8000  }
0x72: {  	[sflag:s6] =	ssyncset.done $0x0  }
0x73: {  	s1 =	rddreg [dreg:$0x10];
	[sflag:s6] =	ssyncadd.s32 $0xFFFF8000  }
0x74: {  	[tilespmem:s5], [sflag:$0x2] =	stream.linear.gather [hbm4b:s1+s2], $0x8000, $0x38;
	[tilespmem:$0x18000] =	vst v63  }
0x75: {  	_ =	swait.ge [sflag:s10], $0x8000  }
0x76: {  	[sflag:s10] =	ssyncset.done $0x0  }
0x77: {  	s1 =	rddreg [dreg:$0x11];
	[sflag:s10] =	ssyncadd.s32 $0xFFFF8000  }
0x78: {  	[hbm4b:s1+s2] =	stream.linear.scatter [tilespmem:s2], [sflag:$0x4], $0x8000, $0x38;
	[tilespmem:$0x18000] =	vst v63  }
0x79: {  	_ =	swait.ge [sflag:s12], $0x8000  }
0x7a: {  	[sflag:s12] =	ssyncset.done $0x0  }
0x7b: {  	s1 =	rddreg [dreg:$0x12];
	[sflag:s12] =	ssyncadd.s32 $0xFFFF8000  }
0x7c: {  	[tilespmem:s17], [sflag:$0x3] =	stream.linear.gather [hbm4b:s1+s2], $0x8000, $0x38;
	[tilespmem:$0x18000] =	vst v63  }
0x7d: {  	_ =	swait.ge [sflag:s11], $0x8000  }
0x7e: {  	[sflag:s11] =	ssyncset.done $0x0  }
0x7f: {  	s1 =	rddreg [dreg:$0x13];
	[sflag:s11] =	ssyncadd.s32 $0xFFFF8000  }
0x80: {  	[hbm4b:s1+s2] =	stream.linear.scatter [tilespmem:s5], [sflag:$0x5], $0x8000, $0x38;
	[tilespmem:$0x18000] =	vst v63  }
0x81: {  	_ =	swait.ge [sflag:s7], $0x8000  }
0x82: {  	[sflag:s7] =	ssyncset.done $0x0  }
0x83: {  	s1 =	rddreg [dreg:$0x14];
	[sflag:s7] =	ssyncadd.s32 $0xFFFF8000  }
0x84: {  	[tilespmem:s2], [sflag:$0x1] =	stream.linear.gather [hbm4b:s1+s2], $0x8000, $0x38;
	[tilespmem:$0x18000] =	vst v63  }
0x85: {  	_ =	swait.ge [sflag:s20], $0x8000  }
0x86: {  	[sflag:s20] =	ssyncset.done $0x0  }
0x87: {  	s1 =	rddreg [dreg:$0x15];
	[sflag:s20] =	ssyncadd.s32 $0xFFFF8000  }
0x88: {  	[hbm4b:s1+s2] =	stream.linear.scatter [tilespmem:s17], [sflag:$0x6], $0x8000, $0x38;
	[tilespmem:$0x18000] =	vst v63  }
0x89: {  	_ =	swait.ge [sflag:s6], $0x8000  }
0x8a: {  	[sflag:s6] =	ssyncset.done $0x0  }
0x8b: {  	s1 =	rddreg [dreg:$0x16];
	[sflag:s6] =	ssyncadd.s32 $0xFFFF8000  }
0x8c: {  	[tilespmem:s5], [sflag:$0x2] =	stream.linear.gather [hbm4b:s1+s2], $0x8000, $0x38;
	[tilespmem:$0x18000] =	vst v63  }
0x8d: {  	_ =	swait.ge [sflag:s10], $0x8000  }
0x8e: {  	[sflag:s10] =	ssyncset.done $0x0  }
0x8f: {  	s1 =	rddreg [dreg:$0x17];
	[sflag:s10] =	ssyncadd.s32 $0xFFFF8000  }
0x90: {  	[hbm4b:s1+s2] =	stream.linear.scatter [tilespmem:s2], [sflag:$0x4], $0x8000, $0x38;
	[tilespmem:$0x18000] =	vst v63  }
0x91: {  	_ =	swait.ge [sflag:s12], $0x8000  }
0x92: {  	[sflag:s12] =	ssyncset.done $0x0  }
0x93: {  	s1 =	rddreg [dreg:$0x18];
	[sflag:s12] =	ssyncadd.s32 $0xFFFF8000  }
0x94: {  	[tilespmem:s17], [sflag:$0x3] =	stream.linear.gather [hbm4b:s1+s2], $0x8000, $0x38;
	[tilespmem:$0x18000] =	vst v63  }
0x95: {  	_ =	swait.ge [sflag:s11], $0x8000  }
0x96: {  	[sflag:s11] =	ssyncset.done $0x0  }
0x97: {  	s1 =	rddreg [dreg:$0x19];
	[sflag:s11] =	ssyncadd.s32 $0xFFFF8000  }
0x98: {  	[hbm4b:s1+s2] =	stream.linear.scatter [tilespmem:s5], [sflag:$0x5], $0x8000, $0x38;
	[tilespmem:$0x18000] =	vst v63  }
0x99: {  	_ =	swait.ge [sflag:s7], $0x8000  }
0x9a: {  	[sflag:s7] =	ssyncset.done $0x0  }
0x9b: {  	s1 =	rddreg [dreg:$0x1a];
	[sflag:s7] =	ssyncadd.s32 $0xFFFF8000  }
0x9c: {  	[tilespmem:s2], [sflag:$0x1] =	stream.linear.gather [hbm4b:s1+s2], $0x8000, $0x38;
	[tilespmem:$0x18000] =	vst v63  }
0x9d: {  	_ =	swait.ge [sflag:s20], $0x8000  }
0x9e: {  	[sflag:s20] =	ssyncset.done $0x0  }
0x9f: {  	s1 =	rddreg [dreg:$0x1b];
	[sflag:s20] =	ssyncadd.s32 $0xFFFF8000  }
0xa0: {  	[hbm4b:s1+s2] =	stream.linear.scatter [tilespmem:s17], [sflag:$0x6], $0x8000, $0x38;
	[tilespmem:$0x18000] =	vst v63  }
0xa1: {  	_ =	swait.ge [sflag:s6], $0x8000  }
0xa2: {  	[sflag:s6] =	ssyncset.done $0x0  }
0xa3: {  	s1 =	rddreg [dreg:$0x1c];
	[sflag:s6] =	ssyncadd.s32 $0xFFFF8000  }
0xa4: {  	[tilespmem:s5], [sflag:$0x2] =	stream.linear.gather [hbm4b:s1+s2], $0x8000, $0x38;
	[tilespmem:$0x18000] =	vst v63  }
0xa5: {  	_ =	swait.ge [sflag:s10], $0x8000  }
0xa6: {  	[sflag:s10] =	ssyncset.done $0x0  }
0xa7: {  	s1 =	rddreg [dreg:$0x1d];
	[sflag:s10] =	ssyncadd.s32 $0xFFFF8000  }
0xa8: {  	[hbm4b:s1+s2] =	stream.linear.scatter [tilespmem:s2], [sflag:$0x4], $0x8000, $0x38;
	[tilespmem:$0x18000] =	vst v63  }
0xa9: {  	_ =	swait.ge [sflag:s12], $0x8000  }
0xaa: {  	[sflag:s12] =	ssyncset.done $0x0  }
0xab: {  	s1 =	rddreg [dreg:$0x1e];
	[sflag:s12] =	ssyncadd.s32 $0xFFFF8000  }
0xac: {  	[tilespmem:s17], [sflag:$0x3] =	stream.linear.gather [hbm4b:s1+s2], $0x8000, $0x38;
	[tilespmem:$0x18000] =	vst v63  }
0xad: {  	_ =	swait.ge [sflag:s11], $0x8000  }
0xae: {  	[sflag:s11] =	ssyncset.done $0x0  }
0xaf: {  	s1 =	rddreg [dreg:$0x1f];
	[sflag:s11] =	ssyncadd.s32 $0xFFFF8000  }
0xb0: {  	[hbm4b:s1+s2] =	stream.linear.scatter [tilespmem:s5], [sflag:$0x5], $0x8000, $0x38;
	[tilespmem:$0x18000] =	vst v63  }
0xb1: {  	_ =	swait.ge [sflag:s7], $0x8000  }
0xb2: {  	s1 =	sld [smem:$0x7EF]  }
0xb3: {  	[sflag:s7] =	ssyncset.done $0x0  }
0xb4: {  	[sflag:s7] =	ssyncadd.s32 $0xFFFF8000  }
0xb5: {  	[tilespmem:s2], [sflag:$0x1] =	stream.linear.gather [hbm4b:s1+s2], $0x8000, $0x38;
	[tilespmem:$0x18000] =	vst v63  }
0xb6: {  	_ =	swait.ge [sflag:s20], $0x8000  }
0xb7: {  	s1 =	sld [smem:$0x7F0]  }
0xb8: {  	[sflag:s20] =	ssyncset.done $0x0  }
0xb9: {  	[sflag:s20] =	ssyncadd.s32 $0xFFFF8000  }
0xba: {  	[hbm4b:s1+s2] =	stream.linear.scatter [tilespmem:s17], [sflag:$0x6], $0x8000, $0x38;
	[tilespmem:$0x18000] =	vst v63  }
0xbb: {  	_ =	swait.ge [sflag:s6], $0x8000  }
0xbc: {  	s1 =	sld [smem:$0x7F1]  }
0xbd: {  	[sflag:s6] =	ssyncset.done $0x0  }
0xbe: {  	[sflag:s6] =	ssyncadd.s32 $0xFFFF8000  }
0xbf: {  	[tilespmem:s5], [sflag:$0x2] =	stream.linear.gather [hbm4b:s1+s2], $0x8000, $0x38;
	[tilespmem:$0x18000] =	vst v63  }
0xc0: {  	_ =	swait.ge [sflag:s10], $0x8000  }
0xc1: {  	s1 =	sld [smem:$0x7F2]  }
0xc2: {  	[sflag:s10] =	ssyncset.done $0x0  }
0xc3: {  	[sflag:s10] =	ssyncadd.s32 $0xFFFF8000  }
0xc4: {  	[hbm4b:s1+s2] =	stream.linear.scatter [tilespmem:s2], [sflag:$0x4], $0x8000, $0x38;
	[tilespmem:$0x18000] =	vst v63  }
0xc5: {  	_ =	swait.ge [sflag:s12], $0x8000  }
0xc6: {  	s1 =	sld [smem:$0x7F3]  }
0xc7: {  	[sflag:s12] =	ssyncset.done $0x0  }
0xc8: {  	[sflag:s12] =	ssyncadd.s32 $0xFFFF8000  }
0xc9: {  	[tilespmem:s17], [sflag:$0x3] =	stream.linear.gather [hbm4b:s1+s2], $0x8000, $0x38;
	[tilespmem:$0x18000] =	vst v63  }
0xca: {  	_ =	swait.ge [sflag:s11], $0x8000  }
0xcb: {  	s1 =	sld [smem:$0x7F4]  }
0xcc: {  	[sflag:s11] =	ssyncset.done $0x0  }
0xcd: {  	[sflag:s11] =	ssyncadd.s32 $0xFFFF8000  }
0xce: {  	[hbm4b:s1+s2] =	stream.linear.scatter [tilespmem:s5], [sflag:$0x5], $0x8000, $0x38;
	[tilespmem:$0x18000] =	vst v63  }
0xcf: {  	_ =	swait.ge [sflag:s7], $0x8000  }
0xd0: {  	s1 =	sld [smem:$0x7F5]  }
0xd1: {  	[sflag:s7] =	ssyncset.done $0x0  }
0xd2: {  	[sflag:s7] =	ssyncadd.s32 $0xFFFF8000  }
0xd3: {  	[tilespmem:s2], [sflag:$0x1] =	stream.linear.gather [hbm4b:s1+s2], $0x8000, $0x38;
	[tilespmem:$0x18000] =	vst v63  }
0xd4: {  	_ =	swait.ge [sflag:s20], $0x8000  }
0xd5: {  	s1 =	sld [smem:$0x7F6]  }
0xd6: {  	[sflag:s20] =	ssyncset.done $0x0  }
0xd7: {  	[sflag:s20] =	ssyncadd.s32 $0xFFFF8000  }
0xd8: {  	[hbm4b:s1+s2] =	stream.linear.scatter [tilespmem:s17], [sflag:$0x6], $0x8000, $0x38;
	[tilespmem:$0x18000] =	vst v63  }
0xd9: {  	_ =	swait.ge [sflag:s6], $0x8000  }
0xda: {  	s1 =	sld [smem:$0x7F7]  }
0xdb: {  	[sflag:s6] =	ssyncset.done $0x0  }
0xdc: {  	[sflag:s6] =	ssyncadd.s32 $0xFFFF8000  }
0xdd: {  	[tilespmem:s5], [sflag:$0x2] =	stream.linear.gather [hbm4b:s1+s2], $0x8000, $0x38;
	[tilespmem:$0x18000] =	vst v63  }
0xde: {  	_ =	swait.ge [sflag:s10], $0x8000  }
0xdf: {  	s1 =	sld [smem:$0x7F8]  }
0xe0: {  	[sflag:s10] =	ssyncset.done $0x0  }
0xe1: {  	[sflag:s10] =	ssyncadd.s32 $0xFFFF8000  }
0xe2: {  	[hbm4b:s1+s2] =	stream.linear.scatter [tilespmem:s2], [sflag:$0x4], $0x8000, $0x38;
	[tilespmem:$0x18000] =	vst v63  }
0xe3: {  	_ =	swait.ge [sflag:s12], $0x8000  }
0xe4: {  	s1 =	sld [smem:$0x7F9]  }
0xe5: {  	[sflag:s12] =	ssyncset.done $0x0  }
0xe6: {  	[sflag:s12] =	ssyncadd.s32 $0xFFFF8000  }
0xe7: {  	[tilespmem:s17], [sflag:$0x3] =	stream.linear.gather [hbm4b:s1+s2], $0x8000, $0x38;
	[tilespmem:$0x18000] =	vst v63  }
0xe8: {  	_ =	swait.ge [sflag:s11], $0x8000  }
0xe9: {  	s1 =	sld [smem:$0x7FA]  }
0xea: {  	[sflag:s11] =	ssyncset.done $0x0  }
0xeb: {  	[sflag:s11] =	ssyncadd.s32 $0xFFFF8000  }
0xec: {  	[hbm4b:s1+s2] =	stream.linear.scatter [tilespmem:s5], [sflag:$0x5], $0x8000, $0x38;
	[tilespmem:$0x18000] =	vst v63  }
0xed: {  	_ =	swait.ge [sflag:s7], $0x8000  }
0xee: {  	s1 =	sld [smem:$0x7FB]  }
0xef: {  	[sflag:s7] =	ssyncset.done $0x0  }
0xf0: {  	[sflag:s7] =	ssyncadd.s32 $0xFFFF8000  }
0xf1: {  	[tilespmem:s2], [sflag:$0x1] =	stream.linear.gather [hbm4b:s1+s2], $0x8000, $0x38;
	[tilespmem:$0x18000] =	vst v63  }
0xf2: {  	_ =	swait.ge [sflag:s20], $0x8000  }
0xf3: {  	s1 =	sld [smem:$0x7FC]  }
0xf4: {  	[sflag:s20] =	ssyncset.done $0x0  }
0xf5: {  	[sflag:s20] =	ssyncadd.s32 $0xFFFF8000  }
0xf6: {  	[hbm4b:s1+s2] =	stream.linear.scatter [tilespmem:s17], [sflag:$0x6], $0x8000, $0x38;
	[tilespmem:$0x18000] =	vst v63  }
0xf7: {  	_ =	swait.ge [sflag:s6], $0x8000  }
0xf8: {  	s1 =	sld [smem:$0x7FD]  }
0xf9: {  	[sflag:s6] =	ssyncset.done $0x0  }
0xfa: {  	[sflag:s6] =	ssyncadd.s32 $0xFFFF8000  }
0xfb: {  	[tilespmem:s5], [sflag:$0x2] =	stream.linear.gather [hbm4b:s1+s2], $0x8000, $0x38;
	[tilespmem:$0x18000] =	vst v63  }
0xfc: {  	_ =	swait.ge [sflag:s10], $0x8000  }
0xfd: {  	[sflag:s10] =	ssyncset.done $0x0  }
0xfe: {  	[sflag:s10] =	ssyncadd.s32 $0xFFFF8000  }
0xff: {  	[hbm4b:s31+s2] =	stream.linear.scatter [tilespmem:s2], [sflag:$0x4], $0x8000, $0x38;
	[tilespmem:$0x18000] =	vst v63  }
0x100: {  	_ =	swait.ge [sflag:s12], $0x8000  }
0x101: {  	[sflag:s12] =	ssyncset.done $0x0  }
0x102: {  	[sflag:s12] =	ssyncadd.s32 $0xFFFF8000  }
0x103: {  	[tilespmem:s17], [sflag:$0x3] =	stream.linear.gather [hbm4b:s30+s2], $0x8000, $0x38;
	[tilespmem:$0x18000] =	vst v63  }
0x104: {  	_ =	swait.ge [sflag:s11], $0x8000  }
0x105: {  	[sflag:s11] =	ssyncset.done $0x0  }
0x106: {  	[sflag:s11] =	ssyncadd.s32 $0xFFFF8000  }
0x107: {  	[hbm4b:s29+s2] =	stream.linear.scatter [tilespmem:s5], [sflag:$0x5], $0x8000, $0x38;
	[tilespmem:$0x18000] =	vst v63  }
0x108: {  	_ =	swait.ge [sflag:s7], $0x8000  }
0x109: {  	[sflag:s7] =	ssyncset.done $0x0  }
0x10a: {  	[sflag:s7] =	ssyncadd.s32 $0xFFFF8000  }
0x10b: {  	[tilespmem:s2], [sflag:$0x1] =	stream.linear.gather [hbm4b:s28+s2], $0x8000, $0x38;
	[tilespmem:$0x18000] =	vst v63  }
0x10c: {  	_ =	swait.ge [sflag:s20], $0x8000  }
0x10d: {  	[sflag:s20] =	ssyncset.done $0x0  }
0x10e: {  	[sflag:s20] =	ssyncadd.s32 $0xFFFF8000  }
0x10f: {  	[hbm4b:s26+s2] =	stream.linear.scatter [tilespmem:s17], [sflag:$0x6], $0x8000, $0x38;
	[tilespmem:$0x18000] =	vst v63  }
0x110: {  	_ =	swait.ge [sflag:s6], $0x8000  }
0x111: {  	[sflag:s6] =	ssyncset.done $0x0  }
0x112: {  	[sflag:s6] =	ssyncadd.s32 $0xFFFF8000  }
0x113: {  	[tilespmem:s5], [sflag:$0x2] =	stream.linear.gather [hbm4b:s25+s2], $0x8000, $0x38;
	[tilespmem:$0x18000] =	vst v63  }
0x114: {  	_ =	swait.ge [sflag:s10], $0x8000  }
0x115: {  	[sflag:s10] =	ssyncset.done $0x0  }
0x116: {  	[sflag:s10] =	ssyncadd.s32 $0xFFFF8000  }
0x117: {  	[hbm4b:s24+s2] =	stream.linear.scatter [tilespmem:s2], [sflag:$0x4], $0x8000, $0x38;
	[tilespmem:$0x18000] =	vst v63  }
0x118: {  	_ =	swait.ge [sflag:s12], $0x8000  }
0x119: {  	[sflag:s12] =	ssyncset.done $0x0  }
0x11a: {  	[sflag:s12] =	ssyncadd.s32 $0xFFFF8000  }
0x11b: {  	[tilespmem:s17], [sflag:$0x3] =	stream.linear.gather [hbm4b:s23+s2], $0x8000, $0x38;
	[tilespmem:$0x18000] =	vst v63  }
0x11c: {  	_ =	swait.ge [sflag:s11], $0x8000  }
0x11d: {  	[sflag:s11] =	ssyncset.done $0x0  }
0x11e: {  	[sflag:s11] =	ssyncadd.s32 $0xFFFF8000  }
0x11f: {  	[hbm4b:s22+s2] =	stream.linear.scatter [tilespmem:s5], [sflag:$0x5], $0x8000, $0x38;
	[tilespmem:$0x18000] =	vst v63  }
0x120: {  	_ =	swait.ge [sflag:s7], $0x8000  }
0x121: {  	[sflag:s7] =	ssyncset.done $0x0  }
0x122: {  	[sflag:s7] =	ssyncadd.s32 $0xFFFF8000  }
0x123: {  	[tilespmem:s2], [sflag:$0x1] =	stream.linear.gather [hbm4b:s21+s2], $0x8000, $0x38;
	[tilespmem:$0x18000] =	vst v63  }
0x124: {  	_ =	swait.ge [sflag:s20], $0x8000  }
0x125: {  	[sflag:s20] =	ssyncset.done $0x0  }
0x126: {  	[sflag:s20] =	ssyncadd.s32 $0xFFFF8000  }
0x127: {  	[hbm4b:s19+s2] =	stream.linear.scatter [tilespmem:s17], [sflag:$0x6], $0x8000, $0x38;
	[tilespmem:$0x18000] =	vst v63  }
0x128: {  	_ =	swait.ge [sflag:s6], $0x8000  }
0x129: {  	[sflag:s6] =	ssyncset.done $0x0  }
0x12a: {  	[sflag:s6] =	ssyncadd.s32 $0xFFFF8000  }
0x12b: {  	[tilespmem:s5], [sflag:$0x2] =	stream.linear.gather [hbm4b:s18+s2], $0x8000, $0x38;
	[tilespmem:$0x18000] =	vst v63  }
0x12c: {  	_ =	swait.ge [sflag:s10], $0x8000  }
0x12d: {  	[sflag:s10] =	ssyncset.done $0x0  }
0x12e: {  	[sflag:s10] =	ssyncadd.s32 $0xFFFF8000  }
0x12f: {  	[hbm4b:s16+s2] =	stream.linear.scatter [tilespmem:s2], [sflag:$0x4], $0x8000, $0x38;
	[tilespmem:$0x18000] =	vst v63  }
0x130: {  	_ =	swait.ge [sflag:s12], $0x8000  }
0x131: {  	[sflag:s12] =	ssyncset.done $0x0  }
0x132: {  	[sflag:s12] =	ssyncadd.s32 $0xFFFF8000  }
0x133: {  	[tilespmem:s17], [sflag:$0x3] =	stream.linear.gather [hbm4b:s15+s2], $0x8000, $0x38;
	[tilespmem:$0x18000] =	vst v63  }
0x134: {  	_ =	swait.ge [sflag:s11], $0x8000  }
0x135: {  	[sflag:s11] =	ssyncset.done $0x0  }
0x136: {  	[sflag:s11] =	ssyncadd.s32 $0xFFFF8000  }
0x137: {  	[hbm4b:s14+s2] =	stream.linear.scatter [tilespmem:s5], [sflag:$0x5], $0x8000, $0x38;
	[tilespmem:$0x18000] =	vst v63  }
0x138: {  	_ =	swait.ge [sflag:s7], $0x8000  }
0x139: {  	[sflag:s7] =	ssyncset.done $0x0  }
0x13a: {  	[sflag:s7] =	ssyncadd.s32 $0xFFFF8000  }
0x13b: {  	[tilespmem:s2], [sflag:$0x1] =	stream.linear.gather [hbm4b:s13+s2], $0x8000, $0x38;
	[tilespmem:$0x18000] =	vst v63  }
0x13c: {  	_ =	swait.ge [sflag:s20], $0x8000  }
0x13d: {  	[sflag:s20] =	ssyncset.done $0x0  }
0x13e: {  	[sflag:s20] =	ssyncadd.s32 $0xFFFF8000  }
0x13f: {  	[hbm4b:s9+s2] =	stream.linear.scatter [tilespmem:s17], [sflag:$0x6], $0x8000, $0x38;
	[tilespmem:$0x18000] =	vst v63  }
0x140: {  	_ =	swait.ge [sflag:s6], $0x8000  }
0x141: {  	[sflag:s6] =	ssyncset.done $0x0  }
0x142: {  	[sflag:s6] =	ssyncadd.s32 $0xFFFF8000  }
0x143: {  	[tilespmem:s5], [sflag:$0x2] =	stream.linear.gather [hbm4b:s8+s2], $0x8000, $0x38;
	[tilespmem:$0x18000] =	vst v63  }
0x144: {  	_ =	swait.ge [sflag:s10], $0x8000  }
0x145: {  	[sflag:s10] =	ssyncset.done $0x0  }
0x146: {  	[sflag:s10] =	ssyncadd.s32 $0xFFFF8000  }
0x147: {  	[hbm4b:s4+s2] =	stream.linear.scatter [tilespmem:s2], [sflag:$0x4], $0x8000, $0x38;
	[tilespmem:$0x18000] =	vst v63  }
0x148: {  	_ =	swait.ge [sflag:s11], $0x8000  }
0x149: {  	[sflag:s11] =	ssyncset.done $0x0  }
0x14a: {  	[sflag:s11] =	ssyncadd.s32 $0xFFFF8000  }
0x14b: {  	[hbm4b:s3+s2] =	stream.linear.scatter [tilespmem:s5], [sflag:$0x5], $0x8000, $0x38;
	[tilespmem:$0x18000] =	vst v63  }
0x14c: {  	_ =	swait.ge [sflag:s12], $0x8000  }
0x14d: {  	[sflag:s12] =	ssyncset.done $0x0  }
0x14e: {  	[sflag:s12] =	ssyncadd.s32 $0xFFFF8000  }
0x14f: {  	_ =	swait.ge [sflag:s7], $0x8000  }
0x150: {  	s1 =	sld [smem:$0x7EE];
	_ =	sdelay $0x2  }
0x151: {  	s1 =	sadd.s32 $0xFFFFFFFF, s1  }
0x152: {  	p2 =	sne.s32 s1, $0x0  }
.Ltmp1:
0x153: {  	_ = 	snop;
	(pc) =	sbr.rel @!p2 .LBB2_3-.Ltmp1, $4  }
0x154: {  	[sflag:s7] =	ssyncset.done $0x0  }
0x155: {  	[sflag:s7] =	ssyncadd.s32 $0xFFFF8000  }
0x156: {  	_ =	swait.ge [sflag:s6], $0x8000  }
0x157: {  	p1 =	por $0x1, $0x1;
	s0 =	rddreg [dreg:$0x3];
	[sflag:s6] =	ssyncset.done $0x0  }
.LBB2_2:
0x158: {  	[sflag:s6] =	ssyncadd.s32 $0xFFFF8000;
	s12 =	simm.s32 $0x8000  }
0x159: {  	s17 =	smov.u32 s31;
	s31 =	smov.u32 s30;
	s30 =	smov.u32 s29  }
0x15a: {  	s29 =	smov.u32 s28;
	s28 =	smov.u32 s26;
	s26 =	smov.u32 s25  }
0x15b: {  	s25 =	smov.u32 s24;
	s24 =	smov.u32 s23;
	s23 =	smov.u32 s22  }
0x15c: {  	s22 =	smov.u32 s21;
	s21 =	smov.u32 s19;
	s19 =	smov.u32 s18  }
0x15d: {  	s18 =	smov.u32 s16;
	s16 =	smov.u32 s15;
	s15 =	smov.u32 s14  }
0x15e: {  	s14 =	smov.u32 s13;
	s13 =	smov.u32 s9;
	s9 =	smov.u32 s8  }
0x15f: {  	[tilespmem:s2], [sflag:$0x1] =	stream.linear.gather [hbm4b:s0+s2], $0x8000, $0x38;
	[tilespmem:$0x18000] =	vst v63  }
0x160: {  	s8 =	smov.u32 s4;
	s4 =	smov.u32 s3;
	s3 =	rddreg [dreg:$0x4]  }
0x161: {  	[tilespmem:s12], [sflag:$0x2] =	stream.linear.gather [hbm4b:s3+s2], $0x8000, $0x38;
	[tilespmem:$0x18000] =	vst v63  }
0x162: {  	_ =	swait.ge [sflag:s10], $0x8000  }
0x163: {  	[sflag:s10] =	ssyncset.done $0x0  }
0x164: {  	[sflag:s10] =	ssyncadd.s32 $0xFFFF8000  }
0x165: {  	v0 =	vld @!p0 [tilespmem:$0x0];
	_ =	sdelay $0x4  }
0x166: {  	v0 =	vsel @!p0 vm0, $0x0, v0  }
0x167: {  	s0 =	rddreg [dreg:$0x5];
	[tilespmem:$0x0] =	vst @!p0 v0  }
0x168: {  	[hbm4b:s0+s2] =	stream.linear.scatter [tilespmem:s2], [sflag:$0x4], $0x8000, $0x38;
	[tilespmem:$0x18000] =	vst v63  }
0x169: {  	s5 =	simm.s32 $0x10000;
	s3 =	rddreg [dreg:$0x6]  }
0x16a: {  	[tilespmem:s5], [sflag:$0x3] =	stream.linear.gather [hbm4b:s3+s2], $0x8000, $0x38;
	[tilespmem:$0x18000] =	vst v63  }
0x16b: {  	s5 =	simm.s32 $0x8000  }
0x16c: {  	s3 =	smov.u32 s4;
	s4 =	smov.u32 s8;
	s8 =	smov.u32 s9  }
0x16d: {  	s9 =	smov.u32 s13;
	s13 =	smov.u32 s14;
	s14 =	smov.u32 s15  }
0x16e: {  	s15 =	smov.u32 s16;
	s16 =	smov.u32 s18;
	_ =	swait.ge [sflag:s11], $0x8000  }
0x16f: {  	s18 =	smov.u32 s19;
	s19 =	smov.u32 s21;
	[sflag:s11] =	ssyncset.done $0x0  }
0x170: {  	s21 =	smov.u32 s22;
	s0 =	rddreg [dreg:$0x7];
	[sflag:s11] =	ssyncadd.s32 $0xFFFF8000  }
0x171: {  	[hbm4b:s0+s2] =	stream.linear.scatter [tilespmem:s5], [sflag:$0x5], $0x8000, $0x38;
	[tilespmem:$0x18000] =	vst v63  }
0x172: {  	s22 =	smov.u32 s23;
	s23 =	smov.u32 s24;
	_ =	swait.ge [sflag:s7], $0x8000  }
0x173: {  	s24 =	smov.u32 s25;
	s25 =	smov.u32 s26;
	[sflag:s7] =	ssyncset.done $0x0  }
0x174: {  	s26 =	smov.u32 s28;
	s0 =	rddreg [dreg:$0x8];
	[sflag:s7] =	ssyncadd.s32 $0xFFFF8000  }
0x175: {  	[tilespmem:s2], [sflag:$0x1] =	stream.linear.gather [hbm4b:s0+s2], $0x8000, $0x38;
	[tilespmem:$0x18000] =	vst v63  }
0x176: {  	s28 =	smov.u32 s29;
	s29 =	smov.u32 s30;
	_ =	swait.ge [sflag:s20], $0x8000  }
0x177: {  	s30 =	smov.u32 s31;
	s31 =	smov.u32 s17;
	[sflag:s20] =	ssyncset.done $0x0  }
0x178: {  	s17 =	simm.s32 $0x10000;
	s0 =	rddreg [dreg:$0x9];
	[sflag:s20] =	ssyncadd.s32 $0xFFFF8000  }
0x179: {  	[hbm4b:s0+s2] =	stream.linear.scatter [tilespmem:s17], [sflag:$0x6], $0x8000, $0x38;
	[tilespmem:$0x18000] =	vst v63  }
0x17a: {  	_ =	swait.ge [sflag:s6], $0x8000  }
0x17b: {  	[sflag:s6] =	ssyncset.done $0x0  }
0x17c: {  	s0 =	rddreg [dreg:$0xa];
	[sflag:s6] =	ssyncadd.s32 $0xFFFF8000  }
0x17d: {  	[tilespmem:s5], [sflag:$0x2] =	stream.linear.gather [hbm4b:s0+s2], $0x8000, $0x38;
	[tilespmem:$0x18000] =	vst v63  }
0x17e: {  	_ =	swait.ge [sflag:s10], $0x8000  }
0x17f: {  	[sflag:s10] =	ssyncset.done $0x0  }
0x180: {  	s12 =	simm.s32 $0x6;
	s0 =	rddreg [dreg:$0xb];
	[sflag:s10] =	ssyncadd.s32 $0xFFFF8000  }
0x181: {  	[hbm4b:s0+s2] =	stream.linear.scatter [tilespmem:s2], [sflag:$0x4], $0x8000, $0x38;
	[tilespmem:$0x18000] =	vst v63  }
0x182: {  	_ =	swait.ge [sflag:s12], $0x8000  }
0x183: {  	[sflag:s12] =	ssyncset.done $0x0  }
0x184: {  	s0 =	rddreg [dreg:$0xc];
	[sflag:s12] =	ssyncadd.s32 $0xFFFF8000  }
0x185: {  	[tilespmem:s17], [sflag:$0x3] =	stream.linear.gather [hbm4b:s0+s2], $0x8000, $0x38;
	[tilespmem:$0x18000] =	vst v63  }
0x186: {  	_ =	swait.ge [sflag:s11], $0x8000  }
0x187: {  	[sflag:s11] =	ssyncset.done $0x0  }
0x188: {  	s0 =	rddreg [dreg:$0xd];
	[sflag:s11] =	ssyncadd.s32 $0xFFFF8000  }
0x189: {  	[hbm4b:s0+s2] =	stream.linear.scatter [tilespmem:s5], [sflag:$0x5], $0x8000, $0x38;
	[tilespmem:$0x18000] =	vst v63  }
0x18a: {  	_ =	swait.ge [sflag:s7], $0x8000  }
0x18b: {  	[sflag:s7] =	ssyncset.done $0x0  }
0x18c: {  	s0 =	rddreg [dreg:$0xe];
	[sflag:s7] =	ssyncadd.s32 $0xFFFF8000  }
0x18d: {  	[tilespmem:s2], [sflag:$0x1] =	stream.linear.gather [hbm4b:s0+s2], $0x8000, $0x38;
	[tilespmem:$0x18000] =	vst v63  }
0x18e: {  	_ =	swait.ge [sflag:s20], $0x8000  }
0x18f: {  	[sflag:s20] =	ssyncset.done $0x0  }
0x190: {  	s0 =	rddreg [dreg:$0xf];
	[sflag:s20] =	ssyncadd.s32 $0xFFFF8000  }
0x191: {  	[hbm4b:s0+s2] =	stream.linear.scatter [tilespmem:s17], [sflag:$0x6], $0x8000, $0x38;
	[tilespmem:$0x18000] =	vst v63  }
0x192: {  	_ =	swait.ge [sflag:s6], $0x8000  }
0x193: {  	[sflag:s6] =	ssyncset.done $0x0  }
0x194: {  	s0 =	rddreg [dreg:$0x10];
	[sflag:s6] =	ssyncadd.s32 $0xFFFF8000  }
0x195: {  	[tilespmem:s5], [sflag:$0x2] =	stream.linear.gather [hbm4b:s0+s2], $0x8000, $0x38;
	[tilespmem:$0x18000] =	vst v63  }
0x196: {  	_ =	swait.ge [sflag:s10], $0x8000  }
0x197: {  	[sflag:s10] =	ssyncset.done $0x0  }
0x198: {  	s0 =	rddreg [dreg:$0x11];
	[sflag:s10] =	ssyncadd.s32 $0xFFFF8000  }
0x199: {  	[hbm4b:s0+s2] =	stream.linear.scatter [tilespmem:s2], [sflag:$0x4], $0x8000, $0x38;
	[tilespmem:$0x18000] =	vst v63  }
0x19a: {  	_ =	swait.ge [sflag:s12], $0x8000  }
0x19b: {  	[sflag:s12] =	ssyncset.done $0x0  }
0x19c: {  	s0 =	rddreg [dreg:$0x12];
	[sflag:s12] =	ssyncadd.s32 $0xFFFF8000  }
0x19d: {  	[tilespmem:s17], [sflag:$0x3] =	stream.linear.gather [hbm4b:s0+s2], $0x8000, $0x38;
	[tilespmem:$0x18000] =	vst v63  }
0x19e: {  	_ =	swait.ge [sflag:s11], $0x8000  }
0x19f: {  	[sflag:s11] =	ssyncset.done $0x0  }
0x1a0: {  	s0 =	rddreg [dreg:$0x13];
	[sflag:s11] =	ssyncadd.s32 $0xFFFF8000  }
0x1a1: {  	[hbm4b:s0+s2] =	stream.linear.scatter [tilespmem:s5], [sflag:$0x5], $0x8000, $0x38;
	[tilespmem:$0x18000] =	vst v63  }
0x1a2: {  	_ =	swait.ge [sflag:s7], $0x8000  }
0x1a3: {  	[sflag:s7] =	ssyncset.done $0x0  }
0x1a4: {  	s0 =	rddreg [dreg:$0x14];
	[sflag:s7] =	ssyncadd.s32 $0xFFFF8000  }
0x1a5: {  	[tilespmem:s2], [sflag:$0x1] =	stream.linear.gather [hbm4b:s0+s2], $0x8000, $0x38;
	[tilespmem:$0x18000] =	vst v63  }
0x1a6: {  	_ =	swait.ge [sflag:s20], $0x8000  }
0x1a7: {  	[sflag:s20] =	ssyncset.done $0x0  }
0x1a8: {  	s0 =	rddreg [dreg:$0x15];
	[sflag:s20] =	ssyncadd.s32 $0xFFFF8000  }
0x1a9: {  	[hbm4b:s0+s2] =	stream.linear.scatter [tilespmem:s17], [sflag:$0x6], $0x8000, $0x38;
	[tilespmem:$0x18000] =	vst v63  }
0x1aa: {  	_ =	swait.ge [sflag:s6], $0x8000  }
0x1ab: {  	[sflag:s6] =	ssyncset.done $0x0  }
0x1ac: {  	s0 =	rddreg [dreg:$0x16];
	[sflag:s6] =	ssyncadd.s32 $0xFFFF8000  }
0x1ad: {  	[tilespmem:s5], [sflag:$0x2] =	stream.linear.gather [hbm4b:s0+s2], $0x8000, $0x38;
	[tilespmem:$0x18000] =	vst v63  }
0x1ae: {  	_ =	swait.ge [sflag:s10], $0x8000  }
0x1af: {  	[sflag:s10] =	ssyncset.done $0x0  }
0x1b0: {  	s0 =	rddreg [dreg:$0x17];
	[sflag:s10] =	ssyncadd.s32 $0xFFFF8000  }
0x1b1: {  	[hbm4b:s0+s2] =	stream.linear.scatter [tilespmem:s2], [sflag:$0x4], $0x8000, $0x38;
	[tilespmem:$0x18000] =	vst v63  }
0x1b2: {  	_ =	swait.ge [sflag:s12], $0x8000  }
0x1b3: {  	[sflag:s12] =	ssyncset.done $0x0  }
0x1b4: {  	s0 =	rddreg [dreg:$0x18];
	[sflag:s12] =	ssyncadd.s32 $0xFFFF8000  }
0x1b5: {  	[tilespmem:s17], [sflag:$0x3] =	stream.linear.gather [hbm4b:s0+s2], $0x8000, $0x38;
	[tilespmem:$0x18000] =	vst v63  }
0x1b6: {  	_ =	swait.ge [sflag:s11], $0x8000  }
0x1b7: {  	[sflag:s11] =	ssyncset.done $0x0  }
0x1b8: {  	s0 =	rddreg [dreg:$0x19];
	[sflag:s11] =	ssyncadd.s32 $0xFFFF8000  }
0x1b9: {  	[hbm4b:s0+s2] =	stream.linear.scatter [tilespmem:s5], [sflag:$0x5], $0x8000, $0x38;
	[tilespmem:$0x18000] =	vst v63  }
0x1ba: {  	_ =	swait.ge [sflag:s7], $0x8000  }
0x1bb: {  	[sflag:s7] =	ssyncset.done $0x0  }
0x1bc: {  	s0 =	rddreg [dreg:$0x1a];
	[sflag:s7] =	ssyncadd.s32 $0xFFFF8000  }
0x1bd: {  	[tilespmem:s2], [sflag:$0x1] =	stream.linear.gather [hbm4b:s0+s2], $0x8000, $0x38;
	[tilespmem:$0x18000] =	vst v63  }
0x1be: {  	_ =	swait.ge [sflag:s20], $0x8000  }
0x1bf: {  	[sflag:s20] =	ssyncset.done $0x0  }
0x1c0: {  	s0 =	rddreg [dreg:$0x1b];
	[sflag:s20] =	ssyncadd.s32 $0xFFFF8000  }
0x1c1: {  	[hbm4b:s0+s2] =	stream.linear.scatter [tilespmem:s17], [sflag:$0x6], $0x8000, $0x38;
	[tilespmem:$0x18000] =	vst v63  }
0x1c2: {  	_ =	swait.ge [sflag:s6], $0x8000  }
0x1c3: {  	[sflag:s6] =	ssyncset.done $0x0  }
0x1c4: {  	s0 =	rddreg [dreg:$0x1c];
	[sflag:s6] =	ssyncadd.s32 $0xFFFF8000  }
0x1c5: {  	[tilespmem:s5], [sflag:$0x2] =	stream.linear.gather [hbm4b:s0+s2], $0x8000, $0x38;
	[tilespmem:$0x18000] =	vst v63  }
0x1c6: {  	_ =	swait.ge [sflag:s10], $0x8000  }
0x1c7: {  	[sflag:s10] =	ssyncset.done $0x0  }
0x1c8: {  	s0 =	rddreg [dreg:$0x1d];
	[sflag:s10] =	ssyncadd.s32 $0xFFFF8000  }
0x1c9: {  	[hbm4b:s0+s2] =	stream.linear.scatter [tilespmem:s2], [sflag:$0x4], $0x8000, $0x38;
	[tilespmem:$0x18000] =	vst v63  }
0x1ca: {  	_ =	swait.ge [sflag:s12], $0x8000  }
0x1cb: {  	[sflag:s12] =	ssyncset.done $0x0  }
0x1cc: {  	s0 =	rddreg [dreg:$0x1e];
	[sflag:s12] =	ssyncadd.s32 $0xFFFF8000  }
0x1cd: {  	[tilespmem:s17], [sflag:$0x3] =	stream.linear.gather [hbm4b:s0+s2], $0x8000, $0x38;
	[tilespmem:$0x18000] =	vst v63  }
0x1ce: {  	_ =	swait.ge [sflag:s11], $0x8000  }
0x1cf: {  	[sflag:s11] =	ssyncset.done $0x0  }
0x1d0: {  	s0 =	rddreg [dreg:$0x1f];
	[sflag:s11] =	ssyncadd.s32 $0xFFFF8000  }
0x1d1: {  	[hbm4b:s0+s2] =	stream.linear.scatter [tilespmem:s5], [sflag:$0x5], $0x8000, $0x38;
	[tilespmem:$0x18000] =	vst v63  }
0x1d2: {  	_ =	swait.ge [sflag:s7], $0x8000  }
0x1d3: {  	s0 =	sld [smem:$0x7EF]  }
0x1d4: {  	[sflag:s7] =	ssyncset.done $0x0  }
0x1d5: {  	[sflag:s7] =	ssyncadd.s32 $0xFFFF8000  }
0x1d6: {  	[tilespmem:s2], [sflag:$0x1] =	stream.linear.gather [hbm4b:s0+s2], $0x8000, $0x38;
	[tilespmem:$0x18000] =	vst v63  }
0x1d7: {  	_ =	swait.ge [sflag:s20], $0x8000  }
0x1d8: {  	s0 =	sld [smem:$0x7F0]  }
0x1d9: {  	[sflag:s20] =	ssyncset.done $0x0  }
0x1da: {  	[sflag:s20] =	ssyncadd.s32 $0xFFFF8000  }
0x1db: {  	[hbm4b:s0+s2] =	stream.linear.scatter [tilespmem:s17], [sflag:$0x6], $0x8000, $0x38;
	[tilespmem:$0x18000] =	vst v63  }
0x1dc: {  	_ =	swait.ge [sflag:s6], $0x8000  }
0x1dd: {  	s0 =	sld [smem:$0x7F1]  }
0x1de: {  	[sflag:s6] =	ssyncset.done $0x0  }
0x1df: {  	[sflag:s6] =	ssyncadd.s32 $0xFFFF8000  }
0x1e0: {  	[tilespmem:s5], [sflag:$0x2] =	stream.linear.gather [hbm4b:s0+s2], $0x8000, $0x38;
	[tilespmem:$0x18000] =	vst v63  }
0x1e1: {  	_ =	swait.ge [sflag:s10], $0x8000  }
0x1e2: {  	s0 =	sld [smem:$0x7F2]  }
0x1e3: {  	[sflag:s10] =	ssyncset.done $0x0  }
0x1e4: {  	[sflag:s10] =	ssyncadd.s32 $0xFFFF8000  }
0x1e5: {  	[hbm4b:s0+s2] =	stream.linear.scatter [tilespmem:s2], [sflag:$0x4], $0x8000, $0x38;
	[tilespmem:$0x18000] =	vst v63  }
0x1e6: {  	_ =	swait.ge [sflag:s12], $0x8000  }
0x1e7: {  	s0 =	sld [smem:$0x7F3]  }
0x1e8: {  	[sflag:s12] =	ssyncset.done $0x0  }
0x1e9: {  	[sflag:s12] =	ssyncadd.s32 $0xFFFF8000  }
0x1ea: {  	[tilespmem:s17], [sflag:$0x3] =	stream.linear.gather [hbm4b:s0+s2], $0x8000, $0x38;
	[tilespmem:$0x18000] =	vst v63  }
0x1eb: {  	_ =	swait.ge [sflag:s11], $0x8000  }
0x1ec: {  	s0 =	sld [smem:$0x7F4]  }
0x1ed: {  	[sflag:s11] =	ssyncset.done $0x0  }
0x1ee: {  	[sflag:s11] =	ssyncadd.s32 $0xFFFF8000  }
0x1ef: {  	[hbm4b:s0+s2] =	stream.linear.scatter [tilespmem:s5], [sflag:$0x5], $0x8000, $0x38;
	[tilespmem:$0x18000] =	vst v63  }
0x1f0: {  	_ =	swait.ge [sflag:s7], $0x8000  }
0x1f1: {  	s0 =	sld [smem:$0x7F5]  }
0x1f2: {  	[sflag:s7] =	ssyncset.done $0x0  }
0x1f3: {  	[sflag:s7] =	ssyncadd.s32 $0xFFFF8000  }
0x1f4: {  	[tilespmem:s2], [sflag:$0x1] =	stream.linear.gather [hbm4b:s0+s2], $0x8000, $0x38;
	[tilespmem:$0x18000] =	vst v63  }
0x1f5: {  	_ =	swait.ge [sflag:s20], $0x8000  }
0x1f6: {  	s0 =	sld [smem:$0x7F6]  }
0x1f7: {  	[sflag:s20] =	ssyncset.done $0x0  }
0x1f8: {  	[sflag:s20] =	ssyncadd.s32 $0xFFFF8000  }
0x1f9: {  	[hbm4b:s0+s2] =	stream.linear.scatter [tilespmem:s17], [sflag:$0x6], $0x8000, $0x38;
	[tilespmem:$0x18000] =	vst v63  }
0x1fa: {  	_ =	swait.ge [sflag:s6], $0x8000  }
0x1fb: {  	s0 =	sld [smem:$0x7F7]  }
0x1fc: {  	[sflag:s6] =	ssyncset.done $0x0  }
0x1fd: {  	[sflag:s6] =	ssyncadd.s32 $0xFFFF8000  }
0x1fe: {  	[tilespmem:s5], [sflag:$0x2] =	stream.linear.gather [hbm4b:s0+s2], $0x8000, $0x38;
	[tilespmem:$0x18000] =	vst v63  }
0x1ff: {  	_ =	swait.ge [sflag:s10], $0x8000  }
0x200: {  	s0 =	sld [smem:$0x7F8]  }
0x201: {  	[sflag:s10] =	ssyncset.done $0x0  }
0x202: {  	[sflag:s10] =	ssyncadd.s32 $0xFFFF8000  }
0x203: {  	[hbm4b:s0+s2] =	stream.linear.scatter [tilespmem:s2], [sflag:$0x4], $0x8000, $0x38;
	[tilespmem:$0x18000] =	vst v63  }
0x204: {  	_ =	swait.ge [sflag:s12], $0x8000  }
0x205: {  	s0 =	sld [smem:$0x7F9]  }
0x206: {  	[sflag:s12] =	ssyncset.done $0x0  }
0x207: {  	[sflag:s12] =	ssyncadd.s32 $0xFFFF8000  }
0x208: {  	[tilespmem:s17], [sflag:$0x3] =	stream.linear.gather [hbm4b:s0+s2], $0x8000, $0x38;
	[tilespmem:$0x18000] =	vst v63  }
0x209: {  	_ =	swait.ge [sflag:s11], $0x8000  }
0x20a: {  	s0 =	sld [smem:$0x7FA]  }
0x20b: {  	[sflag:s11] =	ssyncset.done $0x0  }
0x20c: {  	[sflag:s11] =	ssyncadd.s32 $0xFFFF8000  }
0x20d: {  	[hbm4b:s0+s2] =	stream.linear.scatter [tilespmem:s5], [sflag:$0x5], $0x8000, $0x38;
	[tilespmem:$0x18000] =	vst v63  }
0x20e: {  	_ =	swait.ge [sflag:s7], $0x8000  }
0x20f: {  	s0 =	sld [smem:$0x7FB]  }
0x210: {  	[sflag:s7] =	ssyncset.done $0x0  }
0x211: {  	[sflag:s7] =	ssyncadd.s32 $0xFFFF8000  }
0x212: {  	[tilespmem:s2], [sflag:$0x1] =	stream.linear.gather [hbm4b:s0+s2], $0x8000, $0x38;
	[tilespmem:$0x18000] =	vst v63  }
0x213: {  	_ =	swait.ge [sflag:s20], $0x8000  }
0x214: {  	s0 =	sld [smem:$0x7FC]  }
0x215: {  	[sflag:s20] =	ssyncset.done $0x0  }
0x216: {  	[sflag:s20] =	ssyncadd.s32 $0xFFFF8000  }
0x217: {  	[hbm4b:s0+s2] =	stream.linear.scatter [tilespmem:s17], [sflag:$0x6], $0x8000, $0x38;
	[tilespmem:$0x18000] =	vst v63  }
0x218: {  	_ =	swait.ge [sflag:s6], $0x8000  }
0x219: {  	s0 =	sld [smem:$0x7FD]  }
0x21a: {  	[sflag:s6] =	ssyncset.done $0x0  }
0x21b: {  	[sflag:s6] =	ssyncadd.s32 $0xFFFF8000  }
0x21c: {  	[tilespmem:s5], [sflag:$0x2] =	stream.linear.gather [hbm4b:s0+s2], $0x8000, $0x38;
	[tilespmem:$0x18000] =	vst v63  }
0x21d: {  	_ =	swait.ge [sflag:s10], $0x8000  }
0x21e: {  	[sflag:s10] =	ssyncset.done $0x0  }
0x21f: {  	[sflag:s10] =	ssyncadd.s32 $0xFFFF8000  }
0x220: {  	[hbm4b:s31+s2] =	stream.linear.scatter [tilespmem:s2], [sflag:$0x4], $0x8000, $0x38;
	[tilespmem:$0x18000] =	vst v63  }
0x221: {  	_ =	swait.ge [sflag:s12], $0x8000  }
0x222: {  	[sflag:s12] =	ssyncset.done $0x0  }
0x223: {  	[sflag:s12] =	ssyncadd.s32 $0xFFFF8000  }
0x224: {  	[tilespmem:s17], [sflag:$0x3] =	stream.linear.gather [hbm4b:s30+s2], $0x8000, $0x38;
	[tilespmem:$0x18000] =	vst v63  }
0x225: {  	_ =	swait.ge [sflag:s11], $0x8000  }
0x226: {  	[sflag:s11] =	ssyncset.done $0x0  }
0x227: {  	[sflag:s11] =	ssyncadd.s32 $0xFFFF8000  }
0x228: {  	[hbm4b:s29+s2] =	stream.linear.scatter [tilespmem:s5], [sflag:$0x5], $0x8000, $0x38;
	[tilespmem:$0x18000] =	vst v63  }
0x229: {  	_ =	swait.ge [sflag:s7], $0x8000  }
0x22a: {  	[sflag:s7] =	ssyncset.done $0x0  }
0x22b: {  	[sflag:s7] =	ssyncadd.s32 $0xFFFF8000  }
0x22c: {  	[tilespmem:s2], [sflag:$0x1] =	stream.linear.gather [hbm4b:s28+s2], $0x8000, $0x38;
	[tilespmem:$0x18000] =	vst v63  }
0x22d: {  	_ =	swait.ge [sflag:s20], $0x8000  }
0x22e: {  	[sflag:s20] =	ssyncset.done $0x0  }
0x22f: {  	[sflag:s20] =	ssyncadd.s32 $0xFFFF8000  }
0x230: {  	[hbm4b:s26+s2] =	stream.linear.scatter [tilespmem:s17], [sflag:$0x6], $0x8000, $0x38;
	[tilespmem:$0x18000] =	vst v63  }
0x231: {  	_ =	swait.ge [sflag:s6], $0x8000  }
0x232: {  	[sflag:s6] =	ssyncset.done $0x0  }
0x233: {  	[sflag:s6] =	ssyncadd.s32 $0xFFFF8000  }
0x234: {  	[tilespmem:s5], [sflag:$0x2] =	stream.linear.gather [hbm4b:s25+s2], $0x8000, $0x38;
	[tilespmem:$0x18000] =	vst v63  }
0x235: {  	_ =	swait.ge [sflag:s10], $0x8000  }
0x236: {  	[sflag:s10] =	ssyncset.done $0x0  }
0x237: {  	[sflag:s10] =	ssyncadd.s32 $0xFFFF8000  }
0x238: {  	[hbm4b:s24+s2] =	stream.linear.scatter [tilespmem:s2], [sflag:$0x4], $0x8000, $0x38;
	[tilespmem:$0x18000] =	vst v63  }
0x239: {  	_ =	swait.ge [sflag:s12], $0x8000  }
0x23a: {  	[sflag:s12] =	ssyncset.done $0x0  }
0x23b: {  	[sflag:s12] =	ssyncadd.s32 $0xFFFF8000  }
0x23c: {  	[tilespmem:s17], [sflag:$0x3] =	stream.linear.gather [hbm4b:s23+s2], $0x8000, $0x38;
	[tilespmem:$0x18000] =	vst v63  }
0x23d: {  	_ =	swait.ge [sflag:s11], $0x8000  }
0x23e: {  	[sflag:s11] =	ssyncset.done $0x0  }
0x23f: {  	[sflag:s11] =	ssyncadd.s32 $0xFFFF8000  }
0x240: {  	[hbm4b:s22+s2] =	stream.linear.scatter [tilespmem:s5], [sflag:$0x5], $0x8000, $0x38;
	[tilespmem:$0x18000] =	vst v63  }
0x241: {  	_ =	swait.ge [sflag:s7], $0x8000  }
0x242: {  	[sflag:s7] =	ssyncset.done $0x0  }
0x243: {  	[sflag:s7] =	ssyncadd.s32 $0xFFFF8000  }
0x244: {  	[tilespmem:s2], [sflag:$0x1] =	stream.linear.gather [hbm4b:s21+s2], $0x8000, $0x38;
	[tilespmem:$0x18000] =	vst v63  }
0x245: {  	_ =	swait.ge [sflag:s20], $0x8000  }
0x246: {  	[sflag:s20] =	ssyncset.done $0x0  }
0x247: {  	[sflag:s20] =	ssyncadd.s32 $0xFFFF8000  }
0x248: {  	[hbm4b:s19+s2] =	stream.linear.scatter [tilespmem:s17], [sflag:$0x6], $0x8000, $0x38;
	[tilespmem:$0x18000] =	vst v63  }
0x249: {  	_ =	swait.ge [sflag:s6], $0x8000  }
0x24a: {  	[sflag:s6] =	ssyncset.done $0x0  }
0x24b: {  	[sflag:s6] =	ssyncadd.s32 $0xFFFF8000  }
0x24c: {  	[tilespmem:s5], [sflag:$0x2] =	stream.linear.gather [hbm4b:s18+s2], $0x8000, $0x38;
	[tilespmem:$0x18000] =	vst v63  }
0x24d: {  	_ =	swait.ge [sflag:s10], $0x8000  }
0x24e: {  	[sflag:s10] =	ssyncset.done $0x0  }
0x24f: {  	[sflag:s10] =	ssyncadd.s32 $0xFFFF8000  }
0x250: {  	[hbm4b:s16+s2] =	stream.linear.scatter [tilespmem:s2], [sflag:$0x4], $0x8000, $0x38;
	[tilespmem:$0x18000] =	vst v63  }
0x251: {  	_ =	swait.ge [sflag:s12], $0x8000  }
0x252: {  	[sflag:s12] =	ssyncset.done $0x0  }
0x253: {  	[sflag:s12] =	ssyncadd.s32 $0xFFFF8000  }
0x254: {  	[tilespmem:s17], [sflag:$0x3] =	stream.linear.gather [hbm4b:s15+s2], $0x8000, $0x38;
	[tilespmem:$0x18000] =	vst v63  }
0x255: {  	_ =	swait.ge [sflag:s11], $0x8000  }
0x256: {  	[sflag:s11] =	ssyncset.done $0x0  }
0x257: {  	[sflag:s11] =	ssyncadd.s32 $0xFFFF8000  }
0x258: {  	[hbm4b:s14+s2] =	stream.linear.scatter [tilespmem:s5], [sflag:$0x5], $0x8000, $0x38;
	[tilespmem:$0x18000] =	vst v63  }
0x259: {  	_ =	swait.ge [sflag:s7], $0x8000  }
0x25a: {  	[sflag:s7] =	ssyncset.done $0x0  }
0x25b: {  	[sflag:s7] =	ssyncadd.s32 $0xFFFF8000  }
0x25c: {  	[tilespmem:s2], [sflag:$0x1] =	stream.linear.gather [hbm4b:s13+s2], $0x8000, $0x38;
	[tilespmem:$0x18000] =	vst v63  }
0x25d: {  	_ =	swait.ge [sflag:s20], $0x8000  }
0x25e: {  	[sflag:s20] =	ssyncset.done $0x0  }
0x25f: {  	[sflag:s20] =	ssyncadd.s32 $0xFFFF8000  }
0x260: {  	[hbm4b:s9+s2] =	stream.linear.scatter [tilespmem:s17], [sflag:$0x6], $0x8000, $0x38;
	[tilespmem:$0x18000] =	vst v63  }
0x261: {  	_ =	swait.ge [sflag:s6], $0x8000  }
0x262: {  	[sflag:s6] =	ssyncset.done $0x0  }
0x263: {  	[sflag:s6] =	ssyncadd.s32 $0xFFFF8000  }
0x264: {  	[tilespmem:s5], [sflag:$0x2] =	stream.linear.gather [hbm4b:s8+s2], $0x8000, $0x38;
	[tilespmem:$0x18000] =	vst v63  }
0x265: {  	_ =	swait.ge [sflag:s10], $0x8000  }
0x266: {  	[sflag:s10] =	ssyncset.done $0x0  }
0x267: {  	[sflag:s10] =	ssyncadd.s32 $0xFFFF8000  }
0x268: {  	[hbm4b:s4+s2] =	stream.linear.scatter [tilespmem:s2], [sflag:$0x4], $0x8000, $0x38;
	[tilespmem:$0x18000] =	vst v63  }
0x269: {  	_ =	swait.ge [sflag:s11], $0x8000  }
0x26a: {  	[sflag:s11] =	ssyncset.done $0x0  }
0x26b: {  	[sflag:s11] =	ssyncadd.s32 $0xFFFF8000  }
0x26c: {  	[hbm4b:s3+s2] =	stream.linear.scatter [tilespmem:s5], [sflag:$0x5], $0x8000, $0x38;
	[tilespmem:$0x18000] =	vst v63  }
0x26d: {  	_ =	swait.ge [sflag:s12], $0x8000  }
0x26e: {  	s1 =	sadd.s32 $0xFFFFFFFF, s1;
	[sflag:s12] =	ssyncset.done $0x0  }
0x26f: {  	p2 =	sne.s32 s1, $0x0;
	[sflag:s12] =	ssyncadd.s32 $0xFFFF8000  }
.Ltmp2:
0x270: {  	_ =	swait.ge [sflag:s7], $0x8000;
	(pc) =	sbr.rel @p2 .LBB2_2-.Ltmp2, $4  }
0x271: {  	[sflag:s7] =	ssyncset.done $0x0  }
0x272: {  	[sflag:s7] =	ssyncadd.s32 $0xFFFF8000  }
0x273: {  	_ =	swait.ge [sflag:s6], $0x8000  }
0x274: {  	s0 =	rddreg [dreg:$0x3];
	[sflag:s6] =	ssyncset.done $0x0  }
.LBB2_3:
0x275: {  	[sflag:s6] =	ssyncadd.s32 @p1 $0xFFFF8000  }
0x276: {  	[tilespmem:s2], [sflag:$0x1] =	stream.linear.gather [hbm4b:s0+s2], $0x8000, $0x38;
	[tilespmem:$0x18000] =	vst v63  }
0x277: {  	s1 =	rddreg [dreg:$0x4]  }
0x278: {  	[tilespmem:s5], [sflag:$0x2] =	stream.linear.gather [hbm4b:s1+s2], $0x8000, $0x38;
	[tilespmem:$0x18000] =	vst v63  }
0x279: {  	_ =	swait.ge [sflag:s10], $0x8000  }
0x27a: {  	[sflag:s10] =	ssyncset.done $0x0  }
0x27b: {  	[sflag:s10] =	ssyncadd.s32 $0xFFFF8000  }
0x27c: {  	v0 =	vld @!p0 [tilespmem:$0x0];
	_ =	sdelay $0x2  }
0x27d: {  	v1 =	vlaneseq.u32 @!p0  }
0x27e: {  	vm0 =	veq.s32 @!p0 v1, $0x0  }
0x27f: {  	v0 =	vsel @!p0 vm0, $0x0, v0  }
0x280: {  	s0 =	rddreg [dreg:$0x5];
	[tilespmem:$0x0] =	vst @!p0 v0  }
0x281: {  	[hbm4b:s0+s2] =	stream.linear.scatter [tilespmem:s2], [sflag:$0x4], $0x8000, $0x38;
	[tilespmem:$0x18000] =	vst v63  }
0x282: {  	s1 =	rddreg [dreg:$0x6]  }
0x283: {  	[tilespmem:s17], [sflag:$0x3] =	stream.linear.gather [hbm4b:s1+s2], $0x8000, $0x38;
	[tilespmem:$0x18000] =	vst v63  }
0x284: {  	_ =	swait.ge [sflag:s11], $0x8000  }
0x285: {  	[sflag:s11] =	ssyncset.done $0x0  }
0x286: {  	s1 =	rddreg [dreg:$0x7];
	[sflag:s11] =	ssyncadd.s32 $0xFFFF8000  }
0x287: {  	[hbm4b:s1+s2] =	stream.linear.scatter [tilespmem:s5], [sflag:$0x5], $0x8000, $0x38;
	[tilespmem:$0x18000] =	vst v63  }
0x288: {  	_ =	swait.ge [sflag:s7], $0x8000  }
0x289: {  	[sflag:s7] =	ssyncset.done $0x0  }
0x28a: {  	s1 =	rddreg [dreg:$0x8];
	[sflag:s7] =	ssyncadd.s32 $0xFFFF8000  }
0x28b: {  	[tilespmem:s2], [sflag:$0x1] =	stream.linear.gather [hbm4b:s1+s2], $0x8000, $0x38;
	[tilespmem:$0x18000] =	vst v63  }
0x28c: {  	_ =	swait.ge [sflag:s20], $0x8000  }
0x28d: {  	[sflag:s20] =	ssyncset.done $0x0  }
0x28e: {  	s1 =	rddreg [dreg:$0x9];
	[sflag:s20] =	ssyncadd.s32 $0xFFFF8000  }
0x28f: {  	[hbm4b:s1+s2] =	stream.linear.scatter [tilespmem:s17], [sflag:$0x6], $0x8000, $0x38;
	[tilespmem:$0x18000] =	vst v63  }
0x290: {  	_ =	swait.ge [sflag:s6], $0x8000  }
0x291: {  	[sflag:s6] =	ssyncset.done $0x0  }
0x292: {  	s1 =	rddreg [dreg:$0xa];
	[sflag:s6] =	ssyncadd.s32 $0xFFFF8000  }
0x293: {  	[tilespmem:s5], [sflag:$0x2] =	stream.linear.gather [hbm4b:s1+s2], $0x8000, $0x38;
	[tilespmem:$0x18000] =	vst v63  }
0x294: {  	_ =	swait.ge [sflag:s10], $0x8000  }
0x295: {  	[sflag:s10] =	ssyncset.done $0x0  }
0x296: {  	s1 =	rddreg [dreg:$0xb];
	[sflag:s10] =	ssyncadd.s32 $0xFFFF8000  }
0x297: {  	[hbm4b:s1+s2] =	stream.linear.scatter [tilespmem:s2], [sflag:$0x4], $0x8000, $0x38;
	[tilespmem:$0x18000] =	vst v63  }
0x298: {  	_ =	swait.ge [sflag:s12], $0x8000  }
0x299: {  	[sflag:s12] =	ssyncset.done $0x0  }
0x29a: {  	s1 =	rddreg [dreg:$0xc];
	[sflag:s12] =	ssyncadd.s32 $0xFFFF8000  }
0x29b: {  	[tilespmem:s17], [sflag:$0x3] =	stream.linear.gather [hbm4b:s1+s2], $0x8000, $0x38;
	[tilespmem:$0x18000] =	vst v63  }
0x29c: {  	_ =	swait.ge [sflag:s11], $0x8000  }
0x29d: {  	[sflag:s11] =	ssyncset.done $0x0  }
0x29e: {  	s1 =	rddreg [dreg:$0xd];
	[sflag:s11] =	ssyncadd.s32 $0xFFFF8000  }
0x29f: {  	[hbm4b:s1+s2] =	stream.linear.scatter [tilespmem:s5], [sflag:$0x5], $0x8000, $0x38;
	[tilespmem:$0x18000] =	vst v63  }
0x2a0: {  	_ =	swait.ge [sflag:s7], $0x8000  }
0x2a1: {  	[sflag:s7] =	ssyncset.done $0x0  }
0x2a2: {  	s1 =	rddreg [dreg:$0xe];
	[sflag:s7] =	ssyncadd.s32 $0xFFFF8000  }
0x2a3: {  	[tilespmem:s2], [sflag:$0x1] =	stream.linear.gather [hbm4b:s1+s2], $0x8000, $0x38;
	[tilespmem:$0x18000] =	vst v63  }
0x2a4: {  	_ =	swait.ge [sflag:s20], $0x8000  }
0x2a5: {  	[sflag:s20] =	ssyncset.done $0x0  }
0x2a6: {  	s1 =	rddreg [dreg:$0xf];
	[sflag:s20] =	ssyncadd.s32 $0xFFFF8000  }
0x2a7: {  	[hbm4b:s1+s2] =	stream.linear.scatter [tilespmem:s17], [sflag:$0x6], $0x8000, $0x38;
	[tilespmem:$0x18000] =	vst v63  }
0x2a8: {  	_ =	swait.ge [sflag:s6], $0x8000  }
0x2a9: {  	[sflag:s6] =	ssyncset.done $0x0  }
0x2aa: {  	s1 =	rddreg [dreg:$0x10];
	[sflag:s6] =	ssyncadd.s32 $0xFFFF8000  }
0x2ab: {  	[tilespmem:s5], [sflag:$0x2] =	stream.linear.gather [hbm4b:s1+s2], $0x8000, $0x38;
	[tilespmem:$0x18000] =	vst v63  }
0x2ac: {  	_ =	swait.ge [sflag:s10], $0x8000  }
0x2ad: {  	[sflag:s10] =	ssyncset.done $0x0  }
0x2ae: {  	s1 =	rddreg [dreg:$0x11];
	[sflag:s10] =	ssyncadd.s32 $0xFFFF8000  }
0x2af: {  	[hbm4b:s1+s2] =	stream.linear.scatter [tilespmem:s2], [sflag:$0x4], $0x8000, $0x38;
	[tilespmem:$0x18000] =	vst v63  }
0x2b0: {  	_ =	swait.ge [sflag:s12], $0x8000  }
0x2b1: {  	[sflag:s12] =	ssyncset.done $0x0  }
0x2b2: {  	s1 =	rddreg [dreg:$0x12];
	[sflag:s12] =	ssyncadd.s32 $0xFFFF8000  }
0x2b3: {  	[tilespmem:s17], [sflag:$0x3] =	stream.linear.gather [hbm4b:s1+s2], $0x8000, $0x38;
	[tilespmem:$0x18000] =	vst v63  }
0x2b4: {  	_ =	swait.ge [sflag:s11], $0x8000  }
0x2b5: {  	[sflag:s11] =	ssyncset.done $0x0  }
0x2b6: {  	s1 =	rddreg [dreg:$0x13];
	[sflag:s11] =	ssyncadd.s32 $0xFFFF8000  }
0x2b7: {  	[hbm4b:s1+s2] =	stream.linear.scatter [tilespmem:s5], [sflag:$0x5], $0x8000, $0x38;
	[tilespmem:$0x18000] =	vst v63  }
0x2b8: {  	_ =	swait.ge [sflag:s7], $0x8000  }
0x2b9: {  	[sflag:s7] =	ssyncset.done $0x0  }
0x2ba: {  	s1 =	rddreg [dreg:$0x14];
	[sflag:s7] =	ssyncadd.s32 $0xFFFF8000  }
0x2bb: {  	[tilespmem:s2], [sflag:$0x1] =	stream.linear.gather [hbm4b:s1+s2], $0x8000, $0x38;
	[tilespmem:$0x18000] =	vst v63  }
0x2bc: {  	_ =	swait.ge [sflag:s20], $0x8000  }
0x2bd: {  	[sflag:s20] =	ssyncset.done $0x0  }
0x2be: {  	s1 =	rddreg [dreg:$0x15];
	[sflag:s20] =	ssyncadd.s32 $0xFFFF8000  }
0x2bf: {  	[hbm4b:s1+s2] =	stream.linear.scatter [tilespmem:s17], [sflag:$0x6], $0x8000, $0x38;
	[tilespmem:$0x18000] =	vst v63  }
0x2c0: {  	_ =	swait.ge [sflag:s6], $0x8000  }
0x2c1: {  	[sflag:s6] =	ssyncset.done $0x0  }
0x2c2: {  	s1 =	rddreg [dreg:$0x16];
	[sflag:s6] =	ssyncadd.s32 $0xFFFF8000  }
0x2c3: {  	[tilespmem:s5], [sflag:$0x2] =	stream.linear.gather [hbm4b:s1+s2], $0x8000, $0x38;
	[tilespmem:$0x18000] =	vst v63  }
0x2c4: {  	_ =	swait.ge [sflag:s10], $0x8000  }
0x2c5: {  	[sflag:s10] =	ssyncset.done $0x0  }
0x2c6: {  	s1 =	rddreg [dreg:$0x17];
	[sflag:s10] =	ssyncadd.s32 $0xFFFF8000  }
0x2c7: {  	[hbm4b:s1+s2] =	stream.linear.scatter [tilespmem:s2], [sflag:$0x4], $0x8000, $0x38;
	[tilespmem:$0x18000] =	vst v63  }
0x2c8: {  	_ =	swait.ge [sflag:s12], $0x8000  }
0x2c9: {  	[sflag:s12] =	ssyncset.done $0x0  }
0x2ca: {  	s1 =	rddreg [dreg:$0x18];
	[sflag:s12] =	ssyncadd.s32 $0xFFFF8000  }
0x2cb: {  	[tilespmem:s17], [sflag:$0x3] =	stream.linear.gather [hbm4b:s1+s2], $0x8000, $0x38;
	[tilespmem:$0x18000] =	vst v63  }
0x2cc: {  	_ =	swait.ge [sflag:s11], $0x8000  }
0x2cd: {  	[sflag:s11] =	ssyncset.done $0x0  }
0x2ce: {  	s1 =	rddreg [dreg:$0x19];
	[sflag:s11] =	ssyncadd.s32 $0xFFFF8000  }
0x2cf: {  	[hbm4b:s1+s2] =	stream.linear.scatter [tilespmem:s5], [sflag:$0x5], $0x8000, $0x38;
	[tilespmem:$0x18000] =	vst v63  }
0x2d0: {  	_ =	swait.ge [sflag:s7], $0x8000  }
0x2d1: {  	[sflag:s7] =	ssyncset.done $0x0  }
0x2d2: {  	s1 =	rddreg [dreg:$0x1a];
	[sflag:s7] =	ssyncadd.s32 $0xFFFF8000  }
0x2d3: {  	[tilespmem:s2], [sflag:$0x1] =	stream.linear.gather [hbm4b:s1+s2], $0x8000, $0x38;
	[tilespmem:$0x18000] =	vst v63  }
0x2d4: {  	_ =	swait.ge [sflag:s20], $0x8000  }
0x2d5: {  	[sflag:s20] =	ssyncset.done $0x0  }
0x2d6: {  	s1 =	rddreg [dreg:$0x1b];
	[sflag:s20] =	ssyncadd.s32 $0xFFFF8000  }
0x2d7: {  	[hbm4b:s1+s2] =	stream.linear.scatter [tilespmem:s17], [sflag:$0x6], $0x8000, $0x38;
	[tilespmem:$0x18000] =	vst v63  }
0x2d8: {  	_ =	swait.ge [sflag:s6], $0x8000  }
0x2d9: {  	[sflag:s6] =	ssyncset.done $0x0  }
0x2da: {  	s1 =	rddreg [dreg:$0x1c];
	[sflag:s6] =	ssyncadd.s32 $0xFFFF8000  }
0x2db: {  	[tilespmem:s5], [sflag:$0x2] =	stream.linear.gather [hbm4b:s1+s2], $0x8000, $0x38;
	[tilespmem:$0x18000] =	vst v63  }
0x2dc: {  	_ =	swait.ge [sflag:s10], $0x8000  }
0x2dd: {  	[sflag:s10] =	ssyncset.done $0x0  }
0x2de: {  	s1 =	rddreg [dreg:$0x1d];
	[sflag:s10] =	ssyncadd.s32 $0xFFFF8000  }
0x2df: {  	[hbm4b:s1+s2] =	stream.linear.scatter [tilespmem:s2], [sflag:$0x4], $0x8000, $0x38;
	[tilespmem:$0x18000] =	vst v63  }
0x2e0: {  	_ =	swait.ge [sflag:s12], $0x8000  }
0x2e1: {  	[sflag:s12] =	ssyncset.done $0x0  }
0x2e2: {  	s1 =	rddreg [dreg:$0x1e];
	[sflag:s12] =	ssyncadd.s32 $0xFFFF8000  }
0x2e3: {  	[tilespmem:s17], [sflag:$0x3] =	stream.linear.gather [hbm4b:s1+s2], $0x8000, $0x38;
	[tilespmem:$0x18000] =	vst v63  }
0x2e4: {  	_ =	swait.ge [sflag:s11], $0x8000  }
0x2e5: {  	[sflag:s11] =	ssyncset.done $0x0  }
0x2e6: {  	s1 =	rddreg [dreg:$0x1f];
	[sflag:s11] =	ssyncadd.s32 $0xFFFF8000  }
0x2e7: {  	[hbm4b:s1+s2] =	stream.linear.scatter [tilespmem:s5], [sflag:$0x5], $0x8000, $0x38;
	[tilespmem:$0x18000] =	vst v63  }
0x2e8: {  	_ =	swait.ge [sflag:s7], $0x8000  }
0x2e9: {  	s1 =	sld [smem:$0x7EF]  }
0x2ea: {  	[sflag:s7] =	ssyncset.done $0x0  }
0x2eb: {  	[sflag:s7] =	ssyncadd.s32 $0xFFFF8000  }
0x2ec: {  	[tilespmem:s2], [sflag:$0x1] =	stream.linear.gather [hbm4b:s1+s2], $0x8000, $0x38;
	[tilespmem:$0x18000] =	vst v63  }
0x2ed: {  	_ =	swait.ge [sflag:s20], $0x8000  }
0x2ee: {  	s1 =	sld [smem:$0x7F0]  }
0x2ef: {  	[sflag:s20] =	ssyncset.done $0x0  }
0x2f0: {  	[sflag:s20] =	ssyncadd.s32 $0xFFFF8000  }
0x2f1: {  	[hbm4b:s1+s2] =	stream.linear.scatter [tilespmem:s17], [sflag:$0x6], $0x8000, $0x38;
	[tilespmem:$0x18000] =	vst v63  }
0x2f2: {  	_ =	swait.ge [sflag:s6], $0x8000  }
0x2f3: {  	s1 =	sld [smem:$0x7F1]  }
0x2f4: {  	[sflag:s6] =	ssyncset.done $0x0  }
0x2f5: {  	[sflag:s6] =	ssyncadd.s32 $0xFFFF8000  }
0x2f6: {  	[tilespmem:s5], [sflag:$0x2] =	stream.linear.gather [hbm4b:s1+s2], $0x8000, $0x38;
	[tilespmem:$0x18000] =	vst v63  }
0x2f7: {  	_ =	swait.ge [sflag:s10], $0x8000  }
0x2f8: {  	s1 =	sld [smem:$0x7F2]  }
0x2f9: {  	[sflag:s10] =	ssyncset.done $0x0  }
0x2fa: {  	[sflag:s10] =	ssyncadd.s32 $0xFFFF8000  }
0x2fb: {  	[hbm4b:s1+s2] =	stream.linear.scatter [tilespmem:s2], [sflag:$0x4], $0x8000, $0x38;
	[tilespmem:$0x18000] =	vst v63  }
0x2fc: {  	_ =	swait.ge [sflag:s12], $0x8000  }
0x2fd: {  	s1 =	sld [smem:$0x7F3]  }
0x2fe: {  	[sflag:s12] =	ssyncset.done $0x0  }
0x2ff: {  	[sflag:s12] =	ssyncadd.s32 $0xFFFF8000  }
0x300: {  	[tilespmem:s17], [sflag:$0x3] =	stream.linear.gather [hbm4b:s1+s2], $0x8000, $0x38;
	[tilespmem:$0x18000] =	vst v63  }
0x301: {  	_ =	swait.ge [sflag:s11], $0x8000  }
0x302: {  	s1 =	sld [smem:$0x7F4]  }
0x303: {  	[sflag:s11] =	ssyncset.done $0x0  }
0x304: {  	[sflag:s11] =	ssyncadd.s32 $0xFFFF8000  }
0x305: {  	[hbm4b:s1+s2] =	stream.linear.scatter [tilespmem:s5], [sflag:$0x5], $0x8000, $0x38;
	[tilespmem:$0x18000] =	vst v63  }
0x306: {  	_ =	swait.ge [sflag:s7], $0x8000  }
0x307: {  	s1 =	sld [smem:$0x7F5]  }
0x308: {  	[sflag:s7] =	ssyncset.done $0x0  }
0x309: {  	[sflag:s7] =	ssyncadd.s32 $0xFFFF8000  }
0x30a: {  	[tilespmem:s2], [sflag:$0x1] =	stream.linear.gather [hbm4b:s1+s2], $0x8000, $0x38;
	[tilespmem:$0x18000] =	vst v63  }
0x30b: {  	_ =	swait.ge [sflag:s20], $0x8000  }
0x30c: {  	s1 =	sld [smem:$0x7F6]  }
0x30d: {  	[sflag:s20] =	ssyncset.done $0x0  }
0x30e: {  	[sflag:s20] =	ssyncadd.s32 $0xFFFF8000  }
0x30f: {  	[hbm4b:s1+s2] =	stream.linear.scatter [tilespmem:s17], [sflag:$0x6], $0x8000, $0x38;
	[tilespmem:$0x18000] =	vst v63  }
0x310: {  	_ =	swait.ge [sflag:s6], $0x8000  }
0x311: {  	s1 =	sld [smem:$0x7F7]  }
0x312: {  	[sflag:s6] =	ssyncset.done $0x0  }
0x313: {  	[sflag:s6] =	ssyncadd.s32 $0xFFFF8000  }
0x314: {  	[tilespmem:s5], [sflag:$0x2] =	stream.linear.gather [hbm4b:s1+s2], $0x8000, $0x38;
	[tilespmem:$0x18000] =	vst v63  }
0x315: {  	_ =	swait.ge [sflag:s10], $0x8000  }
0x316: {  	s1 =	sld [smem:$0x7F8]  }
0x317: {  	[sflag:s10] =	ssyncset.done $0x0  }
0x318: {  	[sflag:s10] =	ssyncadd.s32 $0xFFFF8000  }
0x319: {  	[hbm4b:s1+s2] =	stream.linear.scatter [tilespmem:s2], [sflag:$0x4], $0x8000, $0x38;
	[tilespmem:$0x18000] =	vst v63  }
0x31a: {  	_ =	swait.ge [sflag:s12], $0x8000  }
0x31b: {  	s1 =	sld [smem:$0x7F9]  }
0x31c: {  	[sflag:s12] =	ssyncset.done $0x0  }
0x31d: {  	[sflag:s12] =	ssyncadd.s32 $0xFFFF8000  }
0x31e: {  	[tilespmem:s17], [sflag:$0x3] =	stream.linear.gather [hbm4b:s1+s2], $0x8000, $0x38;
	[tilespmem:$0x18000] =	vst v63  }
0x31f: {  	_ =	swait.ge [sflag:s11], $0x8000  }
0x320: {  	s1 =	sld [smem:$0x7FA]  }
0x321: {  	[sflag:s11] =	ssyncset.done $0x0  }
0x322: {  	[sflag:s11] =	ssyncadd.s32 $0xFFFF8000  }
0x323: {  	[hbm4b:s1+s2] =	stream.linear.scatter [tilespmem:s5], [sflag:$0x5], $0x8000, $0x38;
	[tilespmem:$0x18000] =	vst v63  }
0x324: {  	_ =	swait.ge [sflag:s7], $0x8000  }
0x325: {  	s1 =	sld [smem:$0x7FB]  }
0x326: {  	[sflag:s7] =	ssyncset.done $0x0  }
0x327: {  	[sflag:s7] =	ssyncadd.s32 $0xFFFF8000  }
0x328: {  	[tilespmem:s2], [sflag:$0x1] =	stream.linear.gather [hbm4b:s1+s2], $0x8000, $0x38;
	[tilespmem:$0x18000] =	vst v63  }
0x329: {  	_ =	swait.ge [sflag:s20], $0x8000  }
0x32a: {  	s1 =	sld [smem:$0x7FC]  }
0x32b: {  	[sflag:s20] =	ssyncset.done $0x0  }
0x32c: {  	[sflag:s20] =	ssyncadd.s32 $0xFFFF8000  }
0x32d: {  	[hbm4b:s1+s2] =	stream.linear.scatter [tilespmem:s17], [sflag:$0x6], $0x8000, $0x38;
	[tilespmem:$0x18000] =	vst v63  }
0x32e: {  	_ =	swait.ge [sflag:s6], $0x8000  }
0x32f: {  	s1 =	sld [smem:$0x7FD]  }
0x330: {  	[sflag:s6] =	ssyncset.done $0x0  }
0x331: {  	[sflag:s6] =	ssyncadd.s32 $0xFFFF8000  }
0x332: {  	[tilespmem:s5], [sflag:$0x2] =	stream.linear.gather [hbm4b:s1+s2], $0x8000, $0x38;
	[tilespmem:$0x18000] =	vst v63  }
0x333: {  	_ =	swait.ge [sflag:s10], $0x8000  }
0x334: {  	[sflag:s10] =	ssyncset.done $0x0  }
0x335: {  	[sflag:s10] =	ssyncadd.s32 $0xFFFF8000  }
0x336: {  	[hbm4b:s31+s2] =	stream.linear.scatter [tilespmem:s2], [sflag:$0x4], $0x8000, $0x38;
	[tilespmem:$0x18000] =	vst v63  }
0x337: {  	_ =	swait.ge [sflag:s12], $0x8000  }
0x338: {  	[sflag:s12] =	ssyncset.done $0x0  }
0x339: {  	[sflag:s12] =	ssyncadd.s32 $0xFFFF8000  }
0x33a: {  	[tilespmem:s17], [sflag:$0x3] =	stream.linear.gather [hbm4b:s30+s2], $0x8000, $0x38;
	[tilespmem:$0x18000] =	vst v63  }
0x33b: {  	_ =	swait.ge [sflag:s11], $0x8000  }
0x33c: {  	[sflag:s11] =	ssyncset.done $0x0  }
0x33d: {  	[sflag:s11] =	ssyncadd.s32 $0xFFFF8000  }
0x33e: {  	[hbm4b:s29+s2] =	stream.linear.scatter [tilespmem:s5], [sflag:$0x5], $0x8000, $0x38;
	[tilespmem:$0x18000] =	vst v63  }
0x33f: {  	_ =	swait.ge [sflag:s7], $0x8000  }
0x340: {  	[sflag:s7] =	ssyncset.done $0x0  }
0x341: {  	[sflag:s7] =	ssyncadd.s32 $0xFFFF8000  }
0x342: {  	[tilespmem:s2], [sflag:$0x1] =	stream.linear.gather [hbm4b:s28+s2], $0x8000, $0x38;
	[tilespmem:$0x18000] =	vst v63  }
0x343: {  	_ =	swait.ge [sflag:s20], $0x8000  }
0x344: {  	[sflag:s20] =	ssyncset.done $0x0  }
0x345: {  	[sflag:s20] =	ssyncadd.s32 $0xFFFF8000  }
0x346: {  	[hbm4b:s26+s2] =	stream.linear.scatter [tilespmem:s17], [sflag:$0x6], $0x8000, $0x38;
	[tilespmem:$0x18000] =	vst v63  }
0x347: {  	_ =	swait.ge [sflag:s6], $0x8000  }
0x348: {  	[sflag:s6] =	ssyncset.done $0x0  }
0x349: {  	[sflag:s6] =	ssyncadd.s32 $0xFFFF8000  }
0x34a: {  	[tilespmem:s5], [sflag:$0x2] =	stream.linear.gather [hbm4b:s25+s2], $0x8000, $0x38;
	[tilespmem:$0x18000] =	vst v63  }
0x34b: {  	_ =	swait.ge [sflag:s10], $0x8000  }
0x34c: {  	[sflag:s10] =	ssyncset.done $0x0  }
0x34d: {  	[sflag:s10] =	ssyncadd.s32 $0xFFFF8000  }
0x34e: {  	[hbm4b:s24+s2] =	stream.linear.scatter [tilespmem:s2], [sflag:$0x4], $0x8000, $0x38;
	[tilespmem:$0x18000] =	vst v63  }
0x34f: {  	_ =	swait.ge [sflag:s12], $0x8000  }
0x350: {  	[sflag:s12] =	ssyncset.done $0x0  }
0x351: {  	[sflag:s12] =	ssyncadd.s32 $0xFFFF8000  }
0x352: {  	[tilespmem:s17], [sflag:$0x3] =	stream.linear.gather [hbm4b:s23+s2], $0x8000, $0x38;
	[tilespmem:$0x18000] =	vst v63  }
0x353: {  	_ =	swait.ge [sflag:s11], $0x8000  }
0x354: {  	[sflag:s11] =	ssyncset.done $0x0  }
0x355: {  	[sflag:s11] =	ssyncadd.s32 $0xFFFF8000  }
0x356: {  	[hbm4b:s22+s2] =	stream.linear.scatter [tilespmem:s5], [sflag:$0x5], $0x8000, $0x38;
	[tilespmem:$0x18000] =	vst v63  }
0x357: {  	_ =	swait.ge [sflag:s7], $0x8000  }
0x358: {  	[sflag:s7] =	ssyncset.done $0x0  }
0x359: {  	[sflag:s7] =	ssyncadd.s32 $0xFFFF8000  }
0x35a: {  	[tilespmem:s2], [sflag:$0x1] =	stream.linear.gather [hbm4b:s21+s2], $0x8000, $0x38;
	[tilespmem:$0x18000] =	vst v63  }
0x35b: {  	_ =	swait.ge [sflag:s20], $0x8000  }
0x35c: {  	[sflag:s20] =	ssyncset.done $0x0  }
0x35d: {  	[sflag:s20] =	ssyncadd.s32 $0xFFFF8000  }
0x35e: {  	[hbm4b:s19+s2] =	stream.linear.scatter [tilespmem:s17], [sflag:$0x6], $0x8000, $0x38;
	[tilespmem:$0x18000] =	vst v63  }
0x35f: {  	_ =	swait.ge [sflag:s6], $0x8000  }
0x360: {  	[sflag:s6] =	ssyncset.done $0x0  }
0x361: {  	[sflag:s6] =	ssyncadd.s32 $0xFFFF8000  }
0x362: {  	[tilespmem:s5], [sflag:$0x2] =	stream.linear.gather [hbm4b:s18+s2], $0x8000, $0x38;
	[tilespmem:$0x18000] =	vst v63  }
0x363: {  	_ =	swait.ge [sflag:s10], $0x8000  }
0x364: {  	[sflag:s10] =	ssyncset.done $0x0  }
0x365: {  	[sflag:s10] =	ssyncadd.s32 $0xFFFF8000  }
0x366: {  	[hbm4b:s16+s2] =	stream.linear.scatter [tilespmem:s2], [sflag:$0x4], $0x8000, $0x38;
	[tilespmem:$0x18000] =	vst v63  }
0x367: {  	_ =	swait.ge [sflag:s12], $0x8000  }
0x368: {  	[sflag:s12] =	ssyncset.done $0x0  }
0x369: {  	[sflag:s12] =	ssyncadd.s32 $0xFFFF8000  }
0x36a: {  	[tilespmem:s17], [sflag:$0x3] =	stream.linear.gather [hbm4b:s15+s2], $0x8000, $0x38;
	[tilespmem:$0x18000] =	vst v63  }
0x36b: {  	_ =	swait.ge [sflag:s11], $0x8000  }
0x36c: {  	[sflag:s11] =	ssyncset.done $0x0  }
0x36d: {  	[sflag:s11] =	ssyncadd.s32 $0xFFFF8000  }
0x36e: {  	[hbm4b:s14+s2] =	stream.linear.scatter [tilespmem:s5], [sflag:$0x5], $0x8000, $0x38;
	[tilespmem:$0x18000] =	vst v63  }
0x36f: {  	_ =	swait.ge [sflag:s7], $0x8000  }
0x370: {  	[sflag:s7] =	ssyncset.done $0x0  }
0x371: {  	[sflag:s7] =	ssyncadd.s32 $0xFFFF8000  }
0x372: {  	[tilespmem:s2], [sflag:$0x1] =	stream.linear.gather [hbm4b:s13+s2], $0x8000, $0x38;
	[tilespmem:$0x18000] =	vst v63  }
0x373: {  	_ =	swait.ge [sflag:s20], $0x8000  }
0x374: {  	[sflag:s20] =	ssyncset.done $0x0  }
0x375: {  	[sflag:s20] =	ssyncadd.s32 $0xFFFF8000  }
0x376: {  	[hbm4b:s9+s2] =	stream.linear.scatter [tilespmem:s17], [sflag:$0x6], $0x8000, $0x38;
	[tilespmem:$0x18000] =	vst v63  }
0x377: {  	_ =	swait.ge [sflag:s6], $0x8000  }
0x378: {  	[sflag:s6] =	ssyncset.done $0x0  }
0x379: {  	[sflag:s6] =	ssyncadd.s32 $0xFFFF8000  }
0x37a: {  	[tilespmem:s5], [sflag:$0x2] =	stream.linear.gather [hbm4b:s8+s2], $0x8000, $0x38;
	[tilespmem:$0x18000] =	vst v63  }
0x37b: {  	_ =	swait.ge [sflag:s10], $0x8000  }
0x37c: {  	[sflag:s10] =	ssyncset.done $0x0  }
0x37d: {  	[sflag:s10] =	ssyncadd.s32 $0xFFFF8000  }
0x37e: {  	[hbm4b:s4+s2] =	stream.linear.scatter [tilespmem:s2], [sflag:$0x4], $0x8000, $0x38;
	[tilespmem:$0x18000] =	vst v63  }
0x37f: {  	_ =	swait.ge [sflag:s11], $0x8000  }
0x380: {  	[sflag:s11] =	ssyncset.done $0x0  }
0x381: {  	[sflag:s11] =	ssyncadd.s32 $0xFFFF8000  }
0x382: {  	[hbm4b:s3+s2] =	stream.linear.scatter [tilespmem:s5], [sflag:$0x5], $0x8000, $0x38;
	[tilespmem:$0x18000] =	vst v63  }
0x383: {  	_ =	swait.ge [sflag:s12], $0x8000  }
0x384: {  	[sflag:s12] =	ssyncset.done $0x0  }
0x385: {  	[sflag:s12] =	ssyncadd.s32 $0xFFFF8000  }
0x386: {  	_ =	swait.ge [sflag:s7], $0x8000  }
0x387: {  	[sflag:s7] =	ssyncset.done $0x0  }
0x388: {  	[sflag:s7] =	ssyncadd.s32 $0xFFFF8000  }
0x389: {  	_ =	swait.ge [sflag:s6], $0x8000  }
0x38a: {  	[sflag:s6] =	ssyncset.done $0x0  }
0x38b: {  	[sflag:s6] =	ssyncadd.s32 $0xFFFF8000  }
0x38c: {  	_ =	sfence.sel $0x180000  }
0x38d: {  	[bflag:$0x0] =	sbarrier.arrive $0xFFFF  }
0x38e: {  	_ =	strace $0x90000047  }
0x38f: {  	s31 =	stileid.u32;
	[bflag:$0x2] =	sbarrier.arrive $0xFFFF  }
0x390: {  	p0 =	sne.s32 s31, $0x0;
	s0 =	rddreg [dreg:$0x2]  }
0x391: {  	s0 =	sadd.s32 @!p0 $0x100000, s0  }
0x392: {  	[sflag:s0] =	ssyncadd.tile.s32 @!p0 $0x1;
	_ =	shalt  }
.Lfunc_end2:
_tile_overlayer_lowered:
.L_overlay_start_2:
0x393: {  	(tag) =	ssettag $0x2  }
0x394: {  	s0 =	rddreg [dreg:$0x0];
	s2 =	stileid.u32  }
0x395: {  	s1 =	rddreg [dreg:$0x1];
	p0 =	sne.s32 s2, $0x0  }
0x396: {  	s3 =	rddreg [dreg:$0x2];
	[bflag:$0x3] =	sbarrier.arrive $0xFFFF;
	s2 =	simm.s32 @!p0 $0x1C07  }
0x397: {  	[timem:s3], [sflag:s2] =	dma.local @!p0 [hbm:s0], s1  }
0x398: {  	s0 =	simm.s32 @!p0 $0x7  }
0x399: {  	_ =	swait.ge @!p0 [sflag:s0], s1  }
0x39a: {  	s1 =	ssub.s32 @!p0 $0x0, s1;
	[sflag:s0] =	ssyncset.done @!p0 $0x0  }
0x39b: {  	[sflag:s0] =	ssyncadd.s32 @!p0 s1  }
0x39c: {  	[bflag:$0x3] =	sbarrier.arrive $0xFFFF  }
0x39d: {  	_ =	shalt  }

</sc_bundles>
